<compile_context>
chip_gen: v7x
topology: tpu7x:2x2x1
jax: 0.10.2.dev20260603
libtpu: 0.0.44.dev20260713+nightly
codegen_flags: <defaults>
</compile_context>

<pallas_src>
import functools

import jax
import jax.numpy as jnp
from jax import lax
from jax.experimental import pallas as pl
from jax.experimental.pallas import tpu as pltpu
from jax.experimental.pallas import tpu_sc as plsc

_N = 10000
_E = 320000
_NC = 2
_NS = 16
_EPW = _E // (_NC * _NS)
_RPT = 624
_TAIL = _N - _NS * _RPT
_CH = 400
_NCHUNK = _EPW // _CH


def _sc_aggregate(h_list, src, dst, zeros):
    n_pass = len(h_list)
    mesh = plsc.VectorSubcoreMesh(core_axis_name="c", subcore_axis_name="s",
                                  num_cores=_NC, num_subcores=_NS)

    @functools.partial(
        pl.kernel,
        out_type=jax.ShapeDtypeStruct((_NC, n_pass, _N, 64), jnp.float32),
        mesh=mesh,
        compiler_params=pltpu.CompilerParams(use_tc_tiling_on_sc=False),
        scratch_types=[
            pltpu.VMEM((_CH,), jnp.int32),
            pltpu.VMEM((_CH,), jnp.int32),
            pltpu.VMEM((_CH, 64), jnp.float32),
            pltpu.VMEM((_CH,), jnp.int32),
            pltpu.VMEM((_CH,), jnp.int32),
            pltpu.VMEM((_CH, 64), jnp.float32),
            pltpu.VMEM_SHARED((_N, 64), jnp.float32),
            pltpu.SemaphoreType.DMA,
            pltpu.SemaphoreType.DMA,
            pltpu.SemaphoreType.DMA,
            pltpu.SemaphoreType.DMA,
        ],
    )
    def agg(*refs):
        h_hbms = refs[:n_pass]
        (src_hbm, dst_hbm, z_hbm, out_hbm,
         srcA, dstA, rowsA, srcB, dstB, rowsB,
         acc, gsemA, gsemB, ssemA, ssemB) = refs[n_pass:]
        c = lax.axis_index("c")
        s = lax.axis_index("s")
        ebase = (c * _NS + s) * _EPW

        def load_idx(off, src_v, dst_v):
            pltpu.sync_copy(src_hbm.at[pl.ds(off, _CH)], src_v)
            pltpu.sync_copy(dst_hbm.at[pl.ds(off, _CH)], dst_v)

        for p in range(n_pass):
            h_hbm = h_hbms[p]

            def gather(src_v, rows_v, gsem):
                pltpu.async_copy(h_hbm.at[src_v], rows_v, gsem)

            def gwait(src_v, rows_v, gsem):
                pltpu.make_async_copy(h_hbm.at[src_v], rows_v, gsem).wait()

            def scat(rows_v, dst_v, ssem):
                pass

            def swait(rows_v, dst_v, ssem):
                pass

            pltpu.sync_copy(z_hbm.at[pl.ds(s * _RPT, _RPT)],
                            acc.at[pl.ds(s * _RPT, _RPT)])

            @pl.when(s == 0)
            def _():
                pltpu.sync_copy(z_hbm.at[pl.ds(_NS * _RPT, _TAIL)],
                                acc.at[pl.ds(_NS * _RPT, _TAIL)])

            plsc.subcore_barrier()

            load_idx(ebase, srcA, dstA)
            gather(srcA, rowsA, gsemA)
            load_idx(ebase + _CH, srcB, dstB)
            gather(srcB, rowsB, gsemB)
            gwait(srcA, rowsA, gsemA)
            scat(rowsA, dstA, ssemA)

            def pair(j, carry):
                i = 2 * j + 1
                gwait(srcB, rowsB, gsemB)
                scat(rowsB, dstB, ssemB)
                swait(rowsA, dstA, ssemA)
                load_idx(ebase + (i + 1) * _CH, srcA, dstA)
                gather(srcA, rowsA, gsemA)
                gwait(srcA, rowsA, gsemA)
                scat(rowsA, dstA, ssemA)
                swait(rowsB, dstB, ssemB)

                @pl.when(i + 2 <= _NCHUNK - 1)
                def _():
                    load_idx(ebase + (i + 2) * _CH, srcB, dstB)
                    gather(srcB, rowsB, gsemB)

                return carry

            lax.fori_loop(0, (_NCHUNK - 1) // 2, pair, 0)
            if _NCHUNK % 2 == 0:
                gwait(srcB, rowsB, gsemB)
                scat(rowsB, dstB, ssemB)
                swait(rowsA, dstA, ssemA)
                swait(rowsB, dstB, ssemB)
            else:
                swait(rowsA, dstA, ssemA)
            plsc.subcore_barrier()
            pltpu.sync_copy(acc.at[pl.ds(s * _RPT, _RPT)],
                            out_hbm.at[c, p, pl.ds(s * _RPT, _RPT)])

            @pl.when(s == 0)
            def _():
                pltpu.sync_copy(acc.at[pl.ds(_NS * _RPT, _TAIL)],
                                out_hbm.at[c, p, pl.ds(_NS * _RPT, _TAIL)])

            if p + 1 < n_pass:
                plsc.subcore_barrier()

    return agg(*h_list, src, dst, zeros)


_BLK = 1000


def _row_specs(n_in, shapes_in, shapes_out):
    in_specs = [pl.BlockSpec((_BLK,) + s[1:], lambda i, *, _nd=len(s): (i,) + (0,) * (_nd - 1))
                for s in shapes_in[:n_in]]
    in_specs += [pl.BlockSpec(s, lambda i, *, _nd=len(s): (0,) * _nd)
                 for s in shapes_in[n_in:]]
    out_specs = [pl.BlockSpec((_BLK,) + s[1:], lambda i, *, _nd=len(s): (i,) + (0,) * (_nd - 1))
                 for s in shapes_out]
    return in_specs, out_specs


def _tc_call(body, row_args, full_args, out_shapes):
    shapes_in = [a.shape for a in row_args] + [a.shape for a in full_args]
    in_specs, out_specs = _row_specs(len(row_args), shapes_in, out_shapes)
    return pl.pallas_call(
        body,
        grid=(_N // _BLK,),
        in_specs=in_specs,
        out_specs=out_specs if len(out_shapes) > 1 else out_specs[0],
        out_shape=[jax.ShapeDtypeStruct(s, jnp.float32) for s in out_shapes]
        if len(out_shapes) > 1 else jax.ShapeDtypeStruct(out_shapes[0], jnp.float32),
    )(*row_args, *full_args)


def _dot(a, b):
    return jnp.dot(a, b, preferred_element_type=jnp.float32)


def _stage1_body(f_ref, w1_ref, b1_ref, wc1_ref, x_ref, h_ref):
    x = jnp.maximum(_dot(f_ref[...], w1_ref[...]) + b1_ref[...], 0.0)
    x_ref[...] = x
    h_ref[...] = _dot(x, wc1_ref[...])


def _combine_body(p0_ref, p1_ref, b_ref, w_ref, x_ref, h_ref):
    x = p0_ref[...] + p1_ref[...] + b_ref[...]
    x_ref[...] = x
    h_ref[...] = _dot(x, w_ref[...])


def _combine2_body(p0_ref, p1_ref, xa_ref, b_ref, w_ref,
                   x_ref, hlo_ref, hhi_ref):
    x = p0_ref[...] + p1_ref[...] + b_ref[...]
    x_ref[...] = x
    w = w_ref[...]
    hlo_ref[...] = _dot(xa_ref[...], w[0:64, 0:64]) + _dot(x, w[64:128, 0:64])
    hhi_ref[...] = _dot(xa_ref[...], w[0:64, 64:128]) + _dot(x, w[64:128, 64:128])


def _combine4_body(p00_ref, p10_ref, p01_ref, p11_ref, blo_ref, bhi_ref,
                   w_ref, xlo_ref, xhi_ref, hlo_ref, hhi_ref):
    xlo = p00_ref[...] + p10_ref[...] + blo_ref[...]
    xhi = p01_ref[...] + p11_ref[...] + bhi_ref[...]
    xlo_ref[...] = xlo
    xhi_ref[...] = xhi
    w = w_ref[...]
    hlo_ref[...] = _dot(xlo, w[0:64, 0:64]) + _dot(xhi, w[64:128, 0:64])
    hhi_ref[...] = _dot(xlo, w[0:64, 64:128]) + _dot(xhi, w[64:128, 64:128])


def _final_body(p00_ref, p10_ref, p01_ref, p11_ref, x_ref, x11_ref, x12_ref,
                x21lo_ref, x21hi_ref, blo_ref, bhi_ref, w2_ref, b2_ref, o_ref):
    x22lo = p00_ref[...] + p10_ref[...] + blo_ref[...]
    x22hi = p01_ref[...] + p11_ref[...] + bhi_ref[...]
    w2 = w2_ref[...]
    logits = (_dot(x_ref[...], w2[0:64])
              + _dot(x11_ref[...], w2[64:128])
              + _dot(x12_ref[...], w2[128:192])
              + _dot(x21lo_ref[...], w2[192:256])
              + _dot(x21hi_ref[...], w2[256:320])
              + _dot(x22lo, w2[320:384])
              + _dot(x22hi, w2[384:448])
              + b2_ref[...])
    o_ref[...] = 1.0 / (1.0 + jnp.exp(-logits))


def kernel(features, edge_index, W1, b1, Wc1, bc1, Wc2, bc2, W2, b2):
    src = edge_index[0]
    dst = edge_index[1]
    z64 = jnp.zeros((_N, 64), jnp.float32)
    b1r = b1.reshape(1, -1)
    bc1r = bc1.reshape(1, -1)
    bc2lo = bc2[0:64].reshape(1, -1)
    bc2hi = bc2[64:128].reshape(1, -1)
    b2r = b2.reshape(1, -1)

    x, h11 = _tc_call(_stage1_body, [features], [W1, b1r, Wc1],
                      [(_N, 64), (_N, 64)])
    p = _sc_aggregate([h11], src, dst, z64)
    x11, h12 = _tc_call(_combine_body, [p[0, 0], p[1, 0]], [bc1r, Wc1],
                        [(_N, 64), (_N, 64)])
    p = _sc_aggregate([h12], src, dst, z64)
    x12, h21lo, h21hi = _tc_call(_combine2_body, [p[0, 0], p[1, 0], x11],
                                 [bc1r, Wc2],
                                 [(_N, 64), (_N, 64), (_N, 64)])
    p = _sc_aggregate([h21lo, h21hi], src, dst, z64)
    x21lo, x21hi, h22lo, h22hi = _tc_call(
        _combine4_body, [p[0, 0], p[1, 0], p[0, 1], p[1, 1]],
        [bc2lo, bc2hi, Wc2],
        [(_N, 64), (_N, 64), (_N, 64), (_N, 64)])
    p = _sc_aggregate([h22lo, h22hi], src, dst, z64)
    out = _tc_call(_final_body,
                   [p[0, 0], p[1, 0], p[0, 1], p[1, 1], x, x11, x12,
                    x21lo, x21hi],
                   [bc2lo, bc2hi, W2, b2r], [(_N, 32)])
    return out

# --- scband reference (transcript-rebuilt; emitter-appended) ---
"""Pipeline reference for scband-h2-gcn-31164282700071 (READ-ONLY COPY).

The authoritative reference and input builder live on the scoring server;
editing this copy changes nothing except your own understanding.
"""

import jax, jax.numpy as jnp
import numpy as np

N = 10000
E = 320000
NFEAT = 128
NHID = 64
NCLASS = 32


def setup_inputs(seed: int = 0) -> dict:
    key = jax.random.key(seed)
    ks = jax.random.split(key, 12)
    features = jax.random.normal(ks[0], (N, NFEAT), dtype=jnp.float32)
    edge_index = jax.random.randint(ks[1], (2, E), 0, N, dtype=jnp.int32)
    # dense1: nfeat -> nhid
    W1 = jax.random.normal(ks[2], (NFEAT, NHID), dtype=jnp.float32) * (1.0 / np.sqrt(NFEAT))
    b1 = jnp.zeros((NHID,), dtype=jnp.float32)
    # conv1: GCNConv(nhid, nhid, normalize=False)
    Wc1 = jax.random.normal(ks[3], (NHID, NHID), dtype=jnp.float32) * (1.0 / np.sqrt(NHID))
    bc1 = jnp.zeros((NHID,), dtype=jnp.float32)
    # conv2: GCNConv(2*nhid, 2*nhid, normalize=False)
    Wc2 = jax.random.normal(ks[4], (2 * NHID, 2 * NHID), dtype=jnp.float32) * (1.0 / np.sqrt(2 * NHID))
    bc2 = jnp.zeros((2 * NHID,), dtype=jnp.float32)
    # dense2: 7*nhid -> nclass
    W2 = jax.random.normal(ks[5], (7 * NHID, NCLASS), dtype=jnp.float32) * (1.0 / np.sqrt(7 * NHID))
    b2 = jnp.zeros((NCLASS,), dtype=jnp.float32)
    return {
        "features": features,
        "edge_index": edge_index,
        "W1": W1, "b1": b1,
        "Wc1": Wc1, "bc1": bc1,
        "Wc2": Wc2, "bc2": bc2,
        "W2": W2, "b2": b2,
    }


def reference(features, edge_index, W1, b1, Wc1, bc1, Wc2, bc2, W2, b2):
    src = edge_index[0]
    dst = edge_index[1]

    def gcn_conv(x, W, b):
        # GCNConv with normalize=False: linear transform, gather messages
        # from source nodes, scatter-add (sum aggregation) at destination
        # nodes, then add bias. No self-loops since gcn_norm is skipped.
        h = x @ W
        msg = jnp.take(h, src, axis=0)
        agg = jax.ops.segment_sum(msg, dst, num_segments=N)
        return agg + b

    x = jax.nn.relu(features @ W1 + b1)
    x11 = gcn_conv(x, Wc1, bc1)
    x12 = gcn_conv(x11, Wc1, bc1)
    x1 = jnp.concatenate([x11, x12], axis=-1)
    x21 = gcn_conv(x1, Wc2, bc2)
    x22 = gcn_conv(x21, Wc2, bc2)
    x2 = jnp.concatenate([x21, x22], axis=-1)
    xcat = jnp.concatenate([x, x1, x2], axis=-1)
    # dropout treated as identity (deterministic eval-mode reference)
    logits = xcat @ W2 + b2
    return jax.nn.sigmoid(logits)

if __name__ == "__main__":
    import jax
    _d = setup_inputs()
    print(jax.jit(kernel)(*tuple(_d.values())))

</pallas_src>

<mosaic_0001>
#map = affine_map<(d0, d1) -> (0, 0)>
#map1 = affine_map<(d0, d1) -> (0)>
#map2 = affine_map<(d0, d1) -> (0, 0, 0, 0)>
module attributes {stable_mosaic.version = 14 : i64} {
  func.func @agg(%arg0: i32, %arg1: i32, %arg2: memref<10000x64xf32, #tpu.memory_space<hbm>>, %arg3: memref<10000x64xf32, #tpu.memory_space<hbm>>, %arg4: memref<320000xi32, #tpu.memory_space<hbm>>, %arg5: memref<320000xi32, #tpu.memory_space<hbm>>, %arg6: memref<10000x64xf32, #tpu.memory_space<hbm>>, %arg7: memref<2x2x10000x64xf32, #tpu.memory_space<hbm>>, %arg8: memref<400xi32, #tpu.memory_space<vmem>>, %arg9: memref<400xi32, #tpu.memory_space<vmem>>, %arg10: memref<400x64xf32, #tpu.memory_space<vmem>>, %arg11: memref<400xi32, #tpu.memory_space<vmem>>, %arg12: memref<400xi32, #tpu.memory_space<vmem>>, %arg13: memref<400x64xf32, #tpu.memory_space<vmem>>, %arg14: memref<10000x64xf32, #tpu.memory_space<vmem_shared>>, %arg15: memref<!tpu.dma_semaphore, #tpu.memory_space<semaphore_mem>>, %arg16: memref<!tpu.dma_semaphore, #tpu.memory_space<semaphore_mem>>, %arg17: memref<!tpu.dma_semaphore, #tpu.memory_space<semaphore_mem>>, %arg18: memref<!tpu.dma_semaphore, #tpu.memory_space<semaphore_mem>>) attributes {dimension_semantics = [#tpu.dimension_semantics<core_parallel>, #tpu.dimension_semantics<subcore_parallel>], iteration_bounds = array<i64: 2, 16>, scalar_prefetch = 0 : i64, scratch_operands = 11 : i64, tpu.core_type = #tpu.core_type<sc_vector_subcore>, window_params = [{transform_indices = #map}, {transform_indices = #map}, {transform_indices = #map1}, {transform_indices = #map1}, {transform_indices = #map}, {transform_indices = #map2}]} {
    %mul3A = arith.constant 16 : i32
    %mul3A_0 = arith.muli %arg0, %mul3A : i32
    %add3A = arith.addi %mul3A_0, %arg1 : i32
    %mul3A_1 = arith.constant 10000 : i32
    %mul3A_2 = arith.muli %add3A, %mul3A_1 : i32
    %mul3A_3 = arith.constant 624 : i32
    %mul3A_4 = arith.muli %arg1, %mul3A_3 : i32
    %mul3A_5 = arith.constant 624 : i32
    %mul3A_6 = arith.muli %arg1, %mul3A_5 : i32
    "tpu.region"() ({
      %run_scoped3A_72 = tpu.sem_alloc : memref<!tpu.dma_semaphore, #tpu.memory_space<semaphore_mem>>
      %dma_start3A_73 = arith.constant 0 : i32
      %dma_start3A_74 = tpu.memref_slice %arg14[%mul3A_6, %dma_start3A_73] : memref<10000x64xf32, #tpu.memory_space<vmem_shared>> -> memref<624x64xf32, #tpu.memory_space<vmem_shared>>
      %dma_start3A_75 = arith.constant 0 : i32
      %dma_start3A_76 = tpu.memref_slice %arg6[%mul3A_4, %dma_start3A_75] : memref<10000x64xf32, #tpu.memory_space<hbm>> -> memref<624x64xf32, #tpu.memory_space<hbm>>
      tpu.enqueue_dma source(%dma_start3A_76 : memref<624x64xf32, #tpu.memory_space<hbm>>) target(%dma_start3A_74 : memref<624x64xf32, #tpu.memory_space<vmem_shared>>) target_semaphore(%run_scoped3A_72 : memref<!tpu.dma_semaphore, #tpu.memory_space<semaphore_mem>>)
      %dma_wait3A_77 = arith.constant 0 : i32
      %dma_wait3A_78 = tpu.memref_slice %arg14[%mul3A_6, %dma_wait3A_77] : memref<10000x64xf32, #tpu.memory_space<vmem_shared>> -> memref<624x64xf32, #tpu.memory_space<vmem_shared>>
      %dma_wait3A_79 = arith.constant 0 : i32
      %dma_wait3A_80 = tpu.memref_slice %arg6[%mul3A_4, %dma_wait3A_79] : memref<10000x64xf32, #tpu.memory_space<hbm>> -> memref<624x64xf32, #tpu.memory_space<hbm>>
      tpu.wait_dma2 semaphore(%run_scoped3A_72 : memref<!tpu.dma_semaphore, #tpu.memory_space<semaphore_mem>>) src(%dma_wait3A_80 : memref<624x64xf32, #tpu.memory_space<hbm>>) dst(%dma_wait3A_78 : memref<624x64xf32, #tpu.memory_space<vmem_shared>>)
      tpu.yield
    }) : () -> ()
    %eq3A = arith.constant 0 : i32
    %eq3A_7 = arith.cmpi eq, %arg1, %eq3A : i32
    %convert_element_type3A = arith.extui %eq3A_7 : i1 to i32
    %cond3A = arith.constant 0 : i32
    %cond3A_8 = arith.cmpi ne, %convert_element_type3A, %cond3A : i32
    scf.if %cond3A_8 {
      "tpu.region"() ({
        %run_scoped3A_72 = tpu.sem_alloc : memref<!tpu.dma_semaphore, #tpu.memory_space<semaphore_mem>>
        %dma_start3A_73 = arith.constant 9984 : i32
        %dma_start3A_74 = arith.constant 0 : i32
        %dma_start3A_75 = tpu.memref_slice %arg14[%dma_start3A_73, %dma_start3A_74] : memref<10000x64xf32, #tpu.memory_space<vmem_shared>> -> memref<16x64xf32, #tpu.memory_space<vmem_shared>>
        %dma_start3A_76 = arith.constant 9984 : i32
        %dma_start3A_77 = arith.constant 0 : i32
        %dma_start3A_78 = tpu.memref_slice %arg6[%dma_start3A_76, %dma_start3A_77] : memref<10000x64xf32, #tpu.memory_space<hbm>> -> memref<16x64xf32, #tpu.memory_space<hbm>>
        tpu.enqueue_dma source(%dma_start3A_78 : memref<16x64xf32, #tpu.memory_space<hbm>>) target(%dma_start3A_75 : memref<16x64xf32, #tpu.memory_space<vmem_shared>>) target_semaphore(%run_scoped3A_72 : memref<!tpu.dma_semaphore, #tpu.memory_space<semaphore_mem>>)
        %dma_wait3A_79 = arith.constant 9984 : i32
        %dma_wait3A_80 = arith.constant 0 : i32
        %dma_wait3A_81 = tpu.memref_slice %arg14[%dma_wait3A_79, %dma_wait3A_80] : memref<10000x64xf32, #tpu.memory_space<vmem_shared>> -> memref<16x64xf32, #tpu.memory_space<vmem_shared>>
        %dma_wait3A_82 = arith.constant 9984 : i32
        %dma_wait3A_83 = arith.constant 0 : i32
        %dma_wait3A_84 = tpu.memref_slice %arg6[%dma_wait3A_82, %dma_wait3A_83] : memref<10000x64xf32, #tpu.memory_space<hbm>> -> memref<16x64xf32, #tpu.memory_space<hbm>>
        tpu.wait_dma2 semaphore(%run_scoped3A_72 : memref<!tpu.dma_semaphore, #tpu.memory_space<semaphore_mem>>) src(%dma_wait3A_84 : memref<16x64xf32, #tpu.memory_space<hbm>>) dst(%dma_wait3A_81 : memref<16x64xf32, #tpu.memory_space<vmem_shared>>)
        tpu.yield
      }) : () -> ()
    } else {
    }
    %barrier3A = arith.constant 0 : index
    tpu.barrier barrier_id(%barrier3A)
    "tpu.region"() ({
      %run_scoped3A_72 = tpu.sem_alloc : memref<!tpu.dma_semaphore, #tpu.memory_space<semaphore_mem>>
      %dma_start3A_73 = tpu.memref_slice %arg4[%mul3A_2] : memref<320000xi32, #tpu.memory_space<hbm>> -> memref<400xi32, #tpu.memory_space<hbm>>
      %dma_start3A_74 = tpu.memref_slice %arg4[%mul3A_2] : memref<320000xi32, #tpu.memory_space<hbm>> -> memref<400xi32, #tpu.memory_space<hbm>>
      tpu.enqueue_dma source(%dma_start3A_74 : memref<400xi32, #tpu.memory_space<hbm>>) target(%arg8 : memref<400xi32, #tpu.memory_space<vmem>>) target_semaphore(%run_scoped3A_72 : memref<!tpu.dma_semaphore, #tpu.memory_space<semaphore_mem>>)
      %dma_wait3A_75 = tpu.memref_slice %arg4[%mul3A_2] : memref<320000xi32, #tpu.memory_space<hbm>> -> memref<400xi32, #tpu.memory_space<hbm>>
      %dma_wait3A_76 = tpu.memref_slice %arg4[%mul3A_2] : memref<320000xi32, #tpu.memory_space<hbm>> -> memref<400xi32, #tpu.memory_space<hbm>>
      tpu.wait_dma2 semaphore(%run_scoped3A_72 : memref<!tpu.dma_semaphore, #tpu.memory_space<semaphore_mem>>) src(%dma_wait3A_76 : memref<400xi32, #tpu.memory_space<hbm>>) dst(%arg8 : memref<400xi32, #tpu.memory_space<vmem>>)
      tpu.yield
    }) : () -> ()
    "tpu.region"() ({
      %run_scoped3A_72 = tpu.sem_alloc : memref<!tpu.dma_semaphore, #tpu.memory_space<semaphore_mem>>
      %dma_start3A_73 = tpu.memref_slice %arg5[%mul3A_2] : memref<320000xi32, #tpu.memory_space<hbm>> -> memref<400xi32, #tpu.memory_space<hbm>>
      %dma_start3A_74 = tpu.memref_slice %arg5[%mul3A_2] : memref<320000xi32, #tpu.memory_space<hbm>> -> memref<400xi32, #tpu.memory_space<hbm>>
      tpu.enqueue_dma source(%dma_start3A_74 : memref<400xi32, #tpu.memory_space<hbm>>) target(%arg9 : memref<400xi32, #tpu.memory_space<vmem>>) target_semaphore(%run_scoped3A_72 : memref<!tpu.dma_semaphore, #tpu.memory_space<semaphore_mem>>)
      %dma_wait3A_75 = tpu.memref_slice %arg5[%mul3A_2] : memref<320000xi32, #tpu.memory_space<hbm>> -> memref<400xi32, #tpu.memory_space<hbm>>
      %dma_wait3A_76 = tpu.memref_slice %arg5[%mul3A_2] : memref<320000xi32, #tpu.memory_space<hbm>> -> memref<400xi32, #tpu.memory_space<hbm>>
      tpu.wait_dma2 semaphore(%run_scoped3A_72 : memref<!tpu.dma_semaphore, #tpu.memory_space<semaphore_mem>>) src(%dma_wait3A_76 : memref<400xi32, #tpu.memory_space<hbm>>) dst(%arg9 : memref<400xi32, #tpu.memory_space<vmem>>)
      tpu.yield
    }) : () -> ()
    %dma_start3A = arith.constant 0 : i32
    %dma_start3A_9 = arith.constant 0 : i32
    %dma_start3A_10 = tpu.memref_slice %arg2[%dma_start3A, %dma_start3A_9] : memref<10000x64xf32, #tpu.memory_space<hbm>> -> memref<10000x64xf32, #tpu.memory_space<hbm>>
    tpu.enqueue_indirect_dma source(%dma_start3A_10 : memref<10000x64xf32, #tpu.memory_space<hbm>>) target(%arg10 : memref<400x64xf32, #tpu.memory_space<vmem>>) offsets(%arg8 : memref<400xi32, #tpu.memory_space<vmem>>) semaphore(%arg15 : memref<!tpu.dma_semaphore, #tpu.memory_space<semaphore_mem>>)
    %add3A_11 = arith.constant 400 : i32
    %add3A_12 = arith.addi %mul3A_2, %add3A_11 : i32
    "tpu.region"() ({
      %run_scoped3A_72 = tpu.sem_alloc : memref<!tpu.dma_semaphore, #tpu.memory_space<semaphore_mem>>
      %dma_start3A_73 = tpu.memref_slice %arg4[%add3A_12] : memref<320000xi32, #tpu.memory_space<hbm>> -> memref<400xi32, #tpu.memory_space<hbm>>
      %dma_start3A_74 = tpu.memref_slice %arg4[%add3A_12] : memref<320000xi32, #tpu.memory_space<hbm>> -> memref<400xi32, #tpu.memory_space<hbm>>
      tpu.enqueue_dma source(%dma_start3A_74 : memref<400xi32, #tpu.memory_space<hbm>>) target(%arg11 : memref<400xi32, #tpu.memory_space<vmem>>) target_semaphore(%run_scoped3A_72 : memref<!tpu.dma_semaphore, #tpu.memory_space<semaphore_mem>>)
      %dma_wait3A_75 = tpu.memref_slice %arg4[%add3A_12] : memref<320000xi32, #tpu.memory_space<hbm>> -> memref<400xi32, #tpu.memory_space<hbm>>
      %dma_wait3A_76 = tpu.memref_slice %arg4[%add3A_12] : memref<320000xi32, #tpu.memory_space<hbm>> -> memref<400xi32, #tpu.memory_space<hbm>>
      tpu.wait_dma2 semaphore(%run_scoped3A_72 : memref<!tpu.dma_semaphore, #tpu.memory_space<semaphore_mem>>) src(%dma_wait3A_76 : memref<400xi32, #tpu.memory_space<hbm>>) dst(%arg11 : memref<400xi32, #tpu.memory_space<vmem>>)
      tpu.yield
    }) : () -> ()
    "tpu.region"() ({
      %run_scoped3A_72 = tpu.sem_alloc : memref<!tpu.dma_semaphore, #tpu.memory_space<semaphore_mem>>
      %dma_start3A_73 = tpu.memref_slice %arg5[%add3A_12] : memref<320000xi32, #tpu.memory_space<hbm>> -> memref<400xi32, #tpu.memory_space<hbm>>
      %dma_start3A_74 = tpu.memref_slice %arg5[%add3A_12] : memref<320000xi32, #tpu.memory_space<hbm>> -> memref<400xi32, #tpu.memory_space<hbm>>
      tpu.enqueue_dma source(%dma_start3A_74 : memref<400xi32, #tpu.memory_space<hbm>>) target(%arg12 : memref<400xi32, #tpu.memory_space<vmem>>) target_semaphore(%run_scoped3A_72 : memref<!tpu.dma_semaphore, #tpu.memory_space<semaphore_mem>>)
      %dma_wait3A_75 = tpu.memref_slice %arg5[%add3A_12] : memref<320000xi32, #tpu.memory_space<hbm>> -> memref<400xi32, #tpu.memory_space<hbm>>
      %dma_wait3A_76 = tpu.memref_slice %arg5[%add3A_12] : memref<320000xi32, #tpu.memory_space<hbm>> -> memref<400xi32, #tpu.memory_space<hbm>>
      tpu.wait_dma2 semaphore(%run_scoped3A_72 : memref<!tpu.dma_semaphore, #tpu.memory_space<semaphore_mem>>) src(%dma_wait3A_76 : memref<400xi32, #tpu.memory_space<hbm>>) dst(%arg12 : memref<400xi32, #tpu.memory_space<vmem>>)
      tpu.yield
    }) : () -> ()
    %dma_start3A_13 = arith.constant 0 : i32
    %dma_start3A_14 = arith.constant 0 : i32
    %dma_start3A_15 = tpu.memref_slice %arg2[%dma_start3A_13, %dma_start3A_14] : memref<10000x64xf32, #tpu.memory_space<hbm>> -> memref<10000x64xf32, #tpu.memory_space<hbm>>
    tpu.enqueue_indirect_dma source(%dma_start3A_15 : memref<10000x64xf32, #tpu.memory_space<hbm>>) target(%arg13 : memref<400x64xf32, #tpu.memory_space<vmem>>) offsets(%arg11 : memref<400xi32, #tpu.memory_space<vmem>>) semaphore(%arg16 : memref<!tpu.dma_semaphore, #tpu.memory_space<semaphore_mem>>)
    %dma_wait3A = arith.constant 0 : i32
    %dma_wait3A_16 = arith.constant 0 : i32
    %dma_wait3A_17 = tpu.memref_slice %arg2[%dma_wait3A, %dma_wait3A_16] : memref<10000x64xf32, #tpu.memory_space<hbm>> -> memref<10000x64xf32, #tpu.memory_space<hbm>>
    tpu.wait_indirect_dma semaphore(%arg15 : memref<!tpu.dma_semaphore, #tpu.memory_space<semaphore_mem>>) src(%dma_wait3A_17 : memref<10000x64xf32, #tpu.memory_space<hbm>>) dst(%arg10 : memref<400x64xf32, #tpu.memory_space<vmem>>)
    %scan3A = arith.constant 0 : i32
    %scan3A_18 = arith.constant 0 : i32
    %scan3A_19 = arith.constant 12 : i32
    %scan3A_20 = arith.addi %scan3A_18, %scan3A_19 : i32
    %scan3A_21 = arith.constant 1 : i32
    scf.for %scan3A_72 = %scan3A_18 to %scan3A_20 step %scan3A_21  : i32 {
      %mul3A_73 = arith.constant 2 : i32
      %mul3A_74 = arith.muli %mul3A_73, %scan3A_72 : i32
      %add3A_75 = arith.constant 1 : i32
      %add3A_76 = arith.addi %mul3A_74, %add3A_75 : i32
      %dma_wait3A_77 = arith.constant 0 : i32
      %dma_wait3A_78 = arith.constant 0 : i32
      %dma_wait3A_79 = tpu.memref_slice %arg2[%dma_wait3A_77, %dma_wait3A_78] : memref<10000x64xf32, #tpu.memory_space<hbm>> -> memref<10000x64xf32, #tpu.memory_space<hbm>>
      tpu.wait_indirect_dma semaphore(%arg16 : memref<!tpu.dma_semaphore, #tpu.memory_space<semaphore_mem>>) src(%dma_wait3A_79 : memref<10000x64xf32, #tpu.memory_space<hbm>>) dst(%arg13 : memref<400x64xf32, #tpu.memory_space<vmem>>)
      %add3A_80 = arith.constant 1 : i32
      %add3A_81 = arith.addi %add3A_76, %add3A_80 : i32
      %mul3A_82 = arith.constant 400 : i32
      %mul3A_83 = arith.muli %add3A_81, %mul3A_82 : i32
      %add3A_84 = arith.addi %mul3A_2, %mul3A_83 : i32
      "tpu.region"() ({
        %run_scoped3A_97 = tpu.sem_alloc : memref<!tpu.dma_semaphore, #tpu.memory_space<semaphore_mem>>
        %dma_start3A_98 = tpu.memref_slice %arg4[%add3A_84] : memref<320000xi32, #tpu.memory_space<hbm>> -> memref<400xi32, #tpu.memory_space<hbm>>
        %dma_start3A_99 = tpu.memref_slice %arg4[%add3A_84] : memref<320000xi32, #tpu.memory_space<hbm>> -> memref<400xi32, #tpu.memory_space<hbm>>
        tpu.enqueue_dma source(%dma_start3A_99 : memref<400xi32, #tpu.memory_space<hbm>>) target(%arg8 : memref<400xi32, #tpu.memory_space<vmem>>) target_semaphore(%run_scoped3A_97 : memref<!tpu.dma_semaphore, #tpu.memory_space<semaphore_mem>>)
        %dma_wait3A_100 = tpu.memref_slice %arg4[%add3A_84] : memref<320000xi32, #tpu.memory_space<hbm>> -> memref<400xi32, #tpu.memory_space<hbm>>
        %dma_wait3A_101 = tpu.memref_slice %arg4[%add3A_84] : memref<320000xi32, #tpu.memory_space<hbm>> -> memref<400xi32, #tpu.memory_space<hbm>>
        tpu.wait_dma2 semaphore(%run_scoped3A_97 : memref<!tpu.dma_semaphore, #tpu.memory_space<semaphore_mem>>) src(%dma_wait3A_101 : memref<400xi32, #tpu.memory_space<hbm>>) dst(%arg8 : memref<400xi32, #tpu.memory_space<vmem>>)
        tpu.yield
      }) : () -> ()
      "tpu.region"() ({
        %run_scoped3A_97 = tpu.sem_alloc : memref<!tpu.dma_semaphore, #tpu.memory_space<semaphore_mem>>
        %dma_start3A_98 = tpu.memref_slice %arg5[%add3A_84] : memref<320000xi32, #tpu.memory_space<hbm>> -> memref<400xi32, #tpu.memory_space<hbm>>
        %dma_start3A_99 = tpu.memref_slice %arg5[%add3A_84] : memref<320000xi32, #tpu.memory_space<hbm>> -> memref<400xi32, #tpu.memory_space<hbm>>
        tpu.enqueue_dma source(%dma_start3A_99 : memref<400xi32, #tpu.memory_space<hbm>>) target(%arg9 : memref<400xi32, #tpu.memory_space<vmem>>) target_semaphore(%run_scoped3A_97 : memref<!tpu.dma_semaphore, #tpu.memory_space<semaphore_mem>>)
        %dma_wait3A_100 = tpu.memref_slice %arg5[%add3A_84] : memref<320000xi32, #tpu.memory_space<hbm>> -> memref<400xi32, #tpu.memory_space<hbm>>
        %dma_wait3A_101 = tpu.memref_slice %arg5[%add3A_84] : memref<320000xi32, #tpu.memory_space<hbm>> -> memref<400xi32, #tpu.memory_space<hbm>>
        tpu.wait_dma2 semaphore(%run_scoped3A_97 : memref<!tpu.dma_semaphore, #tpu.memory_space<semaphore_mem>>) src(%dma_wait3A_101 : memref<400xi32, #tpu.memory_space<hbm>>) dst(%arg9 : memref<400xi32, #tpu.memory_space<vmem>>)
        tpu.yield
      }) : () -> ()
      %dma_start3A_85 = arith.constant 0 : i32
      %dma_start3A_86 = arith.constant 0 : i32
      %dma_start3A_87 = tpu.memref_slice %arg2[%dma_start3A_85, %dma_start3A_86] : memref<10000x64xf32, #tpu.memory_space<hbm>> -> memref<10000x64xf32, #tpu.memory_space<hbm>>
      tpu.enqueue_indirect_dma source(%dma_start3A_87 : memref<10000x64xf32, #tpu.memory_space<hbm>>) target(%arg10 : memref<400x64xf32, #tpu.memory_space<vmem>>) offsets(%arg8 : memref<400xi32, #tpu.memory_space<vmem>>) semaphore(%arg15 : memref<!tpu.dma_semaphore, #tpu.memory_space<semaphore_mem>>)
      %dma_wait3A_88 = arith.constant 0 : i32
      %dma_wait3A_89 = arith.constant 0 : i32
      %dma_wait3A_90 = tpu.memref_slice %arg2[%dma_wait3A_88, %dma_wait3A_89] : memref<10000x64xf32, #tpu.memory_space<hbm>> -> memref<10000x64xf32, #tpu.memory_space<hbm>>
      tpu.wait_indirect_dma semaphore(%arg15 : memref<!tpu.dma_semaphore, #tpu.memory_space<semaphore_mem>>) src(%dma_wait3A_90 : memref<10000x64xf32, #tpu.memory_space<hbm>>) dst(%arg10 : memref<400x64xf32, #tpu.memory_space<vmem>>)
      %add3A_91 = arith.constant 2 : i32
      %add3A_92 = arith.addi %add3A_76, %add3A_91 : i32
      %le3A = arith.constant 24 : i32
      %le3A_93 = arith.cmpi sle, %add3A_92, %le3A : i32
      %convert_element_type3A_94 = arith.extui %le3A_93 : i1 to i32
      %cond3A_95 = arith.constant 0 : i32
      %cond3A_96 = arith.cmpi ne, %convert_element_type3A_94, %cond3A_95 : i32
      scf.if %cond3A_96 {
        %add3A_97 = arith.constant 2 : i32
        %add3A_98 = arith.addi %add3A_76, %add3A_97 : i32
        %mul3A_99 = arith.constant 400 : i32
        %mul3A_100 = arith.muli %add3A_98, %mul3A_99 : i32
        %add3A_101 = arith.addi %mul3A_2, %mul3A_100 : i32
        "tpu.region"() ({
          %run_scoped3A_105 = tpu.sem_alloc : memref<!tpu.dma_semaphore, #tpu.memory_space<semaphore_mem>>
          %dma_start3A_106 = tpu.memref_slice %arg4[%add3A_101] : memref<320000xi32, #tpu.memory_space<hbm>> -> memref<400xi32, #tpu.memory_space<hbm>>
          %dma_start3A_107 = tpu.memref_slice %arg4[%add3A_101] : memref<320000xi32, #tpu.memory_space<hbm>> -> memref<400xi32, #tpu.memory_space<hbm>>
          tpu.enqueue_dma source(%dma_start3A_107 : memref<400xi32, #tpu.memory_space<hbm>>) target(%arg11 : memref<400xi32, #tpu.memory_space<vmem>>) target_semaphore(%run_scoped3A_105 : memref<!tpu.dma_semaphore, #tpu.memory_space<semaphore_mem>>)
          %dma_wait3A_108 = tpu.memref_slice %arg4[%add3A_101] : memref<320000xi32, #tpu.memory_space<hbm>> -> memref<400xi32, #tpu.memory_space<hbm>>
          %dma_wait3A_109 = tpu.memref_slice %arg4[%add3A_101] : memref<320000xi32, #tpu.memory_space<hbm>> -> memref<400xi32, #tpu.memory_space<hbm>>
          tpu.wait_dma2 semaphore(%run_scoped3A_105 : memref<!tpu.dma_semaphore, #tpu.memory_space<semaphore_mem>>) src(%dma_wait3A_109 : memref<400xi32, #tpu.memory_space<hbm>>) dst(%arg11 : memref<400xi32, #tpu.memory_space<vmem>>)
          tpu.yield
        }) : () -> ()
        "tpu.region"() ({
          %run_scoped3A_105 = tpu.sem_alloc : memref<!tpu.dma_semaphore, #tpu.memory_space<semaphore_mem>>
          %dma_start3A_106 = tpu.memref_slice %arg5[%add3A_101] : memref<320000xi32, #tpu.memory_space<hbm>> -> memref<400xi32, #tpu.memory_space<hbm>>
          %dma_start3A_107 = tpu.memref_slice %arg5[%add3A_101] : memref<320000xi32, #tpu.memory_space<hbm>> -> memref<400xi32, #tpu.memory_space<hbm>>
          tpu.enqueue_dma source(%dma_start3A_107 : memref<400xi32, #tpu.memory_space<hbm>>) target(%arg12 : memref<400xi32, #tpu.memory_space<vmem>>) target_semaphore(%run_scoped3A_105 : memref<!tpu.dma_semaphore, #tpu.memory_space<semaphore_mem>>)
          %dma_wait3A_108 = tpu.memref_slice %arg5[%add3A_101] : memref<320000xi32, #tpu.memory_space<hbm>> -> memref<400xi32, #tpu.memory_space<hbm>>
          %dma_wait3A_109 = tpu.memref_slice %arg5[%add3A_101] : memref<320000xi32, #tpu.memory_space<hbm>> -> memref<400xi32, #tpu.memory_space<hbm>>
          tpu.wait_dma2 semaphore(%run_scoped3A_105 : memref<!tpu.dma_semaphore, #tpu.memory_space<semaphore_mem>>) src(%dma_wait3A_109 : memref<400xi32, #tpu.memory_space<hbm>>) dst(%arg12 : memref<400xi32, #tpu.memory_space<vmem>>)
          tpu.yield
        }) : () -> ()
        %dma_start3A_102 = arith.constant 0 : i32
        %dma_start3A_103 = arith.constant 0 : i32
        %dma_start3A_104 = tpu.memref_slice %arg2[%dma_start3A_102, %dma_start3A_103] : memref<10000x64xf32, #tpu.memory_space<hbm>> -> memref<10000x64xf32, #tpu.memory_space<hbm>>
        tpu.enqueue_indirect_dma source(%dma_start3A_104 : memref<10000x64xf32, #tpu.memory_space<hbm>>) target(%arg13 : memref<400x64xf32, #tpu.memory_space<vmem>>) offsets(%arg11 : memref<400xi32, #tpu.memory_space<vmem>>) semaphore(%arg16 : memref<!tpu.dma_semaphore, #tpu.memory_space<semaphore_mem>>)
      } else {
      }
    }
    %scan3A_22 = arith.constant 12 : i32
    %barrier3A_23 = arith.constant 0 : index
    tpu.barrier barrier_id(%barrier3A_23)
    %mul3A_24 = arith.constant 624 : i32
    %mul3A_25 = arith.muli %arg1, %mul3A_24 : i32
    %mul3A_26 = arith.constant 624 : i32
    %mul3A_27 = arith.muli %arg1, %mul3A_26 : i32
    %run_scoped3A = arith.constant 0 : i32
    "tpu.region"() ({
      %run_scoped3A_72 = tpu.sem_alloc : memref<!tpu.dma_semaphore, #tpu.memory_space<semaphore_mem>>
      %dma_start3A_73 = arith.constant 0 : i32
      %dma_start3A_74 = tpu.memref_slice %arg7[%arg0, %run_scoped3A, %mul3A_27, %dma_start3A_73] : memref<2x2x10000x64xf32, #tpu.memory_space<hbm>> -> memref<1x1x624x64xf32, #tpu.memory_space<hbm>>
      %dma_start3A_75 = tpu.memref_squeeze %dma_start3A_74 : memref<1x1x624x64xf32, #tpu.memory_space<hbm>> -> memref<624x64xf32, #tpu.memory_space<hbm>>
      %dma_start3A_76 = arith.constant 0 : i32
      %dma_start3A_77 = tpu.memref_slice %arg14[%mul3A_25, %dma_start3A_76] : memref<10000x64xf32, #tpu.memory_space<vmem_shared>> -> memref<624x64xf32, #tpu.memory_space<vmem_shared>>
      tpu.enqueue_dma source(%dma_start3A_77 : memref<624x64xf32, #tpu.memory_space<vmem_shared>>) target(%dma_start3A_75 : memref<624x64xf32, #tpu.memory_space<hbm>>) target_semaphore(%run_scoped3A_72 : memref<!tpu.dma_semaphore, #tpu.memory_space<semaphore_mem>>)
      %dma_wait3A_78 = arith.constant 0 : i32
      %dma_wait3A_79 = tpu.memref_slice %arg7[%arg0, %run_scoped3A, %mul3A_27, %dma_wait3A_78] : memref<2x2x10000x64xf32, #tpu.memory_space<hbm>> -> memref<1x1x624x64xf32, #tpu.memory_space<hbm>>
      %dma_wait3A_80 = tpu.memref_squeeze %dma_wait3A_79 : memref<1x1x624x64xf32, #tpu.memory_space<hbm>> -> memref<624x64xf32, #tpu.memory_space<hbm>>
      %dma_wait3A_81 = arith.constant 0 : i32
      %dma_wait3A_82 = tpu.memref_slice %arg14[%mul3A_25, %dma_wait3A_81] : memref<10000x64xf32, #tpu.memory_space<vmem_shared>> -> memref<624x64xf32, #tpu.memory_space<vmem_shared>>
      tpu.wait_dma2 semaphore(%run_scoped3A_72 : memref<!tpu.dma_semaphore, #tpu.memory_space<semaphore_mem>>) src(%dma_wait3A_82 : memref<624x64xf32, #tpu.memory_space<vmem_shared>>) dst(%dma_wait3A_80 : memref<624x64xf32, #tpu.memory_space<hbm>>)
      tpu.yield
    }) : () -> ()
    %eq3A_28 = arith.constant 0 : i32
    %eq3A_29 = arith.cmpi eq, %arg1, %eq3A_28 : i32
    %convert_element_type3A_30 = arith.extui %eq3A_29 : i1 to i32
    %cond3A_31 = arith.constant 0 : i32
    %cond3A_32 = arith.cmpi ne, %convert_element_type3A_30, %cond3A_31 : i32
    scf.if %cond3A_32 {
      %run_scoped3A_72 = arith.constant 0 : i32
      "tpu.region"() ({
        %run_scoped3A_73 = tpu.sem_alloc : memref<!tpu.dma_semaphore, #tpu.memory_space<semaphore_mem>>
        %dma_start3A_74 = arith.constant 9984 : i32
        %dma_start3A_75 = arith.constant 0 : i32
        %dma_start3A_76 = tpu.memref_slice %arg7[%arg0, %run_scoped3A_72, %dma_start3A_74, %dma_start3A_75] : memref<2x2x10000x64xf32, #tpu.memory_space<hbm>> -> memref<1x1x16x64xf32, #tpu.memory_space<hbm>>
        %dma_start3A_77 = tpu.memref_squeeze %dma_start3A_76 : memref<1x1x16x64xf32, #tpu.memory_space<hbm>> -> memref<16x64xf32, #tpu.memory_space<hbm>>
        %dma_start3A_78 = arith.constant 9984 : i32
        %dma_start3A_79 = arith.constant 0 : i32
        %dma_start3A_80 = tpu.memref_slice %arg14[%dma_start3A_78, %dma_start3A_79] : memref<10000x64xf32, #tpu.memory_space<vmem_shared>> -> memref<16x64xf32, #tpu.memory_space<vmem_shared>>
        tpu.enqueue_dma source(%dma_start3A_80 : memref<16x64xf32, #tpu.memory_space<vmem_shared>>) target(%dma_start3A_77 : memref<16x64xf32, #tpu.memory_space<hbm>>) target_semaphore(%run_scoped3A_73 : memref<!tpu.dma_semaphore, #tpu.memory_space<semaphore_mem>>)
        %dma_wait3A_81 = arith.constant 9984 : i32
        %dma_wait3A_82 = arith.constant 0 : i32
        %dma_wait3A_83 = tpu.memref_slice %arg7[%arg0, %run_scoped3A_72, %dma_wait3A_81, %dma_wait3A_82] : memref<2x2x10000x64xf32, #tpu.memory_space<hbm>> -> memref<1x1x16x64xf32, #tpu.memory_space<hbm>>
        %dma_wait3A_84 = tpu.memref_squeeze %dma_wait3A_83 : memref<1x1x16x64xf32, #tpu.memory_space<hbm>> -> memref<16x64xf32, #tpu.memory_space<hbm>>
        %dma_wait3A_85 = arith.constant 9984 : i32
        %dma_wait3A_86 = arith.constant 0 : i32
        %dma_wait3A_87 = tpu.memref_slice %arg14[%dma_wait3A_85, %dma_wait3A_86] : memref<10000x64xf32, #tpu.memory_space<vmem_shared>> -> memref<16x64xf32, #tpu.memory_space<vmem_shared>>
        tpu.wait_dma2 semaphore(%run_scoped3A_73 : memref<!tpu.dma_semaphore, #tpu.memory_space<semaphore_mem>>) src(%dma_wait3A_87 : memref<16x64xf32, #tpu.memory_space<vmem_shared>>) dst(%dma_wait3A_84 : memref<16x64xf32, #tpu.memory_space<hbm>>)
        tpu.yield
      }) : () -> ()
    } else {
    }
    %barrier3A_33 = arith.constant 0 : index
    tpu.barrier barrier_id(%barrier3A_33)
    %mul3A_34 = arith.constant 624 : i32
    %mul3A_35 = arith.muli %arg1, %mul3A_34 : i32
    %mul3A_36 = arith.constant 624 : i32
    %mul3A_37 = arith.muli %arg1, %mul3A_36 : i32
    "tpu.region"() ({
      %run_scoped3A_72 = tpu.sem_alloc : memref<!tpu.dma_semaphore, #tpu.memory_space<semaphore_mem>>
      %dma_start3A_73 = arith.constant 0 : i32
      %dma_start3A_74 = tpu.memref_slice %arg14[%mul3A_37, %dma_start3A_73] : memref<10000x64xf32, #tpu.memory_space<vmem_shared>> -> memref<624x64xf32, #tpu.memory_space<vmem_shared>>
      %dma_start3A_75 = arith.constant 0 : i32
      %dma_start3A_76 = tpu.memref_slice %arg6[%mul3A_35, %dma_start3A_75] : memref<10000x64xf32, #tpu.memory_space<hbm>> -> memref<624x64xf32, #tpu.memory_space<hbm>>
      tpu.enqueue_dma source(%dma_start3A_76 : memref<624x64xf32, #tpu.memory_space<hbm>>) target(%dma_start3A_74 : memref<624x64xf32, #tpu.memory_space<vmem_shared>>) target_semaphore(%run_scoped3A_72 : memref<!tpu.dma_semaphore, #tpu.memory_space<semaphore_mem>>)
      %dma_wait3A_77 = arith.constant 0 : i32
      %dma_wait3A_78 = tpu.memref_slice %arg14[%mul3A_37, %dma_wait3A_77] : memref<10000x64xf32, #tpu.memory_space<vmem_shared>> -> memref<624x64xf32, #tpu.memory_space<vmem_shared>>
      %dma_wait3A_79 = arith.constant 0 : i32
      %dma_wait3A_80 = tpu.memref_slice %arg6[%mul3A_35, %dma_wait3A_79] : memref<10000x64xf32, #tpu.memory_space<hbm>> -> memref<624x64xf32, #tpu.memory_space<hbm>>
      tpu.wait_dma2 semaphore(%run_scoped3A_72 : memref<!tpu.dma_semaphore, #tpu.memory_space<semaphore_mem>>) src(%dma_wait3A_80 : memref<624x64xf32, #tpu.memory_space<hbm>>) dst(%dma_wait3A_78 : memref<624x64xf32, #tpu.memory_space<vmem_shared>>)
      tpu.yield
    }) : () -> ()
    %eq3A_38 = arith.constant 0 : i32
    %eq3A_39 = arith.cmpi eq, %arg1, %eq3A_38 : i32
    %convert_element_type3A_40 = arith.extui %eq3A_39 : i1 to i32
    %cond3A_41 = arith.constant 0 : i32
    %cond3A_42 = arith.cmpi ne, %convert_element_type3A_40, %cond3A_41 : i32
    scf.if %cond3A_42 {
      "tpu.region"() ({
        %run_scoped3A_72 = tpu.sem_alloc : memref<!tpu.dma_semaphore, #tpu.memory_space<semaphore_mem>>
        %dma_start3A_73 = arith.constant 9984 : i32
        %dma_start3A_74 = arith.constant 0 : i32
        %dma_start3A_75 = tpu.memref_slice %arg14[%dma_start3A_73, %dma_start3A_74] : memref<10000x64xf32, #tpu.memory_space<vmem_shared>> -> memref<16x64xf32, #tpu.memory_space<vmem_shared>>
        %dma_start3A_76 = arith.constant 9984 : i32
        %dma_start3A_77 = arith.constant 0 : i32
        %dma_start3A_78 = tpu.memref_slice %arg6[%dma_start3A_76, %dma_start3A_77] : memref<10000x64xf32, #tpu.memory_space<hbm>> -> memref<16x64xf32, #tpu.memory_space<hbm>>
        tpu.enqueue_dma source(%dma_start3A_78 : memref<16x64xf32, #tpu.memory_space<hbm>>) target(%dma_start3A_75 : memref<16x64xf32, #tpu.memory_space<vmem_shared>>) target_semaphore(%run_scoped3A_72 : memref<!tpu.dma_semaphore, #tpu.memory_space<semaphore_mem>>)
        %dma_wait3A_79 = arith.constant 9984 : i32
        %dma_wait3A_80 = arith.constant 0 : i32
        %dma_wait3A_81 = tpu.memref_slice %arg14[%dma_wait3A_79, %dma_wait3A_80] : memref<10000x64xf32, #tpu.memory_space<vmem_shared>> -> memref<16x64xf32, #tpu.memory_space<vmem_shared>>
        %dma_wait3A_82 = arith.constant 9984 : i32
        %dma_wait3A_83 = arith.constant 0 : i32
        %dma_wait3A_84 = tpu.memref_slice %arg6[%dma_wait3A_82, %dma_wait3A_83] : memref<10000x64xf32, #tpu.memory_space<hbm>> -> memref<16x64xf32, #tpu.memory_space<hbm>>
        tpu.wait_dma2 semaphore(%run_scoped3A_72 : memref<!tpu.dma_semaphore, #tpu.memory_space<semaphore_mem>>) src(%dma_wait3A_84 : memref<16x64xf32, #tpu.memory_space<hbm>>) dst(%dma_wait3A_81 : memref<16x64xf32, #tpu.memory_space<vmem_shared>>)
        tpu.yield
      }) : () -> ()
    } else {
    }
    %barrier3A_43 = arith.constant 0 : index
    tpu.barrier barrier_id(%barrier3A_43)
    "tpu.region"() ({
      %run_scoped3A_72 = tpu.sem_alloc : memref<!tpu.dma_semaphore, #tpu.memory_space<semaphore_mem>>
      %dma_start3A_73 = tpu.memref_slice %arg4[%mul3A_2] : memref<320000xi32, #tpu.memory_space<hbm>> -> memref<400xi32, #tpu.memory_space<hbm>>
      %dma_start3A_74 = tpu.memref_slice %arg4[%mul3A_2] : memref<320000xi32, #tpu.memory_space<hbm>> -> memref<400xi32, #tpu.memory_space<hbm>>
      tpu.enqueue_dma source(%dma_start3A_74 : memref<400xi32, #tpu.memory_space<hbm>>) target(%arg8 : memref<400xi32, #tpu.memory_space<vmem>>) target_semaphore(%run_scoped3A_72 : memref<!tpu.dma_semaphore, #tpu.memory_space<semaphore_mem>>)
      %dma_wait3A_75 = tpu.memref_slice %arg4[%mul3A_2] : memref<320000xi32, #tpu.memory_space<hbm>> -> memref<400xi32, #tpu.memory_space<hbm>>
      %dma_wait3A_76 = tpu.memref_slice %arg4[%mul3A_2] : memref<320000xi32, #tpu.memory_space<hbm>> -> memref<400xi32, #tpu.memory_space<hbm>>
      tpu.wait_dma2 semaphore(%run_scoped3A_72 : memref<!tpu.dma_semaphore, #tpu.memory_space<semaphore_mem>>) src(%dma_wait3A_76 : memref<400xi32, #tpu.memory_space<hbm>>) dst(%arg8 : memref<400xi32, #tpu.memory_space<vmem>>)
      tpu.yield
    }) : () -> ()
    "tpu.region"() ({
      %run_scoped3A_72 = tpu.sem_alloc : memref<!tpu.dma_semaphore, #tpu.memory_space<semaphore_mem>>
      %dma_start3A_73 = tpu.memref_slice %arg5[%mul3A_2] : memref<320000xi32, #tpu.memory_space<hbm>> -> memref<400xi32, #tpu.memory_space<hbm>>
      %dma_start3A_74 = tpu.memref_slice %arg5[%mul3A_2] : memref<320000xi32, #tpu.memory_space<hbm>> -> memref<400xi32, #tpu.memory_space<hbm>>
      tpu.enqueue_dma source(%dma_start3A_74 : memref<400xi32, #tpu.memory_space<hbm>>) target(%arg9 : memref<400xi32, #tpu.memory_space<vmem>>) target_semaphore(%run_scoped3A_72 : memref<!tpu.dma_semaphore, #tpu.memory_space<semaphore_mem>>)
      %dma_wait3A_75 = tpu.memref_slice %arg5[%mul3A_2] : memref<320000xi32, #tpu.memory_space<hbm>> -> memref<400xi32, #tpu.memory_space<hbm>>
      %dma_wait3A_76 = tpu.memref_slice %arg5[%mul3A_2] : memref<320000xi32, #tpu.memory_space<hbm>> -> memref<400xi32, #tpu.memory_space<hbm>>
      tpu.wait_dma2 semaphore(%run_scoped3A_72 : memref<!tpu.dma_semaphore, #tpu.memory_space<semaphore_mem>>) src(%dma_wait3A_76 : memref<400xi32, #tpu.memory_space<hbm>>) dst(%arg9 : memref<400xi32, #tpu.memory_space<vmem>>)
      tpu.yield
    }) : () -> ()
    %dma_start3A_44 = arith.constant 0 : i32
    %dma_start3A_45 = arith.constant 0 : i32
    %dma_start3A_46 = tpu.memref_slice %arg3[%dma_start3A_44, %dma_start3A_45] : memref<10000x64xf32, #tpu.memory_space<hbm>> -> memref<10000x64xf32, #tpu.memory_space<hbm>>
    tpu.enqueue_indirect_dma source(%dma_start3A_46 : memref<10000x64xf32, #tpu.memory_space<hbm>>) target(%arg10 : memref<400x64xf32, #tpu.memory_space<vmem>>) offsets(%arg8 : memref<400xi32, #tpu.memory_space<vmem>>) semaphore(%arg15 : memref<!tpu.dma_semaphore, #tpu.memory_space<semaphore_mem>>)
    %add3A_47 = arith.constant 400 : i32
    %add3A_48 = arith.addi %mul3A_2, %add3A_47 : i32
    "tpu.region"() ({
      %run_scoped3A_72 = tpu.sem_alloc : memref<!tpu.dma_semaphore, #tpu.memory_space<semaphore_mem>>
      %dma_start3A_73 = tpu.memref_slice %arg4[%add3A_48] : memref<320000xi32, #tpu.memory_space<hbm>> -> memref<400xi32, #tpu.memory_space<hbm>>
      %dma_start3A_74 = tpu.memref_slice %arg4[%add3A_48] : memref<320000xi32, #tpu.memory_space<hbm>> -> memref<400xi32, #tpu.memory_space<hbm>>
      tpu.enqueue_dma source(%dma_start3A_74 : memref<400xi32, #tpu.memory_space<hbm>>) target(%arg11 : memref<400xi32, #tpu.memory_space<vmem>>) target_semaphore(%run_scoped3A_72 : memref<!tpu.dma_semaphore, #tpu.memory_space<semaphore_mem>>)
      %dma_wait3A_75 = tpu.memref_slice %arg4[%add3A_48] : memref<320000xi32, #tpu.memory_space<hbm>> -> memref<400xi32, #tpu.memory_space<hbm>>
      %dma_wait3A_76 = tpu.memref_slice %arg4[%add3A_48] : memref<320000xi32, #tpu.memory_space<hbm>> -> memref<400xi32, #tpu.memory_space<hbm>>
      tpu.wait_dma2 semaphore(%run_scoped3A_72 : memref<!tpu.dma_semaphore, #tpu.memory_space<semaphore_mem>>) src(%dma_wait3A_76 : memref<400xi32, #tpu.memory_space<hbm>>) dst(%arg11 : memref<400xi32, #tpu.memory_space<vmem>>)
      tpu.yield
    }) : () -> ()
    "tpu.region"() ({
      %run_scoped3A_72 = tpu.sem_alloc : memref<!tpu.dma_semaphore, #tpu.memory_space<semaphore_mem>>
      %dma_start3A_73 = tpu.memref_slice %arg5[%add3A_48] : memref<320000xi32, #tpu.memory_space<hbm>> -> memref<400xi32, #tpu.memory_space<hbm>>
      %dma_start3A_74 = tpu.memref_slice %arg5[%add3A_48] : memref<320000xi32, #tpu.memory_space<hbm>> -> memref<400xi32, #tpu.memory_space<hbm>>
      tpu.enqueue_dma source(%dma_start3A_74 : memref<400xi32, #tpu.memory_space<hbm>>) target(%arg12 : memref<400xi32, #tpu.memory_space<vmem>>) target_semaphore(%run_scoped3A_72 : memref<!tpu.dma_semaphore, #tpu.memory_space<semaphore_mem>>)
      %dma_wait3A_75 = tpu.memref_slice %arg5[%add3A_48] : memref<320000xi32, #tpu.memory_space<hbm>> -> memref<400xi32, #tpu.memory_space<hbm>>
      %dma_wait3A_76 = tpu.memref_slice %arg5[%add3A_48] : memref<320000xi32, #tpu.memory_space<hbm>> -> memref<400xi32, #tpu.memory_space<hbm>>
      tpu.wait_dma2 semaphore(%run_scoped3A_72 : memref<!tpu.dma_semaphore, #tpu.memory_space<semaphore_mem>>) src(%dma_wait3A_76 : memref<400xi32, #tpu.memory_space<hbm>>) dst(%arg12 : memref<400xi32, #tpu.memory_space<vmem>>)
      tpu.yield
    }) : () -> ()
    %dma_start3A_49 = arith.constant 0 : i32
    %dma_start3A_50 = arith.constant 0 : i32
    %dma_start3A_51 = tpu.memref_slice %arg3[%dma_start3A_49, %dma_start3A_50] : memref<10000x64xf32, #tpu.memory_space<hbm>> -> memref<10000x64xf32, #tpu.memory_space<hbm>>
    tpu.enqueue_indirect_dma source(%dma_start3A_51 : memref<10000x64xf32, #tpu.memory_space<hbm>>) target(%arg13 : memref<400x64xf32, #tpu.memory_space<vmem>>) offsets(%arg11 : memref<400xi32, #tpu.memory_space<vmem>>) semaphore(%arg16 : memref<!tpu.dma_semaphore, #tpu.memory_space<semaphore_mem>>)
    %dma_wait3A_52 = arith.constant 0 : i32
    %dma_wait3A_53 = arith.constant 0 : i32
    %dma_wait3A_54 = tpu.memref_slice %arg3[%dma_wait3A_52, %dma_wait3A_53] : memref<10000x64xf32, #tpu.memory_space<hbm>> -> memref<10000x64xf32, #tpu.memory_space<hbm>>
    tpu.wait_indirect_dma semaphore(%arg15 : memref<!tpu.dma_semaphore, #tpu.memory_space<semaphore_mem>>) src(%dma_wait3A_54 : memref<10000x64xf32, #tpu.memory_space<hbm>>) dst(%arg10 : memref<400x64xf32, #tpu.memory_space<vmem>>)
    %scan3A_55 = arith.constant 0 : i32
    %scan3A_56 = arith.constant 0 : i32
    %scan3A_57 = arith.constant 12 : i32
    %scan3A_58 = arith.addi %scan3A_56, %scan3A_57 : i32
    %scan3A_59 = arith.constant 1 : i32
    scf.for %scan3A_72 = %scan3A_56 to %scan3A_58 step %scan3A_59  : i32 {
      %mul3A_73 = arith.constant 2 : i32
      %mul3A_74 = arith.muli %mul3A_73, %scan3A_72 : i32
      %add3A_75 = arith.constant 1 : i32
      %add3A_76 = arith.addi %mul3A_74, %add3A_75 : i32
      %dma_wait3A_77 = arith.constant 0 : i32
      %dma_wait3A_78 = arith.constant 0 : i32
      %dma_wait3A_79 = tpu.memref_slice %arg3[%dma_wait3A_77, %dma_wait3A_78] : memref<10000x64xf32, #tpu.memory_space<hbm>> -> memref<10000x64xf32, #tpu.memory_space<hbm>>
      tpu.wait_indirect_dma semaphore(%arg16 : memref<!tpu.dma_semaphore, #tpu.memory_space<semaphore_mem>>) src(%dma_wait3A_79 : memref<10000x64xf32, #tpu.memory_space<hbm>>) dst(%arg13 : memref<400x64xf32, #tpu.memory_space<vmem>>)
      %add3A_80 = arith.constant 1 : i32
      %add3A_81 = arith.addi %add3A_76, %add3A_80 : i32
      %mul3A_82 = arith.constant 400 : i32
      %mul3A_83 = arith.muli %add3A_81, %mul3A_82 : i32
      %add3A_84 = arith.addi %mul3A_2, %mul3A_83 : i32
      "tpu.region"() ({
        %run_scoped3A_97 = tpu.sem_alloc : memref<!tpu.dma_semaphore, #tpu.memory_space<semaphore_mem>>
        %dma_start3A_98 = tpu.memref_slice %arg4[%add3A_84] : memref<320000xi32, #tpu.memory_space<hbm>> -> memref<400xi32, #tpu.memory_space<hbm>>
        %dma_start3A_99 = tpu.memref_slice %arg4[%add3A_84] : memref<320000xi32, #tpu.memory_space<hbm>> -> memref<400xi32, #tpu.memory_space<hbm>>
        tpu.enqueue_dma source(%dma_start3A_99 : memref<400xi32, #tpu.memory_space<hbm>>) target(%arg8 : memref<400xi32, #tpu.memory_space<vmem>>) target_semaphore(%run_scoped3A_97 : memref<!tpu.dma_semaphore, #tpu.memory_space<semaphore_mem>>)
        %dma_wait3A_100 = tpu.memref_slice %arg4[%add3A_84] : memref<320000xi32, #tpu.memory_space<hbm>> -> memref<400xi32, #tpu.memory_space<hbm>>
        %dma_wait3A_101 = tpu.memref_slice %arg4[%add3A_84] : memref<320000xi32, #tpu.memory_space<hbm>> -> memref<400xi32, #tpu.memory_space<hbm>>
        tpu.wait_dma2 semaphore(%run_scoped3A_97 : memref<!tpu.dma_semaphore, #tpu.memory_space<semaphore_mem>>) src(%dma_wait3A_101 : memref<400xi32, #tpu.memory_space<hbm>>) dst(%arg8 : memref<400xi32, #tpu.memory_space<vmem>>)
        tpu.yield
      }) : () -> ()
      "tpu.region"() ({
        %run_scoped3A_97 = tpu.sem_alloc : memref<!tpu.dma_semaphore, #tpu.memory_space<semaphore_mem>>
        %dma_start3A_98 = tpu.memref_slice %arg5[%add3A_84] : memref<320000xi32, #tpu.memory_space<hbm>> -> memref<400xi32, #tpu.memory_space<hbm>>
        %dma_start3A_99 = tpu.memref_slice %arg5[%add3A_84] : memref<320000xi32, #tpu.memory_space<hbm>> -> memref<400xi32, #tpu.memory_space<hbm>>
        tpu.enqueue_dma source(%dma_start3A_99 : memref<400xi32, #tpu.memory_space<hbm>>) target(%arg9 : memref<400xi32, #tpu.memory_space<vmem>>) target_semaphore(%run_scoped3A_97 : memref<!tpu.dma_semaphore, #tpu.memory_space<semaphore_mem>>)
        %dma_wait3A_100 = tpu.memref_slice %arg5[%add3A_84] : memref<320000xi32, #tpu.memory_space<hbm>> -> memref<400xi32, #tpu.memory_space<hbm>>
        %dma_wait3A_101 = tpu.memref_slice %arg5[%add3A_84] : memref<320000xi32, #tpu.memory_space<hbm>> -> memref<400xi32, #tpu.memory_space<hbm>>
        tpu.wait_dma2 semaphore(%run_scoped3A_97 : memref<!tpu.dma_semaphore, #tpu.memory_space<semaphore_mem>>) src(%dma_wait3A_101 : memref<400xi32, #tpu.memory_space<hbm>>) dst(%arg9 : memref<400xi32, #tpu.memory_space<vmem>>)
        tpu.yield
      }) : () -> ()
      %dma_start3A_85 = arith.constant 0 : i32
      %dma_start3A_86 = arith.constant 0 : i32
      %dma_start3A_87 = tpu.memref_slice %arg3[%dma_start3A_85, %dma_start3A_86] : memref<10000x64xf32, #tpu.memory_space<hbm>> -> memref<10000x64xf32, #tpu.memory_space<hbm>>
      tpu.enqueue_indirect_dma source(%dma_start3A_87 : memref<10000x64xf32, #tpu.memory_space<hbm>>) target(%arg10 : memref<400x64xf32, #tpu.memory_space<vmem>>) offsets(%arg8 : memref<400xi32, #tpu.memory_space<vmem>>) semaphore(%arg15 : memref<!tpu.dma_semaphore, #tpu.memory_space<semaphore_mem>>)
      %dma_wait3A_88 = arith.constant 0 : i32
      %dma_wait3A_89 = arith.constant 0 : i32
      %dma_wait3A_90 = tpu.memref_slice %arg3[%dma_wait3A_88, %dma_wait3A_89] : memref<10000x64xf32, #tpu.memory_space<hbm>> -> memref<10000x64xf32, #tpu.memory_space<hbm>>
      tpu.wait_indirect_dma semaphore(%arg15 : memref<!tpu.dma_semaphore, #tpu.memory_space<semaphore_mem>>) src(%dma_wait3A_90 : memref<10000x64xf32, #tpu.memory_space<hbm>>) dst(%arg10 : memref<400x64xf32, #tpu.memory_space<vmem>>)
      %add3A_91 = arith.constant 2 : i32
      %add3A_92 = arith.addi %add3A_76, %add3A_91 : i32
      %le3A = arith.constant 24 : i32
      %le3A_93 = arith.cmpi sle, %add3A_92, %le3A : i32
      %convert_element_type3A_94 = arith.extui %le3A_93 : i1 to i32
      %cond3A_95 = arith.constant 0 : i32
      %cond3A_96 = arith.cmpi ne, %convert_element_type3A_94, %cond3A_95 : i32
      scf.if %cond3A_96 {
        %add3A_97 = arith.constant 2 : i32
        %add3A_98 = arith.addi %add3A_76, %add3A_97 : i32
        %mul3A_99 = arith.constant 400 : i32
        %mul3A_100 = arith.muli %add3A_98, %mul3A_99 : i32
        %add3A_101 = arith.addi %mul3A_2, %mul3A_100 : i32
        "tpu.region"() ({
          %run_scoped3A_105 = tpu.sem_alloc : memref<!tpu.dma_semaphore, #tpu.memory_space<semaphore_mem>>
          %dma_start3A_106 = tpu.memref_slice %arg4[%add3A_101] : memref<320000xi32, #tpu.memory_space<hbm>> -> memref<400xi32, #tpu.memory_space<hbm>>
          %dma_start3A_107 = tpu.memref_slice %arg4[%add3A_101] : memref<320000xi32, #tpu.memory_space<hbm>> -> memref<400xi32, #tpu.memory_space<hbm>>
          tpu.enqueue_dma source(%dma_start3A_107 : memref<400xi32, #tpu.memory_space<hbm>>) target(%arg11 : memref<400xi32, #tpu.memory_space<vmem>>) target_semaphore(%run_scoped3A_105 : memref<!tpu.dma_semaphore, #tpu.memory_space<semaphore_mem>>)
          %dma_wait3A_108 = tpu.memref_slice %arg4[%add3A_101] : memref<320000xi32, #tpu.memory_space<hbm>> -> memref<400xi32, #tpu.memory_space<hbm>>
          %dma_wait3A_109 = tpu.memref_slice %arg4[%add3A_101] : memref<320000xi32, #tpu.memory_space<hbm>> -> memref<400xi32, #tpu.memory_space<hbm>>
          tpu.wait_dma2 semaphore(%run_scoped3A_105 : memref<!tpu.dma_semaphore, #tpu.memory_space<semaphore_mem>>) src(%dma_wait3A_109 : memref<400xi32, #tpu.memory_space<hbm>>) dst(%arg11 : memref<400xi32, #tpu.memory_space<vmem>>)
          tpu.yield
        }) : () -> ()
        "tpu.region"() ({
          %run_scoped3A_105 = tpu.sem_alloc : memref<!tpu.dma_semaphore, #tpu.memory_space<semaphore_mem>>
          %dma_start3A_106 = tpu.memref_slice %arg5[%add3A_101] : memref<320000xi32, #tpu.memory_space<hbm>> -> memref<400xi32, #tpu.memory_space<hbm>>
          %dma_start3A_107 = tpu.memref_slice %arg5[%add3A_101] : memref<320000xi32, #tpu.memory_space<hbm>> -> memref<400xi32, #tpu.memory_space<hbm>>
          tpu.enqueue_dma source(%dma_start3A_107 : memref<400xi32, #tpu.memory_space<hbm>>) target(%arg12 : memref<400xi32, #tpu.memory_space<vmem>>) target_semaphore(%run_scoped3A_105 : memref<!tpu.dma_semaphore, #tpu.memory_space<semaphore_mem>>)
          %dma_wait3A_108 = tpu.memref_slice %arg5[%add3A_101] : memref<320000xi32, #tpu.memory_space<hbm>> -> memref<400xi32, #tpu.memory_space<hbm>>
          %dma_wait3A_109 = tpu.memref_slice %arg5[%add3A_101] : memref<320000xi32, #tpu.memory_space<hbm>> -> memref<400xi32, #tpu.memory_space<hbm>>
          tpu.wait_dma2 semaphore(%run_scoped3A_105 : memref<!tpu.dma_semaphore, #tpu.memory_space<semaphore_mem>>) src(%dma_wait3A_109 : memref<400xi32, #tpu.memory_space<hbm>>) dst(%arg12 : memref<400xi32, #tpu.memory_space<vmem>>)
          tpu.yield
        }) : () -> ()
        %dma_start3A_102 = arith.constant 0 : i32
        %dma_start3A_103 = arith.constant 0 : i32
        %dma_start3A_104 = tpu.memref_slice %arg3[%dma_start3A_102, %dma_start3A_103] : memref<10000x64xf32, #tpu.memory_space<hbm>> -> memref<10000x64xf32, #tpu.memory_space<hbm>>
        tpu.enqueue_indirect_dma source(%dma_start3A_104 : memref<10000x64xf32, #tpu.memory_space<hbm>>) target(%arg13 : memref<400x64xf32, #tpu.memory_space<vmem>>) offsets(%arg11 : memref<400xi32, #tpu.memory_space<vmem>>) semaphore(%arg16 : memref<!tpu.dma_semaphore, #tpu.memory_space<semaphore_mem>>)
      } else {
      }
    }
    %scan3A_60 = arith.constant 12 : i32
    %barrier3A_61 = arith.constant 0 : index
    tpu.barrier barrier_id(%barrier3A_61)
    %mul3A_62 = arith.constant 624 : i32
    %mul3A_63 = arith.muli %arg1, %mul3A_62 : i32
    %mul3A_64 = arith.constant 624 : i32
    %mul3A_65 = arith.muli %arg1, %mul3A_64 : i32
    %run_scoped3A_66 = arith.constant 1 : i32
    "tpu.region"() ({
      %run_scoped3A_72 = tpu.sem_alloc : memref<!tpu.dma_semaphore, #tpu.memory_space<semaphore_mem>>
      %dma_start3A_73 = arith.constant 0 : i32
      %dma_start3A_74 = tpu.memref_slice %arg7[%arg0, %run_scoped3A_66, %mul3A_65, %dma_start3A_73] : memref<2x2x10000x64xf32, #tpu.memory_space<hbm>> -> memref<1x1x624x64xf32, #tpu.memory_space<hbm>>
      %dma_start3A_75 = tpu.memref_squeeze %dma_start3A_74 : memref<1x1x624x64xf32, #tpu.memory_space<hbm>> -> memref<624x64xf32, #tpu.memory_space<hbm>>
      %dma_start3A_76 = arith.constant 0 : i32
      %dma_start3A_77 = tpu.memref_slice %arg14[%mul3A_63, %dma_start3A_76] : memref<10000x64xf32, #tpu.memory_space<vmem_shared>> -> memref<624x64xf32, #tpu.memory_space<vmem_shared>>
      tpu.enqueue_dma source(%dma_start3A_77 : memref<624x64xf32, #tpu.memory_space<vmem_shared>>) target(%dma_start3A_75 : memref<624x64xf32, #tpu.memory_space<hbm>>) target_semaphore(%run_scoped3A_72 : memref<!tpu.dma_semaphore, #tpu.memory_space<semaphore_mem>>)
      %dma_wait3A_78 = arith.constant 0 : i32
      %dma_wait3A_79 = tpu.memref_slice %arg7[%arg0, %run_scoped3A_66, %mul3A_65, %dma_wait3A_78] : memref<2x2x10000x64xf32, #tpu.memory_space<hbm>> -> memref<1x1x624x64xf32, #tpu.memory_space<hbm>>
      %dma_wait3A_80 = tpu.memref_squeeze %dma_wait3A_79 : memref<1x1x624x64xf32, #tpu.memory_space<hbm>> -> memref<624x64xf32, #tpu.memory_space<hbm>>
      %dma_wait3A_81 = arith.constant 0 : i32
      %dma_wait3A_82 = tpu.memref_slice %arg14[%mul3A_63, %dma_wait3A_81] : memref<10000x64xf32, #tpu.memory_space<vmem_shared>> -> memref<624x64xf32, #tpu.memory_space<vmem_shared>>
      tpu.wait_dma2 semaphore(%run_scoped3A_72 : memref<!tpu.dma_semaphore, #tpu.memory_space<semaphore_mem>>) src(%dma_wait3A_82 : memref<624x64xf32, #tpu.memory_space<vmem_shared>>) dst(%dma_wait3A_80 : memref<624x64xf32, #tpu.memory_space<hbm>>)
      tpu.yield
    }) : () -> ()
    %eq3A_67 = arith.constant 0 : i32
    %eq3A_68 = arith.cmpi eq, %arg1, %eq3A_67 : i32
    %convert_element_type3A_69 = arith.extui %eq3A_68 : i1 to i32
    %cond3A_70 = arith.constant 0 : i32
    %cond3A_71 = arith.cmpi ne, %convert_element_type3A_69, %cond3A_70 : i32
    scf.if %cond3A_71 {
      %run_scoped3A_72 = arith.constant 1 : i32
      "tpu.region"() ({
        %run_scoped3A_73 = tpu.sem_alloc : memref<!tpu.dma_semaphore, #tpu.memory_space<semaphore_mem>>
        %dma_start3A_74 = arith.constant 9984 : i32
        %dma_start3A_75 = arith.constant 0 : i32
        %dma_start3A_76 = tpu.memref_slice %arg7[%arg0, %run_scoped3A_72, %dma_start3A_74, %dma_start3A_75] : memref<2x2x10000x64xf32, #tpu.memory_space<hbm>> -> memref<1x1x16x64xf32, #tpu.memory_space<hbm>>
        %dma_start3A_77 = tpu.memref_squeeze %dma_start3A_76 : memref<1x1x16x64xf32, #tpu.memory_space<hbm>> -> memref<16x64xf32, #tpu.memory_space<hbm>>
        %dma_start3A_78 = arith.constant 9984 : i32
        %dma_start3A_79 = arith.constant 0 : i32
        %dma_start3A_80 = tpu.memref_slice %arg14[%dma_start3A_78, %dma_start3A_79] : memref<10000x64xf32, #tpu.memory_space<vmem_shared>> -> memref<16x64xf32, #tpu.memory_space<vmem_shared>>
        tpu.enqueue_dma source(%dma_start3A_80 : memref<16x64xf32, #tpu.memory_space<vmem_shared>>) target(%dma_start3A_77 : memref<16x64xf32, #tpu.memory_space<hbm>>) target_semaphore(%run_scoped3A_73 : memref<!tpu.dma_semaphore, #tpu.memory_space<semaphore_mem>>)
        %dma_wait3A_81 = arith.constant 9984 : i32
        %dma_wait3A_82 = arith.constant 0 : i32
        %dma_wait3A_83 = tpu.memref_slice %arg7[%arg0, %run_scoped3A_72, %dma_wait3A_81, %dma_wait3A_82] : memref<2x2x10000x64xf32, #tpu.memory_space<hbm>> -> memref<1x1x16x64xf32, #tpu.memory_space<hbm>>
        %dma_wait3A_84 = tpu.memref_squeeze %dma_wait3A_83 : memref<1x1x16x64xf32, #tpu.memory_space<hbm>> -> memref<16x64xf32, #tpu.memory_space<hbm>>
        %dma_wait3A_85 = arith.constant 9984 : i32
        %dma_wait3A_86 = arith.constant 0 : i32
        %dma_wait3A_87 = tpu.memref_slice %arg14[%dma_wait3A_85, %dma_wait3A_86] : memref<10000x64xf32, #tpu.memory_space<vmem_shared>> -> memref<16x64xf32, #tpu.memory_space<vmem_shared>>
        tpu.wait_dma2 semaphore(%run_scoped3A_73 : memref<!tpu.dma_semaphore, #tpu.memory_space<semaphore_mem>>) src(%dma_wait3A_87 : memref<16x64xf32, #tpu.memory_space<vmem_shared>>) dst(%dma_wait3A_84 : memref<16x64xf32, #tpu.memory_space<hbm>>)
        tpu.yield
      }) : () -> ()
    } else {
    }
    return
  }
}

#map = affine_map<(d0, d1) -> (0, 0)>
#map1 = affine_map<(d0, d1) -> (0)>
#map2 = affine_map<(d0, d1) -> (0, 0, 0, 0)>
module attributes {stable_mosaic.version = 14 : i64} {
  func.func @agg(%arg0: i32, %arg1: i32, %arg2: memref<10000x64xf32, #tpu.memory_space<hbm>>, %arg3: memref<320000xi32, #tpu.memory_space<hbm>>, %arg4: memref<320000xi32, #tpu.memory_space<hbm>>, %arg5: memref<10000x64xf32, #tpu.memory_space<hbm>>, %arg6: memref<2x1x10000x64xf32, #tpu.memory_space<hbm>>, %arg7: memref<400xi32, #tpu.memory_space<vmem>>, %arg8: memref<400xi32, #tpu.memory_space<vmem>>, %arg9: memref<400x64xf32, #tpu.memory_space<vmem>>, %arg10: memref<400xi32, #tpu.memory_space<vmem>>, %arg11: memref<400xi32, #tpu.memory_space<vmem>>, %arg12: memref<400x64xf32, #tpu.memory_space<vmem>>, %arg13: memref<10000x64xf32, #tpu.memory_space<vmem_shared>>, %arg14: memref<!tpu.dma_semaphore, #tpu.memory_space<semaphore_mem>>, %arg15: memref<!tpu.dma_semaphore, #tpu.memory_space<semaphore_mem>>, %arg16: memref<!tpu.dma_semaphore, #tpu.memory_space<semaphore_mem>>, %arg17: memref<!tpu.dma_semaphore, #tpu.memory_space<semaphore_mem>>) attributes {dimension_semantics = [#tpu.dimension_semantics<core_parallel>, #tpu.dimension_semantics<subcore_parallel>], iteration_bounds = array<i64: 2, 16>, scalar_prefetch = 0 : i64, scratch_operands = 11 : i64, tpu.core_type = #tpu.core_type<sc_vector_subcore>, window_params = [{transform_indices = #map}, {transform_indices = #map1}, {transform_indices = #map1}, {transform_indices = #map}, {transform_indices = #map2}]} {
    %mul3A = arith.constant 16 : i32
    %mul3A_0 = arith.muli %arg0, %mul3A : i32
    %add3A = arith.addi %mul3A_0, %arg1 : i32
    %mul3A_1 = arith.constant 10000 : i32
    %mul3A_2 = arith.muli %add3A, %mul3A_1 : i32
    %mul3A_3 = arith.constant 624 : i32
    %mul3A_4 = arith.muli %arg1, %mul3A_3 : i32
    %mul3A_5 = arith.constant 624 : i32
    %mul3A_6 = arith.muli %arg1, %mul3A_5 : i32
    "tpu.region"() ({
      %run_scoped3A_33 = tpu.sem_alloc : memref<!tpu.dma_semaphore, #tpu.memory_space<semaphore_mem>>
      %dma_start3A_34 = arith.constant 0 : i32
      %dma_start3A_35 = tpu.memref_slice %arg13[%mul3A_6, %dma_start3A_34] : memref<10000x64xf32, #tpu.memory_space<vmem_shared>> -> memref<624x64xf32, #tpu.memory_space<vmem_shared>>
      %dma_start3A_36 = arith.constant 0 : i32
      %dma_start3A_37 = tpu.memref_slice %arg5[%mul3A_4, %dma_start3A_36] : memref<10000x64xf32, #tpu.memory_space<hbm>> -> memref<624x64xf32, #tpu.memory_space<hbm>>
      tpu.enqueue_dma source(%dma_start3A_37 : memref<624x64xf32, #tpu.memory_space<hbm>>) target(%dma_start3A_35 : memref<624x64xf32, #tpu.memory_space<vmem_shared>>) target_semaphore(%run_scoped3A_33 : memref<!tpu.dma_semaphore, #tpu.memory_space<semaphore_mem>>)
      %dma_wait3A_38 = arith.constant 0 : i32
      %dma_wait3A_39 = tpu.memref_slice %arg13[%mul3A_6, %dma_wait3A_38] : memref<10000x64xf32, #tpu.memory_space<vmem_shared>> -> memref<624x64xf32, #tpu.memory_space<vmem_shared>>
      %dma_wait3A_40 = arith.constant 0 : i32
      %dma_wait3A_41 = tpu.memref_slice %arg5[%mul3A_4, %dma_wait3A_40] : memref<10000x64xf32, #tpu.memory_space<hbm>> -> memref<624x64xf32, #tpu.memory_space<hbm>>
      tpu.wait_dma2 semaphore(%run_scoped3A_33 : memref<!tpu.dma_semaphore, #tpu.memory_space<semaphore_mem>>) src(%dma_wait3A_41 : memref<624x64xf32, #tpu.memory_space<hbm>>) dst(%dma_wait3A_39 : memref<624x64xf32, #tpu.memory_space<vmem_shared>>)
      tpu.yield
    }) : () -> ()
    %eq3A = arith.constant 0 : i32
    %eq3A_7 = arith.cmpi eq, %arg1, %eq3A : i32
    %convert_element_type3A = arith.extui %eq3A_7 : i1 to i32
    %cond3A = arith.constant 0 : i32
    %cond3A_8 = arith.cmpi ne, %convert_element_type3A, %cond3A : i32
    scf.if %cond3A_8 {
      "tpu.region"() ({
        %run_scoped3A_33 = tpu.sem_alloc : memref<!tpu.dma_semaphore, #tpu.memory_space<semaphore_mem>>
        %dma_start3A_34 = arith.constant 9984 : i32
        %dma_start3A_35 = arith.constant 0 : i32
        %dma_start3A_36 = tpu.memref_slice %arg13[%dma_start3A_34, %dma_start3A_35] : memref<10000x64xf32, #tpu.memory_space<vmem_shared>> -> memref<16x64xf32, #tpu.memory_space<vmem_shared>>
        %dma_start3A_37 = arith.constant 9984 : i32
        %dma_start3A_38 = arith.constant 0 : i32
        %dma_start3A_39 = tpu.memref_slice %arg5[%dma_start3A_37, %dma_start3A_38] : memref<10000x64xf32, #tpu.memory_space<hbm>> -> memref<16x64xf32, #tpu.memory_space<hbm>>
        tpu.enqueue_dma source(%dma_start3A_39 : memref<16x64xf32, #tpu.memory_space<hbm>>) target(%dma_start3A_36 : memref<16x64xf32, #tpu.memory_space<vmem_shared>>) target_semaphore(%run_scoped3A_33 : memref<!tpu.dma_semaphore, #tpu.memory_space<semaphore_mem>>)
        %dma_wait3A_40 = arith.constant 9984 : i32
        %dma_wait3A_41 = arith.constant 0 : i32
        %dma_wait3A_42 = tpu.memref_slice %arg13[%dma_wait3A_40, %dma_wait3A_41] : memref<10000x64xf32, #tpu.memory_space<vmem_shared>> -> memref<16x64xf32, #tpu.memory_space<vmem_shared>>
        %dma_wait3A_43 = arith.constant 9984 : i32
        %dma_wait3A_44 = arith.constant 0 : i32
        %dma_wait3A_45 = tpu.memref_slice %arg5[%dma_wait3A_43, %dma_wait3A_44] : memref<10000x64xf32, #tpu.memory_space<hbm>> -> memref<16x64xf32, #tpu.memory_space<hbm>>
        tpu.wait_dma2 semaphore(%run_scoped3A_33 : memref<!tpu.dma_semaphore, #tpu.memory_space<semaphore_mem>>) src(%dma_wait3A_45 : memref<16x64xf32, #tpu.memory_space<hbm>>) dst(%dma_wait3A_42 : memref<16x64xf32, #tpu.memory_space<vmem_shared>>)
        tpu.yield
      }) : () -> ()
    } else {
    }
    %barrier3A = arith.constant 0 : index
    tpu.barrier barrier_id(%barrier3A)
    "tpu.region"() ({
      %run_scoped3A_33 = tpu.sem_alloc : memref<!tpu.dma_semaphore, #tpu.memory_space<semaphore_mem>>
      %dma_start3A_34 = tpu.memref_slice %arg3[%mul3A_2] : memref<320000xi32, #tpu.memory_space<hbm>> -> memref<400xi32, #tpu.memory_space<hbm>>
      %dma_start3A_35 = tpu.memref_slice %arg3[%mul3A_2] : memref<320000xi32, #tpu.memory_space<hbm>> -> memref<400xi32, #tpu.memory_space<hbm>>
      tpu.enqueue_dma source(%dma_start3A_35 : memref<400xi32, #tpu.memory_space<hbm>>) target(%arg7 : memref<400xi32, #tpu.memory_space<vmem>>) target_semaphore(%run_scoped3A_33 : memref<!tpu.dma_semaphore, #tpu.memory_space<semaphore_mem>>)
      %dma_wait3A_36 = tpu.memref_slice %arg3[%mul3A_2] : memref<320000xi32, #tpu.memory_space<hbm>> -> memref<400xi32, #tpu.memory_space<hbm>>
      %dma_wait3A_37 = tpu.memref_slice %arg3[%mul3A_2] : memref<320000xi32, #tpu.memory_space<hbm>> -> memref<400xi32, #tpu.memory_space<hbm>>
      tpu.wait_dma2 semaphore(%run_scoped3A_33 : memref<!tpu.dma_semaphore, #tpu.memory_space<semaphore_mem>>) src(%dma_wait3A_37 : memref<400xi32, #tpu.memory_space<hbm>>) dst(%arg7 : memref<400xi32, #tpu.memory_space<vmem>>)
      tpu.yield
    }) : () -> ()
    "tpu.region"() ({
      %run_scoped3A_33 = tpu.sem_alloc : memref<!tpu.dma_semaphore, #tpu.memory_space<semaphore_mem>>
      %dma_start3A_34 = tpu.memref_slice %arg4[%mul3A_2] : memref<320000xi32, #tpu.memory_space<hbm>> -> memref<400xi32, #tpu.memory_space<hbm>>
      %dma_start3A_35 = tpu.memref_slice %arg4[%mul3A_2] : memref<320000xi32, #tpu.memory_space<hbm>> -> memref<400xi32, #tpu.memory_space<hbm>>
      tpu.enqueue_dma source(%dma_start3A_35 : memref<400xi32, #tpu.memory_space<hbm>>) target(%arg8 : memref<400xi32, #tpu.memory_space<vmem>>) target_semaphore(%run_scoped3A_33 : memref<!tpu.dma_semaphore, #tpu.memory_space<semaphore_mem>>)
      %dma_wait3A_36 = tpu.memref_slice %arg4[%mul3A_2] : memref<320000xi32, #tpu.memory_space<hbm>> -> memref<400xi32, #tpu.memory_space<hbm>>
      %dma_wait3A_37 = tpu.memref_slice %arg4[%mul3A_2] : memref<320000xi32, #tpu.memory_space<hbm>> -> memref<400xi32, #tpu.memory_space<hbm>>
      tpu.wait_dma2 semaphore(%run_scoped3A_33 : memref<!tpu.dma_semaphore, #tpu.memory_space<semaphore_mem>>) src(%dma_wait3A_37 : memref<400xi32, #tpu.memory_space<hbm>>) dst(%arg8 : memref<400xi32, #tpu.memory_space<vmem>>)
      tpu.yield
    }) : () -> ()
    %dma_start3A = arith.constant 0 : i32
    %dma_start3A_9 = arith.constant 0 : i32
    %dma_start3A_10 = tpu.memref_slice %arg2[%dma_start3A, %dma_start3A_9] : memref<10000x64xf32, #tpu.memory_space<hbm>> -> memref<10000x64xf32, #tpu.memory_space<hbm>>
    tpu.enqueue_indirect_dma source(%dma_start3A_10 : memref<10000x64xf32, #tpu.memory_space<hbm>>) target(%arg9 : memref<400x64xf32, #tpu.memory_space<vmem>>) offsets(%arg7 : memref<400xi32, #tpu.memory_space<vmem>>) semaphore(%arg14 : memref<!tpu.dma_semaphore, #tpu.memory_space<semaphore_mem>>)
    %add3A_11 = arith.constant 400 : i32
    %add3A_12 = arith.addi %mul3A_2, %add3A_11 : i32
    "tpu.region"() ({
      %run_scoped3A_33 = tpu.sem_alloc : memref<!tpu.dma_semaphore, #tpu.memory_space<semaphore_mem>>
      %dma_start3A_34 = tpu.memref_slice %arg3[%add3A_12] : memref<320000xi32, #tpu.memory_space<hbm>> -> memref<400xi32, #tpu.memory_space<hbm>>
      %dma_start3A_35 = tpu.memref_slice %arg3[%add3A_12] : memref<320000xi32, #tpu.memory_space<hbm>> -> memref<400xi32, #tpu.memory_space<hbm>>
      tpu.enqueue_dma source(%dma_start3A_35 : memref<400xi32, #tpu.memory_space<hbm>>) target(%arg10 : memref<400xi32, #tpu.memory_space<vmem>>) target_semaphore(%run_scoped3A_33 : memref<!tpu.dma_semaphore, #tpu.memory_space<semaphore_mem>>)
      %dma_wait3A_36 = tpu.memref_slice %arg3[%add3A_12] : memref<320000xi32, #tpu.memory_space<hbm>> -> memref<400xi32, #tpu.memory_space<hbm>>
      %dma_wait3A_37 = tpu.memref_slice %arg3[%add3A_12] : memref<320000xi32, #tpu.memory_space<hbm>> -> memref<400xi32, #tpu.memory_space<hbm>>
      tpu.wait_dma2 semaphore(%run_scoped3A_33 : memref<!tpu.dma_semaphore, #tpu.memory_space<semaphore_mem>>) src(%dma_wait3A_37 : memref<400xi32, #tpu.memory_space<hbm>>) dst(%arg10 : memref<400xi32, #tpu.memory_space<vmem>>)
      tpu.yield
    }) : () -> ()
    "tpu.region"() ({
      %run_scoped3A_33 = tpu.sem_alloc : memref<!tpu.dma_semaphore, #tpu.memory_space<semaphore_mem>>
      %dma_start3A_34 = tpu.memref_slice %arg4[%add3A_12] : memref<320000xi32, #tpu.memory_space<hbm>> -> memref<400xi32, #tpu.memory_space<hbm>>
      %dma_start3A_35 = tpu.memref_slice %arg4[%add3A_12] : memref<320000xi32, #tpu.memory_space<hbm>> -> memref<400xi32, #tpu.memory_space<hbm>>
      tpu.enqueue_dma source(%dma_start3A_35 : memref<400xi32, #tpu.memory_space<hbm>>) target(%arg11 : memref<400xi32, #tpu.memory_space<vmem>>) target_semaphore(%run_scoped3A_33 : memref<!tpu.dma_semaphore, #tpu.memory_space<semaphore_mem>>)
      %dma_wait3A_36 = tpu.memref_slice %arg4[%add3A_12] : memref<320000xi32, #tpu.memory_space<hbm>> -> memref<400xi32, #tpu.memory_space<hbm>>
      %dma_wait3A_37 = tpu.memref_slice %arg4[%add3A_12] : memref<320000xi32, #tpu.memory_space<hbm>> -> memref<400xi32, #tpu.memory_space<hbm>>
      tpu.wait_dma2 semaphore(%run_scoped3A_33 : memref<!tpu.dma_semaphore, #tpu.memory_space<semaphore_mem>>) src(%dma_wait3A_37 : memref<400xi32, #tpu.memory_space<hbm>>) dst(%arg11 : memref<400xi32, #tpu.memory_space<vmem>>)
      tpu.yield
    }) : () -> ()
    %dma_start3A_13 = arith.constant 0 : i32
    %dma_start3A_14 = arith.constant 0 : i32
    %dma_start3A_15 = tpu.memref_slice %arg2[%dma_start3A_13, %dma_start3A_14] : memref<10000x64xf32, #tpu.memory_space<hbm>> -> memref<10000x64xf32, #tpu.memory_space<hbm>>
    tpu.enqueue_indirect_dma source(%dma_start3A_15 : memref<10000x64xf32, #tpu.memory_space<hbm>>) target(%arg12 : memref<400x64xf32, #tpu.memory_space<vmem>>) offsets(%arg10 : memref<400xi32, #tpu.memory_space<vmem>>) semaphore(%arg15 : memref<!tpu.dma_semaphore, #tpu.memory_space<semaphore_mem>>)
    %dma_wait3A = arith.constant 0 : i32
    %dma_wait3A_16 = arith.constant 0 : i32
    %dma_wait3A_17 = tpu.memref_slice %arg2[%dma_wait3A, %dma_wait3A_16] : memref<10000x64xf32, #tpu.memory_space<hbm>> -> memref<10000x64xf32, #tpu.memory_space<hbm>>
    tpu.wait_indirect_dma semaphore(%arg14 : memref<!tpu.dma_semaphore, #tpu.memory_space<semaphore_mem>>) src(%dma_wait3A_17 : memref<10000x64xf32, #tpu.memory_space<hbm>>) dst(%arg9 : memref<400x64xf32, #tpu.memory_space<vmem>>)
    %scan3A = arith.constant 0 : i32
    %scan3A_18 = arith.constant 0 : i32
    %scan3A_19 = arith.constant 12 : i32
    %scan3A_20 = arith.addi %scan3A_18, %scan3A_19 : i32
    %scan3A_21 = arith.constant 1 : i32
    scf.for %scan3A_33 = %scan3A_18 to %scan3A_20 step %scan3A_21  : i32 {
      %mul3A_34 = arith.constant 2 : i32
      %mul3A_35 = arith.muli %mul3A_34, %scan3A_33 : i32
      %add3A_36 = arith.constant 1 : i32
      %add3A_37 = arith.addi %mul3A_35, %add3A_36 : i32
      %dma_wait3A_38 = arith.constant 0 : i32
      %dma_wait3A_39 = arith.constant 0 : i32
      %dma_wait3A_40 = tpu.memref_slice %arg2[%dma_wait3A_38, %dma_wait3A_39] : memref<10000x64xf32, #tpu.memory_space<hbm>> -> memref<10000x64xf32, #tpu.memory_space<hbm>>
      tpu.wait_indirect_dma semaphore(%arg15 : memref<!tpu.dma_semaphore, #tpu.memory_space<semaphore_mem>>) src(%dma_wait3A_40 : memref<10000x64xf32, #tpu.memory_space<hbm>>) dst(%arg12 : memref<400x64xf32, #tpu.memory_space<vmem>>)
      %add3A_41 = arith.constant 1 : i32
      %add3A_42 = arith.addi %add3A_37, %add3A_41 : i32
      %mul3A_43 = arith.constant 400 : i32
      %mul3A_44 = arith.muli %add3A_42, %mul3A_43 : i32
      %add3A_45 = arith.addi %mul3A_2, %mul3A_44 : i32
      "tpu.region"() ({
        %run_scoped3A_58 = tpu.sem_alloc : memref<!tpu.dma_semaphore, #tpu.memory_space<semaphore_mem>>
        %dma_start3A_59 = tpu.memref_slice %arg3[%add3A_45] : memref<320000xi32, #tpu.memory_space<hbm>> -> memref<400xi32, #tpu.memory_space<hbm>>
        %dma_start3A_60 = tpu.memref_slice %arg3[%add3A_45] : memref<320000xi32, #tpu.memory_space<hbm>> -> memref<400xi32, #tpu.memory_space<hbm>>
        tpu.enqueue_dma source(%dma_start3A_60 : memref<400xi32, #tpu.memory_space<hbm>>) target(%arg7 : memref<400xi32, #tpu.memory_space<vmem>>) target_semaphore(%run_scoped3A_58 : memref<!tpu.dma_semaphore, #tpu.memory_space<semaphore_mem>>)
        %dma_wait3A_61 = tpu.memref_slice %arg3[%add3A_45] : memref<320000xi32, #tpu.memory_space<hbm>> -> memref<400xi32, #tpu.memory_space<hbm>>
        %dma_wait3A_62 = tpu.memref_slice %arg3[%add3A_45] : memref<320000xi32, #tpu.memory_space<hbm>> -> memref<400xi32, #tpu.memory_space<hbm>>
        tpu.wait_dma2 semaphore(%run_scoped3A_58 : memref<!tpu.dma_semaphore, #tpu.memory_space<semaphore_mem>>) src(%dma_wait3A_62 : memref<400xi32, #tpu.memory_space<hbm>>) dst(%arg7 : memref<400xi32, #tpu.memory_space<vmem>>)
        tpu.yield
      }) : () -> ()
      "tpu.region"() ({
        %run_scoped3A_58 = tpu.sem_alloc : memref<!tpu.dma_semaphore, #tpu.memory_space<semaphore_mem>>
        %dma_start3A_59 = tpu.memref_slice %arg4[%add3A_45] : memref<320000xi32, #tpu.memory_space<hbm>> -> memref<400xi32, #tpu.memory_space<hbm>>
        %dma_start3A_60 = tpu.memref_slice %arg4[%add3A_45] : memref<320000xi32, #tpu.memory_space<hbm>> -> memref<400xi32, #tpu.memory_space<hbm>>
        tpu.enqueue_dma source(%dma_start3A_60 : memref<400xi32, #tpu.memory_space<hbm>>) target(%arg8 : memref<400xi32, #tpu.memory_space<vmem>>) target_semaphore(%run_scoped3A_58 : memref<!tpu.dma_semaphore, #tpu.memory_space<semaphore_mem>>)
        %dma_wait3A_61 = tpu.memref_slice %arg4[%add3A_45] : memref<320000xi32, #tpu.memory_space<hbm>> -> memref<400xi32, #tpu.memory_space<hbm>>
        %dma_wait3A_62 = tpu.memref_slice %arg4[%add3A_45] : memref<320000xi32, #tpu.memory_space<hbm>> -> memref<400xi32, #tpu.memory_space<hbm>>
        tpu.wait_dma2 semaphore(%run_scoped3A_58 : memref<!tpu.dma_semaphore, #tpu.memory_space<semaphore_mem>>) src(%dma_wait3A_62 : memref<400xi32, #tpu.memory_space<hbm>>) dst(%arg8 : memref<400xi32, #tpu.memory_space<vmem>>)
        tpu.yield
      }) : () -> ()
      %dma_start3A_46 = arith.constant 0 : i32
      %dma_start3A_47 = arith.constant 0 : i32
      %dma_start3A_48 = tpu.memref_slice %arg2[%dma_start3A_46, %dma_start3A_47] : memref<10000x64xf32, #tpu.memory_space<hbm>> -> memref<10000x64xf32, #tpu.memory_space<hbm>>
      tpu.enqueue_indirect_dma source(%dma_start3A_48 : memref<10000x64xf32, #tpu.memory_space<hbm>>) target(%arg9 : memref<400x64xf32, #tpu.memory_space<vmem>>) offsets(%arg7 : memref<400xi32, #tpu.memory_space<vmem>>) semaphore(%arg14 : memref<!tpu.dma_semaphore, #tpu.memory_space<semaphore_mem>>)
      %dma_wait3A_49 = arith.constant 0 : i32
      %dma_wait3A_50 = arith.constant 0 : i32
      %dma_wait3A_51 = tpu.memref_slice %arg2[%dma_wait3A_49, %dma_wait3A_50] : memref<10000x64xf32, #tpu.memory_space<hbm>> -> memref<10000x64xf32, #tpu.memory_space<hbm>>
      tpu.wait_indirect_dma semaphore(%arg14 : memref<!tpu.dma_semaphore, #tpu.memory_space<semaphore_mem>>) src(%dma_wait3A_51 : memref<10000x64xf32, #tpu.memory_space<hbm>>) dst(%arg9 : memref<400x64xf32, #tpu.memory_space<vmem>>)
      %add3A_52 = arith.constant 2 : i32
      %add3A_53 = arith.addi %add3A_37, %add3A_52 : i32
      %le3A = arith.constant 24 : i32
      %le3A_54 = arith.cmpi sle, %add3A_53, %le3A : i32
      %convert_element_type3A_55 = arith.extui %le3A_54 : i1 to i32
      %cond3A_56 = arith.constant 0 : i32
      %cond3A_57 = arith.cmpi ne, %convert_element_type3A_55, %cond3A_56 : i32
      scf.if %cond3A_57 {
        %add3A_58 = arith.constant 2 : i32
        %add3A_59 = arith.addi %add3A_37, %add3A_58 : i32
        %mul3A_60 = arith.constant 400 : i32
        %mul3A_61 = arith.muli %add3A_59, %mul3A_60 : i32
        %add3A_62 = arith.addi %mul3A_2, %mul3A_61 : i32
        "tpu.region"() ({
          %run_scoped3A_66 = tpu.sem_alloc : memref<!tpu.dma_semaphore, #tpu.memory_space<semaphore_mem>>
          %dma_start3A_67 = tpu.memref_slice %arg3[%add3A_62] : memref<320000xi32, #tpu.memory_space<hbm>> -> memref<400xi32, #tpu.memory_space<hbm>>
          %dma_start3A_68 = tpu.memref_slice %arg3[%add3A_62] : memref<320000xi32, #tpu.memory_space<hbm>> -> memref<400xi32, #tpu.memory_space<hbm>>
          tpu.enqueue_dma source(%dma_start3A_68 : memref<400xi32, #tpu.memory_space<hbm>>) target(%arg10 : memref<400xi32, #tpu.memory_space<vmem>>) target_semaphore(%run_scoped3A_66 : memref<!tpu.dma_semaphore, #tpu.memory_space<semaphore_mem>>)
          %dma_wait3A_69 = tpu.memref_slice %arg3[%add3A_62] : memref<320000xi32, #tpu.memory_space<hbm>> -> memref<400xi32, #tpu.memory_space<hbm>>
          %dma_wait3A_70 = tpu.memref_slice %arg3[%add3A_62] : memref<320000xi32, #tpu.memory_space<hbm>> -> memref<400xi32, #tpu.memory_space<hbm>>
          tpu.wait_dma2 semaphore(%run_scoped3A_66 : memref<!tpu.dma_semaphore, #tpu.memory_space<semaphore_mem>>) src(%dma_wait3A_70 : memref<400xi32, #tpu.memory_space<hbm>>) dst(%arg10 : memref<400xi32, #tpu.memory_space<vmem>>)
          tpu.yield
        }) : () -> ()
        "tpu.region"() ({
          %run_scoped3A_66 = tpu.sem_alloc : memref<!tpu.dma_semaphore, #tpu.memory_space<semaphore_mem>>
          %dma_start3A_67 = tpu.memref_slice %arg4[%add3A_62] : memref<320000xi32, #tpu.memory_space<hbm>> -> memref<400xi32, #tpu.memory_space<hbm>>
          %dma_start3A_68 = tpu.memref_slice %arg4[%add3A_62] : memref<320000xi32, #tpu.memory_space<hbm>> -> memref<400xi32, #tpu.memory_space<hbm>>
          tpu.enqueue_dma source(%dma_start3A_68 : memref<400xi32, #tpu.memory_space<hbm>>) target(%arg11 : memref<400xi32, #tpu.memory_space<vmem>>) target_semaphore(%run_scoped3A_66 : memref<!tpu.dma_semaphore, #tpu.memory_space<semaphore_mem>>)
          %dma_wait3A_69 = tpu.memref_slice %arg4[%add3A_62] : memref<320000xi32, #tpu.memory_space<hbm>> -> memref<400xi32, #tpu.memory_space<hbm>>
          %dma_wait3A_70 = tpu.memref_slice %arg4[%add3A_62] : memref<320000xi32, #tpu.memory_space<hbm>> -> memref<400xi32, #tpu.memory_space<hbm>>
          tpu.wait_dma2 semaphore(%run_scoped3A_66 : memref<!tpu.dma_semaphore, #tpu.memory_space<semaphore_mem>>) src(%dma_wait3A_70 : memref<400xi32, #tpu.memory_space<hbm>>) dst(%arg11 : memref<400xi32, #tpu.memory_space<vmem>>)
          tpu.yield
        }) : () -> ()
        %dma_start3A_63 = arith.constant 0 : i32
        %dma_start3A_64 = arith.constant 0 : i32
        %dma_start3A_65 = tpu.memref_slice %arg2[%dma_start3A_63, %dma_start3A_64] : memref<10000x64xf32, #tpu.memory_space<hbm>> -> memref<10000x64xf32, #tpu.memory_space<hbm>>
        tpu.enqueue_indirect_dma source(%dma_start3A_65 : memref<10000x64xf32, #tpu.memory_space<hbm>>) target(%arg12 : memref<400x64xf32, #tpu.memory_space<vmem>>) offsets(%arg10 : memref<400xi32, #tpu.memory_space<vmem>>) semaphore(%arg15 : memref<!tpu.dma_semaphore, #tpu.memory_space<semaphore_mem>>)
      } else {
      }
    }
    %scan3A_22 = arith.constant 12 : i32
    %barrier3A_23 = arith.constant 0 : index
    tpu.barrier barrier_id(%barrier3A_23)
    %mul3A_24 = arith.constant 624 : i32
    %mul3A_25 = arith.muli %arg1, %mul3A_24 : i32
    %mul3A_26 = arith.constant 624 : i32
    %mul3A_27 = arith.muli %arg1, %mul3A_26 : i32
    %run_scoped3A = arith.constant 0 : i32
    "tpu.region"() ({
      %run_scoped3A_33 = tpu.sem_alloc : memref<!tpu.dma_semaphore, #tpu.memory_space<semaphore_mem>>
      %dma_start3A_34 = arith.constant 0 : i32
      %dma_start3A_35 = tpu.memref_slice %arg6[%arg0, %run_scoped3A, %mul3A_27, %dma_start3A_34] : memref<2x1x10000x64xf32, #tpu.memory_space<hbm>> -> memref<1x1x624x64xf32, #tpu.memory_space<hbm>>
      %dma_start3A_36 = tpu.memref_squeeze %dma_start3A_35 : memref<1x1x624x64xf32, #tpu.memory_space<hbm>> -> memref<624x64xf32, #tpu.memory_space<hbm>>
      %dma_start3A_37 = arith.constant 0 : i32
      %dma_start3A_38 = tpu.memref_slice %arg13[%mul3A_25, %dma_start3A_37] : memref<10000x64xf32, #tpu.memory_space<vmem_shared>> -> memref<624x64xf32, #tpu.memory_space<vmem_shared>>
      tpu.enqueue_dma source(%dma_start3A_38 : memref<624x64xf32, #tpu.memory_space<vmem_shared>>) target(%dma_start3A_36 : memref<624x64xf32, #tpu.memory_space<hbm>>) target_semaphore(%run_scoped3A_33 : memref<!tpu.dma_semaphore, #tpu.memory_space<semaphore_mem>>)
      %dma_wait3A_39 = arith.constant 0 : i32
      %dma_wait3A_40 = tpu.memref_slice %arg6[%arg0, %run_scoped3A, %mul3A_27, %dma_wait3A_39] : memref<2x1x10000x64xf32, #tpu.memory_space<hbm>> -> memref<1x1x624x64xf32, #tpu.memory_space<hbm>>
      %dma_wait3A_41 = tpu.memref_squeeze %dma_wait3A_40 : memref<1x1x624x64xf32, #tpu.memory_space<hbm>> -> memref<624x64xf32, #tpu.memory_space<hbm>>
      %dma_wait3A_42 = arith.constant 0 : i32
      %dma_wait3A_43 = tpu.memref_slice %arg13[%mul3A_25, %dma_wait3A_42] : memref<10000x64xf32, #tpu.memory_space<vmem_shared>> -> memref<624x64xf32, #tpu.memory_space<vmem_shared>>
      tpu.wait_dma2 semaphore(%run_scoped3A_33 : memref<!tpu.dma_semaphore, #tpu.memory_space<semaphore_mem>>) src(%dma_wait3A_43 : memref<624x64xf32, #tpu.memory_space<vmem_shared>>) dst(%dma_wait3A_41 : memref<624x64xf32, #tpu.memory_space<hbm>>)
      tpu.yield
    }) : () -> ()
    %eq3A_28 = arith.constant 0 : i32
    %eq3A_29 = arith.cmpi eq, %arg1, %eq3A_28 : i32
    %convert_element_type3A_30 = arith.extui %eq3A_29 : i1 to i32
    %cond3A_31 = arith.constant 0 : i32
    %cond3A_32 = arith.cmpi ne, %convert_element_type3A_30, %cond3A_31 : i32
    scf.if %cond3A_32 {
      %run_scoped3A_33 = arith.constant 0 : i32
      "tpu.region"() ({
        %run_scoped3A_34 = tpu.sem_alloc : memref<!tpu.dma_semaphore, #tpu.memory_space<semaphore_mem>>
        %dma_start3A_35 = arith.constant 9984 : i32
        %dma_start3A_36 = arith.constant 0 : i32
        %dma_start3A_37 = tpu.memref_slice %arg6[%arg0, %run_scoped3A_33, %dma_start3A_35, %dma_start3A_36] : memref<2x1x10000x64xf32, #tpu.memory_space<hbm>> -> memref<1x1x16x64xf32, #tpu.memory_space<hbm>>
        %dma_start3A_38 = tpu.memref_squeeze %dma_start3A_37 : memref<1x1x16x64xf32, #tpu.memory_space<hbm>> -> memref<16x64xf32, #tpu.memory_space<hbm>>
        %dma_start3A_39 = arith.constant 9984 : i32
        %dma_start3A_40 = arith.constant 0 : i32
        %dma_start3A_41 = tpu.memref_slice %arg13[%dma_start3A_39, %dma_start3A_40] : memref<10000x64xf32, #tpu.memory_space<vmem_shared>> -> memref<16x64xf32, #tpu.memory_space<vmem_shared>>
        tpu.enqueue_dma source(%dma_start3A_41 : memref<16x64xf32, #tpu.memory_space<vmem_shared>>) target(%dma_start3A_38 : memref<16x64xf32, #tpu.memory_space<hbm>>) target_semaphore(%run_scoped3A_34 : memref<!tpu.dma_semaphore, #tpu.memory_space<semaphore_mem>>)
        %dma_wait3A_42 = arith.constant 9984 : i32
        %dma_wait3A_43 = arith.constant 0 : i32
        %dma_wait3A_44 = tpu.memref_slice %arg6[%arg0, %run_scoped3A_33, %dma_wait3A_42, %dma_wait3A_43] : memref<2x1x10000x64xf32, #tpu.memory_space<hbm>> -> memref<1x1x16x64xf32, #tpu.memory_space<hbm>>
        %dma_wait3A_45 = tpu.memref_squeeze %dma_wait3A_44 : memref<1x1x16x64xf32, #tpu.memory_space<hbm>> -> memref<16x64xf32, #tpu.memory_space<hbm>>
        %dma_wait3A_46 = arith.constant 9984 : i32
        %dma_wait3A_47 = arith.constant 0 : i32
        %dma_wait3A_48 = tpu.memref_slice %arg13[%dma_wait3A_46, %dma_wait3A_47] : memref<10000x64xf32, #tpu.memory_space<vmem_shared>> -> memref<16x64xf32, #tpu.memory_space<vmem_shared>>
        tpu.wait_dma2 semaphore(%run_scoped3A_34 : memref<!tpu.dma_semaphore, #tpu.memory_space<semaphore_mem>>) src(%dma_wait3A_48 : memref<16x64xf32, #tpu.memory_space<vmem_shared>>) dst(%dma_wait3A_45 : memref<16x64xf32, #tpu.memory_space<hbm>>)
        tpu.yield
      }) : () -> ()
    } else {
    }
    return
  }
}

#map = affine_map<(d0, d1) -> (0, 0)>
#map1 = affine_map<(d0, d1) -> (0)>
#map2 = affine_map<(d0, d1) -> (0, 0, 0, 0)>
module attributes {stable_mosaic.version = 14 : i64} {
  func.func @agg(%arg0: i32, %arg1: i32, %arg2: memref<10000x64xf32, #tpu.memory_space<hbm>>, %arg3: memref<320000xi32, #tpu.memory_space<hbm>>, %arg4: memref<320000xi32, #tpu.memory_space<hbm>>, %arg5: memref<10000x64xf32, #tpu.memory_space<hbm>>, %arg6: memref<2x1x10000x64xf32, #tpu.memory_space<hbm>>, %arg7: memref<400xi32, #tpu.memory_space<vmem>>, %arg8: memref<400xi32, #tpu.memory_space<vmem>>, %arg9: memref<400x64xf32, #tpu.memory_space<vmem>>, %arg10: memref<400xi32, #tpu.memory_space<vmem>>, %arg11: memref<400xi32, #tpu.memory_space<vmem>>, %arg12: memref<400x64xf32, #tpu.memory_space<vmem>>, %arg13: memref<10000x64xf32, #tpu.memory_space<vmem_shared>>, %arg14: memref<!tpu.dma_semaphore, #tpu.memory_space<semaphore_mem>>, %arg15: memref<!tpu.dma_semaphore, #tpu.memory_space<semaphore_mem>>, %arg16: memref<!tpu.dma_semaphore, #tpu.memory_space<semaphore_mem>>, %arg17: memref<!tpu.dma_semaphore, #tpu.memory_space<semaphore_mem>>) attributes {dimension_semantics = [#tpu.dimension_semantics<core_parallel>, #tpu.dimension_semantics<subcore_parallel>], iteration_bounds = array<i64: 2, 16>, scalar_prefetch = 0 : i64, scratch_operands = 11 : i64, tpu.core_type = #tpu.core_type<sc_vector_subcore>, window_params = [{transform_indices = #map}, {transform_indices = #map1}, {transform_indices = #map1}, {transform_indices = #map}, {transform_indices = #map2}]} {
    %mul3A = arith.constant 16 : i32
    %mul3A_0 = arith.muli %arg0, %mul3A : i32
    %add3A = arith.addi %mul3A_0, %arg1 : i32
    %mul3A_1 = arith.constant 10000 : i32
    %mul3A_2 = arith.muli %add3A, %mul3A_1 : i32
    %mul3A_3 = arith.constant 624 : i32
    %mul3A_4 = arith.muli %arg1, %mul3A_3 : i32
    %mul3A_5 = arith.constant 624 : i32
    %mul3A_6 = arith.muli %arg1, %mul3A_5 : i32
    "tpu.region"() ({
      %run_scoped3A_33 = tpu.sem_alloc : memref<!tpu.dma_semaphore, #tpu.memory_space<semaphore_mem>>
      %dma_start3A_34 = arith.constant 0 : i32
      %dma_start3A_35 = tpu.memref_slice %arg13[%mul3A_6, %dma_start3A_34] : memref<10000x64xf32, #tpu.memory_space<vmem_shared>> -> memref<624x64xf32, #tpu.memory_space<vmem_shared>>
      %dma_start3A_36 = arith.constant 0 : i32
      %dma_start3A_37 = tpu.memref_slice %arg5[%mul3A_4, %dma_start3A_36] : memref<10000x64xf32, #tpu.memory_space<hbm>> -> memref<624x64xf32, #tpu.memory_space<hbm>>
      tpu.enqueue_dma source(%dma_start3A_37 : memref<624x64xf32, #tpu.memory_space<hbm>>) target(%dma_start3A_35 : memref<624x64xf32, #tpu.memory_space<vmem_shared>>) target_semaphore(%run_scoped3A_33 : memref<!tpu.dma_semaphore, #tpu.memory_space<semaphore_mem>>)
      %dma_wait3A_38 = arith.constant 0 : i32
      %dma_wait3A_39 = tpu.memref_slice %arg13[%mul3A_6, %dma_wait3A_38] : memref<10000x64xf32, #tpu.memory_space<vmem_shared>> -> memref<624x64xf32, #tpu.memory_space<vmem_shared>>
      %dma_wait3A_40 = arith.constant 0 : i32
      %dma_wait3A_41 = tpu.memref_slice %arg5[%mul3A_4, %dma_wait3A_40] : memref<10000x64xf32, #tpu.memory_space<hbm>> -> memref<624x64xf32, #tpu.memory_space<hbm>>
      tpu.wait_dma2 semaphore(%run_scoped3A_33 : memref<!tpu.dma_semaphore, #tpu.memory_space<semaphore_mem>>) src(%dma_wait3A_41 : memref<624x64xf32, #tpu.memory_space<hbm>>) dst(%dma_wait3A_39 : memref<624x64xf32, #tpu.memory_space<vmem_shared>>)
      tpu.yield
    }) : () -> ()
    %eq3A = arith.constant 0 : i32
    %eq3A_7 = arith.cmpi eq, %arg1, %eq3A : i32
    %convert_element_type3A = arith.extui %eq3A_7 : i1 to i32
    %cond3A = arith.constant 0 : i32
    %cond3A_8 = arith.cmpi ne, %convert_element_type3A, %cond3A : i32
    scf.if %cond3A_8 {
      "tpu.region"() ({
        %run_scoped3A_33 = tpu.sem_alloc : memref<!tpu.dma_semaphore, #tpu.memory_space<semaphore_mem>>
        %dma_start3A_34 = arith.constant 9984 : i32
        %dma_start3A_35 = arith.constant 0 : i32
        %dma_start3A_36 = tpu.memref_slice %arg13[%dma_start3A_34, %dma_start3A_35] : memref<10000x64xf32, #tpu.memory_space<vmem_shared>> -> memref<16x64xf32, #tpu.memory_space<vmem_shared>>
        %dma_start3A_37 = arith.constant 9984 : i32
        %dma_start3A_38 = arith.constant 0 : i32
        %dma_start3A_39 = tpu.memref_slice %arg5[%dma_start3A_37, %dma_start3A_38] : memref<10000x64xf32, #tpu.memory_space<hbm>> -> memref<16x64xf32, #tpu.memory_space<hbm>>
        tpu.enqueue_dma source(%dma_start3A_39 : memref<16x64xf32, #tpu.memory_space<hbm>>) target(%dma_start3A_36 : memref<16x64xf32, #tpu.memory_space<vmem_shared>>) target_semaphore(%run_scoped3A_33 : memref<!tpu.dma_semaphore, #tpu.memory_space<semaphore_mem>>)
        %dma_wait3A_40 = arith.constant 9984 : i32
        %dma_wait3A_41 = arith.constant 0 : i32
        %dma_wait3A_42 = tpu.memref_slice %arg13[%dma_wait3A_40, %dma_wait3A_41] : memref<10000x64xf32, #tpu.memory_space<vmem_shared>> -> memref<16x64xf32, #tpu.memory_space<vmem_shared>>
        %dma_wait3A_43 = arith.constant 9984 : i32
        %dma_wait3A_44 = arith.constant 0 : i32
        %dma_wait3A_45 = tpu.memref_slice %arg5[%dma_wait3A_43, %dma_wait3A_44] : memref<10000x64xf32, #tpu.memory_space<hbm>> -> memref<16x64xf32, #tpu.memory_space<hbm>>
        tpu.wait_dma2 semaphore(%run_scoped3A_33 : memref<!tpu.dma_semaphore, #tpu.memory_space<semaphore_mem>>) src(%dma_wait3A_45 : memref<16x64xf32, #tpu.memory_space<hbm>>) dst(%dma_wait3A_42 : memref<16x64xf32, #tpu.memory_space<vmem_shared>>)
        tpu.yield
      }) : () -> ()
    } else {
    }
    %barrier3A = arith.constant 0 : index
    tpu.barrier barrier_id(%barrier3A)
    "tpu.region"() ({
      %run_scoped3A_33 = tpu.sem_alloc : memref<!tpu.dma_semaphore, #tpu.memory_space<semaphore_mem>>
      %dma_start3A_34 = tpu.memref_slice %arg3[%mul3A_2] : memref<320000xi32, #tpu.memory_space<hbm>> -> memref<400xi32, #tpu.memory_space<hbm>>
      %dma_start3A_35 = tpu.memref_slice %arg3[%mul3A_2] : memref<320000xi32, #tpu.memory_space<hbm>> -> memref<400xi32, #tpu.memory_space<hbm>>
      tpu.enqueue_dma source(%dma_start3A_35 : memref<400xi32, #tpu.memory_space<hbm>>) target(%arg7 : memref<400xi32, #tpu.memory_space<vmem>>) target_semaphore(%run_scoped3A_33 : memref<!tpu.dma_semaphore, #tpu.memory_space<semaphore_mem>>)
      %dma_wait3A_36 = tpu.memref_slice %arg3[%mul3A_2] : memref<320000xi32, #tpu.memory_space<hbm>> -> memref<400xi32, #tpu.memory_space<hbm>>
      %dma_wait3A_37 = tpu.memref_slice %arg3[%mul3A_2] : memref<320000xi32, #tpu.memory_space<hbm>> -> memref<400xi32, #tpu.memory_space<hbm>>
      tpu.wait_dma2 semaphore(%run_scoped3A_33 : memref<!tpu.dma_semaphore, #tpu.memory_space<semaphore_mem>>) src(%dma_wait3A_37 : memref<400xi32, #tpu.memory_space<hbm>>) dst(%arg7 : memref<400xi32, #tpu.memory_space<vmem>>)
      tpu.yield
    }) : () -> ()
    "tpu.region"() ({
      %run_scoped3A_33 = tpu.sem_alloc : memref<!tpu.dma_semaphore, #tpu.memory_space<semaphore_mem>>
      %dma_start3A_34 = tpu.memref_slice %arg4[%mul3A_2] : memref<320000xi32, #tpu.memory_space<hbm>> -> memref<400xi32, #tpu.memory_space<hbm>>
      %dma_start3A_35 = tpu.memref_slice %arg4[%mul3A_2] : memref<320000xi32, #tpu.memory_space<hbm>> -> memref<400xi32, #tpu.memory_space<hbm>>
      tpu.enqueue_dma source(%dma_start3A_35 : memref<400xi32, #tpu.memory_space<hbm>>) target(%arg8 : memref<400xi32, #tpu.memory_space<vmem>>) target_semaphore(%run_scoped3A_33 : memref<!tpu.dma_semaphore, #tpu.memory_space<semaphore_mem>>)
      %dma_wait3A_36 = tpu.memref_slice %arg4[%mul3A_2] : memref<320000xi32, #tpu.memory_space<hbm>> -> memref<400xi32, #tpu.memory_space<hbm>>
      %dma_wait3A_37 = tpu.memref_slice %arg4[%mul3A_2] : memref<320000xi32, #tpu.memory_space<hbm>> -> memref<400xi32, #tpu.memory_space<hbm>>
      tpu.wait_dma2 semaphore(%run_scoped3A_33 : memref<!tpu.dma_semaphore, #tpu.memory_space<semaphore_mem>>) src(%dma_wait3A_37 : memref<400xi32, #tpu.memory_space<hbm>>) dst(%arg8 : memref<400xi32, #tpu.memory_space<vmem>>)
      tpu.yield
    }) : () -> ()
    %dma_start3A = arith.constant 0 : i32
    %dma_start3A_9 = arith.constant 0 : i32
    %dma_start3A_10 = tpu.memref_slice %arg2[%dma_start3A, %dma_start3A_9] : memref<10000x64xf32, #tpu.memory_space<hbm>> -> memref<10000x64xf32, #tpu.memory_space<hbm>>
    tpu.enqueue_indirect_dma source(%dma_start3A_10 : memref<10000x64xf32, #tpu.memory_space<hbm>>) target(%arg9 : memref<400x64xf32, #tpu.memory_space<vmem>>) offsets(%arg7 : memref<400xi32, #tpu.memory_space<vmem>>) semaphore(%arg14 : memref<!tpu.dma_semaphore, #tpu.memory_space<semaphore_mem>>)
    %add3A_11 = arith.constant 400 : i32
    %add3A_12 = arith.addi %mul3A_2, %add3A_11 : i32
    "tpu.region"() ({
      %run_scoped3A_33 = tpu.sem_alloc : memref<!tpu.dma_semaphore, #tpu.memory_space<semaphore_mem>>
      %dma_start3A_34 = tpu.memref_slice %arg3[%add3A_12] : memref<320000xi32, #tpu.memory_space<hbm>> -> memref<400xi32, #tpu.memory_space<hbm>>
      %dma_start3A_35 = tpu.memref_slice %arg3[%add3A_12] : memref<320000xi32, #tpu.memory_space<hbm>> -> memref<400xi32, #tpu.memory_space<hbm>>
      tpu.enqueue_dma source(%dma_start3A_35 : memref<400xi32, #tpu.memory_space<hbm>>) target(%arg10 : memref<400xi32, #tpu.memory_space<vmem>>) target_semaphore(%run_scoped3A_33 : memref<!tpu.dma_semaphore, #tpu.memory_space<semaphore_mem>>)
      %dma_wait3A_36 = tpu.memref_slice %arg3[%add3A_12] : memref<320000xi32, #tpu.memory_space<hbm>> -> memref<400xi32, #tpu.memory_space<hbm>>
      %dma_wait3A_37 = tpu.memref_slice %arg3[%add3A_12] : memref<320000xi32, #tpu.memory_space<hbm>> -> memref<400xi32, #tpu.memory_space<hbm>>
      tpu.wait_dma2 semaphore(%run_scoped3A_33 : memref<!tpu.dma_semaphore, #tpu.memory_space<semaphore_mem>>) src(%dma_wait3A_37 : memref<400xi32, #tpu.memory_space<hbm>>) dst(%arg10 : memref<400xi32, #tpu.memory_space<vmem>>)
      tpu.yield
    }) : () -> ()
    "tpu.region"() ({
      %run_scoped3A_33 = tpu.sem_alloc : memref<!tpu.dma_semaphore, #tpu.memory_space<semaphore_mem>>
      %dma_start3A_34 = tpu.memref_slice %arg4[%add3A_12] : memref<320000xi32, #tpu.memory_space<hbm>> -> memref<400xi32, #tpu.memory_space<hbm>>
      %dma_start3A_35 = tpu.memref_slice %arg4[%add3A_12] : memref<320000xi32, #tpu.memory_space<hbm>> -> memref<400xi32, #tpu.memory_space<hbm>>
      tpu.enqueue_dma source(%dma_start3A_35 : memref<400xi32, #tpu.memory_space<hbm>>) target(%arg11 : memref<400xi32, #tpu.memory_space<vmem>>) target_semaphore(%run_scoped3A_33 : memref<!tpu.dma_semaphore, #tpu.memory_space<semaphore_mem>>)
      %dma_wait3A_36 = tpu.memref_slice %arg4[%add3A_12] : memref<320000xi32, #tpu.memory_space<hbm>> -> memref<400xi32, #tpu.memory_space<hbm>>
      %dma_wait3A_37 = tpu.memref_slice %arg4[%add3A_12] : memref<320000xi32, #tpu.memory_space<hbm>> -> memref<400xi32, #tpu.memory_space<hbm>>
      tpu.wait_dma2 semaphore(%run_scoped3A_33 : memref<!tpu.dma_semaphore, #tpu.memory_space<semaphore_mem>>) src(%dma_wait3A_37 : memref<400xi32, #tpu.memory_space<hbm>>) dst(%arg11 : memref<400xi32, #tpu.memory_space<vmem>>)
      tpu.yield
    }) : () -> ()
    %dma_start3A_13 = arith.constant 0 : i32
    %dma_start3A_14 = arith.constant 0 : i32
    %dma_start3A_15 = tpu.memref_slice %arg2[%dma_start3A_13, %dma_start3A_14] : memref<10000x64xf32, #tpu.memory_space<hbm>> -> memref<10000x64xf32, #tpu.memory_space<hbm>>
    tpu.enqueue_indirect_dma source(%dma_start3A_15 : memref<10000x64xf32, #tpu.memory_space<hbm>>) target(%arg12 : memref<400x64xf32, #tpu.memory_space<vmem>>) offsets(%arg10 : memref<400xi32, #tpu.memory_space<vmem>>) semaphore(%arg15 : memref<!tpu.dma_semaphore, #tpu.memory_space<semaphore_mem>>)
    %dma_wait3A = arith.constant 0 : i32
    %dma_wait3A_16 = arith.constant 0 : i32
    %dma_wait3A_17 = tpu.memref_slice %arg2[%dma_wait3A, %dma_wait3A_16] : memref<10000x64xf32, #tpu.memory_space<hbm>> -> memref<10000x64xf32, #tpu.memory_space<hbm>>
    tpu.wait_indirect_dma semaphore(%arg14 : memref<!tpu.dma_semaphore, #tpu.memory_space<semaphore_mem>>) src(%dma_wait3A_17 : memref<10000x64xf32, #tpu.memory_space<hbm>>) dst(%arg9 : memref<400x64xf32, #tpu.memory_space<vmem>>)
    %scan3A = arith.constant 0 : i32
    %scan3A_18 = arith.constant 0 : i32
    %scan3A_19 = arith.constant 12 : i32
    %scan3A_20 = arith.addi %scan3A_18, %scan3A_19 : i32
    %scan3A_21 = arith.constant 1 : i32
    scf.for %scan3A_33 = %scan3A_18 to %scan3A_20 step %scan3A_21  : i32 {
      %mul3A_34 = arith.constant 2 : i32
      %mul3A_35 = arith.muli %mul3A_34, %scan3A_33 : i32
      %add3A_36 = arith.constant 1 : i32
      %add3A_37 = arith.addi %mul3A_35, %add3A_36 : i32
      %dma_wait3A_38 = arith.constant 0 : i32
      %dma_wait3A_39 = arith.constant 0 : i32
      %dma_wait3A_40 = tpu.memref_slice %arg2[%dma_wait3A_38, %dma_wait3A_39] : memref<10000x64xf32, #tpu.memory_space<hbm>> -> memref<10000x64xf32, #tpu.memory_space<hbm>>
      tpu.wait_indirect_dma semaphore(%arg15 : memref<!tpu.dma_semaphore, #tpu.memory_space<semaphore_mem>>) src(%dma_wait3A_40 : memref<10000x64xf32, #tpu.memory_space<hbm>>) dst(%arg12 : memref<400x64xf32, #tpu.memory_space<vmem>>)
      %add3A_41 = arith.constant 1 : i32
      %add3A_42 = arith.addi %add3A_37, %add3A_41 : i32
      %mul3A_43 = arith.constant 400 : i32
      %mul3A_44 = arith.muli %add3A_42, %mul3A_43 : i32
      %add3A_45 = arith.addi %mul3A_2, %mul3A_44 : i32
      "tpu.region"() ({
        %run_scoped3A_58 = tpu.sem_alloc : memref<!tpu.dma_semaphore, #tpu.memory_space<semaphore_mem>>
        %dma_start3A_59 = tpu.memref_slice %arg3[%add3A_45] : memref<320000xi32, #tpu.memory_space<hbm>> -> memref<400xi32, #tpu.memory_space<hbm>>
        %dma_start3A_60 = tpu.memref_slice %arg3[%add3A_45] : memref<320000xi32, #tpu.memory_space<hbm>> -> memref<400xi32, #tpu.memory_space<hbm>>
        tpu.enqueue_dma source(%dma_start3A_60 : memref<400xi32, #tpu.memory_space<hbm>>) target(%arg7 : memref<400xi32, #tpu.memory_space<vmem>>) target_semaphore(%run_scoped3A_58 : memref<!tpu.dma_semaphore, #tpu.memory_space<semaphore_mem>>)
        %dma_wait3A_61 = tpu.memref_slice %arg3[%add3A_45] : memref<320000xi32, #tpu.memory_space<hbm>> -> memref<400xi32, #tpu.memory_space<hbm>>
        %dma_wait3A_62 = tpu.memref_slice %arg3[%add3A_45] : memref<320000xi32, #tpu.memory_space<hbm>> -> memref<400xi32, #tpu.memory_space<hbm>>
        tpu.wait_dma2 semaphore(%run_scoped3A_58 : memref<!tpu.dma_semaphore, #tpu.memory_space<semaphore_mem>>) src(%dma_wait3A_62 : memref<400xi32, #tpu.memory_space<hbm>>) dst(%arg7 : memref<400xi32, #tpu.memory_space<vmem>>)
        tpu.yield
      }) : () -> ()
      "tpu.region"() ({
        %run_scoped3A_58 = tpu.sem_alloc : memref<!tpu.dma_semaphore, #tpu.memory_space<semaphore_mem>>
        %dma_start3A_59 = tpu.memref_slice %arg4[%add3A_45] : memref<320000xi32, #tpu.memory_space<hbm>> -> memref<400xi32, #tpu.memory_space<hbm>>
        %dma_start3A_60 = tpu.memref_slice %arg4[%add3A_45] : memref<320000xi32, #tpu.memory_space<hbm>> -> memref<400xi32, #tpu.memory_space<hbm>>
        tpu.enqueue_dma source(%dma_start3A_60 : memref<400xi32, #tpu.memory_space<hbm>>) target(%arg8 : memref<400xi32, #tpu.memory_space<vmem>>) target_semaphore(%run_scoped3A_58 : memref<!tpu.dma_semaphore, #tpu.memory_space<semaphore_mem>>)
        %dma_wait3A_61 = tpu.memref_slice %arg4[%add3A_45] : memref<320000xi32, #tpu.memory_space<hbm>> -> memref<400xi32, #tpu.memory_space<hbm>>
        %dma_wait3A_62 = tpu.memref_slice %arg4[%add3A_45] : memref<320000xi32, #tpu.memory_space<hbm>> -> memref<400xi32, #tpu.memory_space<hbm>>
        tpu.wait_dma2 semaphore(%run_scoped3A_58 : memref<!tpu.dma_semaphore, #tpu.memory_space<semaphore_mem>>) src(%dma_wait3A_62 : memref<400xi32, #tpu.memory_space<hbm>>) dst(%arg8 : memref<400xi32, #tpu.memory_space<vmem>>)
        tpu.yield
      }) : () -> ()
      %dma_start3A_46 = arith.constant 0 : i32
      %dma_start3A_47 = arith.constant 0 : i32
      %dma_start3A_48 = tpu.memref_slice %arg2[%dma_start3A_46, %dma_start3A_47] : memref<10000x64xf32, #tpu.memory_space<hbm>> -> memref<10000x64xf32, #tpu.memory_space<hbm>>
      tpu.enqueue_indirect_dma source(%dma_start3A_48 : memref<10000x64xf32, #tpu.memory_space<hbm>>) target(%arg9 : memref<400x64xf32, #tpu.memory_space<vmem>>) offsets(%arg7 : memref<400xi32, #tpu.memory_space<vmem>>) semaphore(%arg14 : memref<!tpu.dma_semaphore, #tpu.memory_space<semaphore_mem>>)
      %dma_wait3A_49 = arith.constant 0 : i32
      %dma_wait3A_50 = arith.constant 0 : i32
      %dma_wait3A_51 = tpu.memref_slice %arg2[%dma_wait3A_49, %dma_wait3A_50] : memref<10000x64xf32, #tpu.memory_space<hbm>> -> memref<10000x64xf32, #tpu.memory_space<hbm>>
      tpu.wait_indirect_dma semaphore(%arg14 : memref<!tpu.dma_semaphore, #tpu.memory_space<semaphore_mem>>) src(%dma_wait3A_51 : memref<10000x64xf32, #tpu.memory_space<hbm>>) dst(%arg9 : memref<400x64xf32, #tpu.memory_space<vmem>>)
      %add3A_52 = arith.constant 2 : i32
      %add3A_53 = arith.addi %add3A_37, %add3A_52 : i32
      %le3A = arith.constant 24 : i32
      %le3A_54 = arith.cmpi sle, %add3A_53, %le3A : i32
      %convert_element_type3A_55 = arith.extui %le3A_54 : i1 to i32
      %cond3A_56 = arith.constant 0 : i32
      %cond3A_57 = arith.cmpi ne, %convert_element_type3A_55, %cond3A_56 : i32
      scf.if %cond3A_57 {
        %add3A_58 = arith.constant 2 : i32
        %add3A_59 = arith.addi %add3A_37, %add3A_58 : i32
        %mul3A_60 = arith.constant 400 : i32
        %mul3A_61 = arith.muli %add3A_59, %mul3A_60 : i32
        %add3A_62 = arith.addi %mul3A_2, %mul3A_61 : i32
        "tpu.region"() ({
          %run_scoped3A_66 = tpu.sem_alloc : memref<!tpu.dma_semaphore, #tpu.memory_space<semaphore_mem>>
          %dma_start3A_67 = tpu.memref_slice %arg3[%add3A_62] : memref<320000xi32, #tpu.memory_space<hbm>> -> memref<400xi32, #tpu.memory_space<hbm>>
          %dma_start3A_68 = tpu.memref_slice %arg3[%add3A_62] : memref<320000xi32, #tpu.memory_space<hbm>> -> memref<400xi32, #tpu.memory_space<hbm>>
          tpu.enqueue_dma source(%dma_start3A_68 : memref<400xi32, #tpu.memory_space<hbm>>) target(%arg10 : memref<400xi32, #tpu.memory_space<vmem>>) target_semaphore(%run_scoped3A_66 : memref<!tpu.dma_semaphore, #tpu.memory_space<semaphore_mem>>)
          %dma_wait3A_69 = tpu.memref_slice %arg3[%add3A_62] : memref<320000xi32, #tpu.memory_space<hbm>> -> memref<400xi32, #tpu.memory_space<hbm>>
          %dma_wait3A_70 = tpu.memref_slice %arg3[%add3A_62] : memref<320000xi32, #tpu.memory_space<hbm>> -> memref<400xi32, #tpu.memory_space<hbm>>
          tpu.wait_dma2 semaphore(%run_scoped3A_66 : memref<!tpu.dma_semaphore, #tpu.memory_space<semaphore_mem>>) src(%dma_wait3A_70 : memref<400xi32, #tpu.memory_space<hbm>>) dst(%arg10 : memref<400xi32, #tpu.memory_space<vmem>>)
          tpu.yield
        }) : () -> ()
        "tpu.region"() ({
          %run_scoped3A_66 = tpu.sem_alloc : memref<!tpu.dma_semaphore, #tpu.memory_space<semaphore_mem>>
          %dma_start3A_67 = tpu.memref_slice %arg4[%add3A_62] : memref<320000xi32, #tpu.memory_space<hbm>> -> memref<400xi32, #tpu.memory_space<hbm>>
          %dma_start3A_68 = tpu.memref_slice %arg4[%add3A_62] : memref<320000xi32, #tpu.memory_space<hbm>> -> memref<400xi32, #tpu.memory_space<hbm>>
          tpu.enqueue_dma source(%dma_start3A_68 : memref<400xi32, #tpu.memory_space<hbm>>) target(%arg11 : memref<400xi32, #tpu.memory_space<vmem>>) target_semaphore(%run_scoped3A_66 : memref<!tpu.dma_semaphore, #tpu.memory_space<semaphore_mem>>)
          %dma_wait3A_69 = tpu.memref_slice %arg4[%add3A_62] : memref<320000xi32, #tpu.memory_space<hbm>> -> memref<400xi32, #tpu.memory_space<hbm>>
          %dma_wait3A_70 = tpu.memref_slice %arg4[%add3A_62] : memref<320000xi32, #tpu.memory_space<hbm>> -> memref<400xi32, #tpu.memory_space<hbm>>
          tpu.wait_dma2 semaphore(%run_scoped3A_66 : memref<!tpu.dma_semaphore, #tpu.memory_space<semaphore_mem>>) src(%dma_wait3A_70 : memref<400xi32, #tpu.memory_space<hbm>>) dst(%arg11 : memref<400xi32, #tpu.memory_space<vmem>>)
          tpu.yield
        }) : () -> ()
        %dma_start3A_63 = arith.constant 0 : i32
        %dma_start3A_64 = arith.constant 0 : i32
        %dma_start3A_65 = tpu.memref_slice %arg2[%dma_start3A_63, %dma_start3A_64] : memref<10000x64xf32, #tpu.memory_space<hbm>> -> memref<10000x64xf32, #tpu.memory_space<hbm>>
        tpu.enqueue_indirect_dma source(%dma_start3A_65 : memref<10000x64xf32, #tpu.memory_space<hbm>>) target(%arg12 : memref<400x64xf32, #tpu.memory_space<vmem>>) offsets(%arg10 : memref<400xi32, #tpu.memory_space<vmem>>) semaphore(%arg15 : memref<!tpu.dma_semaphore, #tpu.memory_space<semaphore_mem>>)
      } else {
      }
    }
    %scan3A_22 = arith.constant 12 : i32
    %barrier3A_23 = arith.constant 0 : index
    tpu.barrier barrier_id(%barrier3A_23)
    %mul3A_24 = arith.constant 624 : i32
    %mul3A_25 = arith.muli %arg1, %mul3A_24 : i32
    %mul3A_26 = arith.constant 624 : i32
    %mul3A_27 = arith.muli %arg1, %mul3A_26 : i32
    %run_scoped3A = arith.constant 0 : i32
    "tpu.region"() ({
      %run_scoped3A_33 = tpu.sem_alloc : memref<!tpu.dma_semaphore, #tpu.memory_space<semaphore_mem>>
      %dma_start3A_34 = arith.constant 0 : i32
      %dma_start3A_35 = tpu.memref_slice %arg6[%arg0, %run_scoped3A, %mul3A_27, %dma_start3A_34] : memref<2x1x10000x64xf32, #tpu.memory_space<hbm>> -> memref<1x1x624x64xf32, #tpu.memory_space<hbm>>
      %dma_start3A_36 = tpu.memref_squeeze %dma_start3A_35 : memref<1x1x624x64xf32, #tpu.memory_space<hbm>> -> memref<624x64xf32, #tpu.memory_space<hbm>>
      %dma_start3A_37 = arith.constant 0 : i32
      %dma_start3A_38 = tpu.memref_slice %arg13[%mul3A_25, %dma_start3A_37] : memref<10000x64xf32, #tpu.memory_space<vmem_shared>> -> memref<624x64xf32, #tpu.memory_space<vmem_shared>>
      tpu.enqueue_dma source(%dma_start3A_38 : memref<624x64xf32, #tpu.memory_space<vmem_shared>>) target(%dma_start3A_36 : memref<624x64xf32, #tpu.memory_space<hbm>>) target_semaphore(%run_scoped3A_33 : memref<!tpu.dma_semaphore, #tpu.memory_space<semaphore_mem>>)
      %dma_wait3A_39 = arith.constant 0 : i32
      %dma_wait3A_40 = tpu.memref_slice %arg6[%arg0, %run_scoped3A, %mul3A_27, %dma_wait3A_39] : memref<2x1x10000x64xf32, #tpu.memory_space<hbm>> -> memref<1x1x624x64xf32, #tpu.memory_space<hbm>>
      %dma_wait3A_41 = tpu.memref_squeeze %dma_wait3A_40 : memref<1x1x624x64xf32, #tpu.memory_space<hbm>> -> memref<624x64xf32, #tpu.memory_space<hbm>>
      %dma_wait3A_42 = arith.constant 0 : i32
      %dma_wait3A_43 = tpu.memref_slice %arg13[%mul3A_25, %dma_wait3A_42] : memref<10000x64xf32, #tpu.memory_space<vmem_shared>> -> memref<624x64xf32, #tpu.memory_space<vmem_shared>>
      tpu.wait_dma2 semaphore(%run_scoped3A_33 : memref<!tpu.dma_semaphore, #tpu.memory_space<semaphore_mem>>) src(%dma_wait3A_43 : memref<624x64xf32, #tpu.memory_space<vmem_shared>>) dst(%dma_wait3A_41 : memref<624x64xf32, #tpu.memory_space<hbm>>)
      tpu.yield
    }) : () -> ()
    %eq3A_28 = arith.constant 0 : i32
    %eq3A_29 = arith.cmpi eq, %arg1, %eq3A_28 : i32
    %convert_element_type3A_30 = arith.extui %eq3A_29 : i1 to i32
    %cond3A_31 = arith.constant 0 : i32
    %cond3A_32 = arith.cmpi ne, %convert_element_type3A_30, %cond3A_31 : i32
    scf.if %cond3A_32 {
      %run_scoped3A_33 = arith.constant 0 : i32
      "tpu.region"() ({
        %run_scoped3A_34 = tpu.sem_alloc : memref<!tpu.dma_semaphore, #tpu.memory_space<semaphore_mem>>
        %dma_start3A_35 = arith.constant 9984 : i32
        %dma_start3A_36 = arith.constant 0 : i32
        %dma_start3A_37 = tpu.memref_slice %arg6[%arg0, %run_scoped3A_33, %dma_start3A_35, %dma_start3A_36] : memref<2x1x10000x64xf32, #tpu.memory_space<hbm>> -> memref<1x1x16x64xf32, #tpu.memory_space<hbm>>
        %dma_start3A_38 = tpu.memref_squeeze %dma_start3A_37 : memref<1x1x16x64xf32, #tpu.memory_space<hbm>> -> memref<16x64xf32, #tpu.memory_space<hbm>>
        %dma_start3A_39 = arith.constant 9984 : i32
        %dma_start3A_40 = arith.constant 0 : i32
        %dma_start3A_41 = tpu.memref_slice %arg13[%dma_start3A_39, %dma_start3A_40] : memref<10000x64xf32, #tpu.memory_space<vmem_shared>> -> memref<16x64xf32, #tpu.memory_space<vmem_shared>>
        tpu.enqueue_dma source(%dma_start3A_41 : memref<16x64xf32, #tpu.memory_space<vmem_shared>>) target(%dma_start3A_38 : memref<16x64xf32, #tpu.memory_space<hbm>>) target_semaphore(%run_scoped3A_34 : memref<!tpu.dma_semaphore, #tpu.memory_space<semaphore_mem>>)
        %dma_wait3A_42 = arith.constant 9984 : i32
        %dma_wait3A_43 = arith.constant 0 : i32
        %dma_wait3A_44 = tpu.memref_slice %arg6[%arg0, %run_scoped3A_33, %dma_wait3A_42, %dma_wait3A_43] : memref<2x1x10000x64xf32, #tpu.memory_space<hbm>> -> memref<1x1x16x64xf32, #tpu.memory_space<hbm>>
        %dma_wait3A_45 = tpu.memref_squeeze %dma_wait3A_44 : memref<1x1x16x64xf32, #tpu.memory_space<hbm>> -> memref<16x64xf32, #tpu.memory_space<hbm>>
        %dma_wait3A_46 = arith.constant 9984 : i32
        %dma_wait3A_47 = arith.constant 0 : i32
        %dma_wait3A_48 = tpu.memref_slice %arg13[%dma_wait3A_46, %dma_wait3A_47] : memref<10000x64xf32, #tpu.memory_space<vmem_shared>> -> memref<16x64xf32, #tpu.memory_space<vmem_shared>>
        tpu.wait_dma2 semaphore(%run_scoped3A_34 : memref<!tpu.dma_semaphore, #tpu.memory_space<semaphore_mem>>) src(%dma_wait3A_48 : memref<16x64xf32, #tpu.memory_space<vmem_shared>>) dst(%dma_wait3A_45 : memref<16x64xf32, #tpu.memory_space<hbm>>)
        tpu.yield
      }) : () -> ()
    } else {
    }
    return
  }
}

#map = affine_map<(d0, d1) -> (0, 0)>
#map1 = affine_map<(d0, d1) -> (0)>
#map2 = affine_map<(d0, d1) -> (0, 0, 0, 0)>
module attributes {stable_mosaic.version = 14 : i64} {
  func.func @agg(%arg0: i32, %arg1: i32, %arg2: memref<10000x64xf32, #tpu.memory_space<hbm>>, %arg3: memref<10000x64xf32, #tpu.memory_space<hbm>>, %arg4: memref<320000xi32, #tpu.memory_space<hbm>>, %arg5: memref<320000xi32, #tpu.memory_space<hbm>>, %arg6: memref<10000x64xf32, #tpu.memory_space<hbm>>, %arg7: memref<2x2x10000x64xf32, #tpu.memory_space<hbm>>, %arg8: memref<400xi32, #tpu.memory_space<vmem>>, %arg9: memref<400xi32, #tpu.memory_space<vmem>>, %arg10: memref<400x64xf32, #tpu.memory_space<vmem>>, %arg11: memref<400xi32, #tpu.memory_space<vmem>>, %arg12: memref<400xi32, #tpu.memory_space<vmem>>, %arg13: memref<400x64xf32, #tpu.memory_space<vmem>>, %arg14: memref<10000x64xf32, #tpu.memory_space<vmem_shared>>, %arg15: memref<!tpu.dma_semaphore, #tpu.memory_space<semaphore_mem>>, %arg16: memref<!tpu.dma_semaphore, #tpu.memory_space<semaphore_mem>>, %arg17: memref<!tpu.dma_semaphore, #tpu.memory_space<semaphore_mem>>, %arg18: memref<!tpu.dma_semaphore, #tpu.memory_space<semaphore_mem>>) attributes {dimension_semantics = [#tpu.dimension_semantics<core_parallel>, #tpu.dimension_semantics<subcore_parallel>], iteration_bounds = array<i64: 2, 16>, scalar_prefetch = 0 : i64, scratch_operands = 11 : i64, tpu.core_type = #tpu.core_type<sc_vector_subcore>, window_params = [{transform_indices = #map}, {transform_indices = #map}, {transform_indices = #map1}, {transform_indices = #map1}, {transform_indices = #map}, {transform_indices = #map2}]} {
    %mul3A = arith.constant 16 : i32
    %mul3A_0 = arith.muli %arg0, %mul3A : i32
    %add3A = arith.addi %mul3A_0, %arg1 : i32
    %mul3A_1 = arith.constant 10000 : i32
    %mul3A_2 = arith.muli %add3A, %mul3A_1 : i32
    %mul3A_3 = arith.constant 624 : i32
    %mul3A_4 = arith.muli %arg1, %mul3A_3 : i32
    %mul3A_5 = arith.constant 624 : i32
    %mul3A_6 = arith.muli %arg1, %mul3A_5 : i32
    "tpu.region"() ({
      %run_scoped3A_72 = tpu.sem_alloc : memref<!tpu.dma_semaphore, #tpu.memory_space<semaphore_mem>>
      %dma_start3A_73 = arith.constant 0 : i32
      %dma_start3A_74 = tpu.memref_slice %arg14[%mul3A_6, %dma_start3A_73] : memref<10000x64xf32, #tpu.memory_space<vmem_shared>> -> memref<624x64xf32, #tpu.memory_space<vmem_shared>>
      %dma_start3A_75 = arith.constant 0 : i32
      %dma_start3A_76 = tpu.memref_slice %arg6[%mul3A_4, %dma_start3A_75] : memref<10000x64xf32, #tpu.memory_space<hbm>> -> memref<624x64xf32, #tpu.memory_space<hbm>>
      tpu.enqueue_dma source(%dma_start3A_76 : memref<624x64xf32, #tpu.memory_space<hbm>>) target(%dma_start3A_74 : memref<624x64xf32, #tpu.memory_space<vmem_shared>>) target_semaphore(%run_scoped3A_72 : memref<!tpu.dma_semaphore, #tpu.memory_space<semaphore_mem>>)
      %dma_wait3A_77 = arith.constant 0 : i32
      %dma_wait3A_78 = tpu.memref_slice %arg14[%mul3A_6, %dma_wait3A_77] : memref<10000x64xf32, #tpu.memory_space<vmem_shared>> -> memref<624x64xf32, #tpu.memory_space<vmem_shared>>
      %dma_wait3A_79 = arith.constant 0 : i32
      %dma_wait3A_80 = tpu.memref_slice %arg6[%mul3A_4, %dma_wait3A_79] : memref<10000x64xf32, #tpu.memory_space<hbm>> -> memref<624x64xf32, #tpu.memory_space<hbm>>
      tpu.wait_dma2 semaphore(%run_scoped3A_72 : memref<!tpu.dma_semaphore, #tpu.memory_space<semaphore_mem>>) src(%dma_wait3A_80 : memref<624x64xf32, #tpu.memory_space<hbm>>) dst(%dma_wait3A_78 : memref<624x64xf32, #tpu.memory_space<vmem_shared>>)
      tpu.yield
    }) : () -> ()
    %eq3A = arith.constant 0 : i32
    %eq3A_7 = arith.cmpi eq, %arg1, %eq3A : i32
    %convert_element_type3A = arith.extui %eq3A_7 : i1 to i32
    %cond3A = arith.constant 0 : i32
    %cond3A_8 = arith.cmpi ne, %convert_element_type3A, %cond3A : i32
    scf.if %cond3A_8 {
      "tpu.region"() ({
        %run_scoped3A_72 = tpu.sem_alloc : memref<!tpu.dma_semaphore, #tpu.memory_space<semaphore_mem>>
        %dma_start3A_73 = arith.constant 9984 : i32
        %dma_start3A_74 = arith.constant 0 : i32
        %dma_start3A_75 = tpu.memref_slice %arg14[%dma_start3A_73, %dma_start3A_74] : memref<10000x64xf32, #tpu.memory_space<vmem_shared>> -> memref<16x64xf32, #tpu.memory_space<vmem_shared>>
        %dma_start3A_76 = arith.constant 9984 : i32
        %dma_start3A_77 = arith.constant 0 : i32
        %dma_start3A_78 = tpu.memref_slice %arg6[%dma_start3A_76, %dma_start3A_77] : memref<10000x64xf32, #tpu.memory_space<hbm>> -> memref<16x64xf32, #tpu.memory_space<hbm>>
        tpu.enqueue_dma source(%dma_start3A_78 : memref<16x64xf32, #tpu.memory_space<hbm>>) target(%dma_start3A_75 : memref<16x64xf32, #tpu.memory_space<vmem_shared>>) target_semaphore(%run_scoped3A_72 : memref<!tpu.dma_semaphore, #tpu.memory_space<semaphore_mem>>)
        %dma_wait3A_79 = arith.constant 9984 : i32
        %dma_wait3A_80 = arith.constant 0 : i32
        %dma_wait3A_81 = tpu.memref_slice %arg14[%dma_wait3A_79, %dma_wait3A_80] : memref<10000x64xf32, #tpu.memory_space<vmem_shared>> -> memref<16x64xf32, #tpu.memory_space<vmem_shared>>
        %dma_wait3A_82 = arith.constant 9984 : i32
        %dma_wait3A_83 = arith.constant 0 : i32
        %dma_wait3A_84 = tpu.memref_slice %arg6[%dma_wait3A_82, %dma_wait3A_83] : memref<10000x64xf32, #tpu.memory_space<hbm>> -> memref<16x64xf32, #tpu.memory_space<hbm>>
        tpu.wait_dma2 semaphore(%run_scoped3A_72 : memref<!tpu.dma_semaphore, #tpu.memory_space<semaphore_mem>>) src(%dma_wait3A_84 : memref<16x64xf32, #tpu.memory_space<hbm>>) dst(%dma_wait3A_81 : memref<16x64xf32, #tpu.memory_space<vmem_shared>>)
        tpu.yield
      }) : () -> ()
    } else {
    }
    %barrier3A = arith.constant 0 : index
    tpu.barrier barrier_id(%barrier3A)
    "tpu.region"() ({
      %run_scoped3A_72 = tpu.sem_alloc : memref<!tpu.dma_semaphore, #tpu.memory_space<semaphore_mem>>
      %dma_start3A_73 = tpu.memref_slice %arg4[%mul3A_2] : memref<320000xi32, #tpu.memory_space<hbm>> -> memref<400xi32, #tpu.memory_space<hbm>>
      %dma_start3A_74 = tpu.memref_slice %arg4[%mul3A_2] : memref<320000xi32, #tpu.memory_space<hbm>> -> memref<400xi32, #tpu.memory_space<hbm>>
      tpu.enqueue_dma source(%dma_start3A_74 : memref<400xi32, #tpu.memory_space<hbm>>) target(%arg8 : memref<400xi32, #tpu.memory_space<vmem>>) target_semaphore(%run_scoped3A_72 : memref<!tpu.dma_semaphore, #tpu.memory_space<semaphore_mem>>)
      %dma_wait3A_75 = tpu.memref_slice %arg4[%mul3A_2] : memref<320000xi32, #tpu.memory_space<hbm>> -> memref<400xi32, #tpu.memory_space<hbm>>
      %dma_wait3A_76 = tpu.memref_slice %arg4[%mul3A_2] : memref<320000xi32, #tpu.memory_space<hbm>> -> memref<400xi32, #tpu.memory_space<hbm>>
      tpu.wait_dma2 semaphore(%run_scoped3A_72 : memref<!tpu.dma_semaphore, #tpu.memory_space<semaphore_mem>>) src(%dma_wait3A_76 : memref<400xi32, #tpu.memory_space<hbm>>) dst(%arg8 : memref<400xi32, #tpu.memory_space<vmem>>)
      tpu.yield
    }) : () -> ()
    "tpu.region"() ({
      %run_scoped3A_72 = tpu.sem_alloc : memref<!tpu.dma_semaphore, #tpu.memory_space<semaphore_mem>>
      %dma_start3A_73 = tpu.memref_slice %arg5[%mul3A_2] : memref<320000xi32, #tpu.memory_space<hbm>> -> memref<400xi32, #tpu.memory_space<hbm>>
      %dma_start3A_74 = tpu.memref_slice %arg5[%mul3A_2] : memref<320000xi32, #tpu.memory_space<hbm>> -> memref<400xi32, #tpu.memory_space<hbm>>
      tpu.enqueue_dma source(%dma_start3A_74 : memref<400xi32, #tpu.memory_space<hbm>>) target(%arg9 : memref<400xi32, #tpu.memory_space<vmem>>) target_semaphore(%run_scoped3A_72 : memref<!tpu.dma_semaphore, #tpu.memory_space<semaphore_mem>>)
      %dma_wait3A_75 = tpu.memref_slice %arg5[%mul3A_2] : memref<320000xi32, #tpu.memory_space<hbm>> -> memref<400xi32, #tpu.memory_space<hbm>>
      %dma_wait3A_76 = tpu.memref_slice %arg5[%mul3A_2] : memref<320000xi32, #tpu.memory_space<hbm>> -> memref<400xi32, #tpu.memory_space<hbm>>
      tpu.wait_dma2 semaphore(%run_scoped3A_72 : memref<!tpu.dma_semaphore, #tpu.memory_space<semaphore_mem>>) src(%dma_wait3A_76 : memref<400xi32, #tpu.memory_space<hbm>>) dst(%arg9 : memref<400xi32, #tpu.memory_space<vmem>>)
      tpu.yield
    }) : () -> ()
    %dma_start3A = arith.constant 0 : i32
    %dma_start3A_9 = arith.constant 0 : i32
    %dma_start3A_10 = tpu.memref_slice %arg2[%dma_start3A, %dma_start3A_9] : memref<10000x64xf32, #tpu.memory_space<hbm>> -> memref<10000x64xf32, #tpu.memory_space<hbm>>
    tpu.enqueue_indirect_dma source(%dma_start3A_10 : memref<10000x64xf32, #tpu.memory_space<hbm>>) target(%arg10 : memref<400x64xf32, #tpu.memory_space<vmem>>) offsets(%arg8 : memref<400xi32, #tpu.memory_space<vmem>>) semaphore(%arg15 : memref<!tpu.dma_semaphore, #tpu.memory_space<semaphore_mem>>)
    %add3A_11 = arith.constant 400 : i32
    %add3A_12 = arith.addi %mul3A_2, %add3A_11 : i32
    "tpu.region"() ({
      %run_scoped3A_72 = tpu.sem_alloc : memref<!tpu.dma_semaphore, #tpu.memory_space<semaphore_mem>>
      %dma_start3A_73 = tpu.memref_slice %arg4[%add3A_12] : memref<320000xi32, #tpu.memory_space<hbm>> -> memref<400xi32, #tpu.memory_space<hbm>>
      %dma_start3A_74 = tpu.memref_slice %arg4[%add3A_12] : memref<320000xi32, #tpu.memory_space<hbm>> -> memref<400xi32, #tpu.memory_space<hbm>>
      tpu.enqueue_dma source(%dma_start3A_74 : memref<400xi32, #tpu.memory_space<hbm>>) target(%arg11 : memref<400xi32, #tpu.memory_space<vmem>>) target_semaphore(%run_scoped3A_72 : memref<!tpu.dma_semaphore, #tpu.memory_space<semaphore_mem>>)
      %dma_wait3A_75 = tpu.memref_slice %arg4[%add3A_12] : memref<320000xi32, #tpu.memory_space<hbm>> -> memref<400xi32, #tpu.memory_space<hbm>>
      %dma_wait3A_76 = tpu.memref_slice %arg4[%add3A_12] : memref<320000xi32, #tpu.memory_space<hbm>> -> memref<400xi32, #tpu.memory_space<hbm>>
      tpu.wait_dma2 semaphore(%run_scoped3A_72 : memref<!tpu.dma_semaphore, #tpu.memory_space<semaphore_mem>>) src(%dma_wait3A_76 : memref<400xi32, #tpu.memory_space<hbm>>) dst(%arg11 : memref<400xi32, #tpu.memory_space<vmem>>)
      tpu.yield
    }) : () -> ()
    "tpu.region"() ({
      %run_scoped3A_72 = tpu.sem_alloc : memref<!tpu.dma_semaphore, #tpu.memory_space<semaphore_mem>>
      %dma_start3A_73 = tpu.memref_slice %arg5[%add3A_12] : memref<320000xi32, #tpu.memory_space<hbm>> -> memref<400xi32, #tpu.memory_space<hbm>>
      %dma_start3A_74 = tpu.memref_slice %arg5[%add3A_12] : memref<320000xi32, #tpu.memory_space<hbm>> -> memref<400xi32, #tpu.memory_space<hbm>>
      tpu.enqueue_dma source(%dma_start3A_74 : memref<400xi32, #tpu.memory_space<hbm>>) target(%arg12 : memref<400xi32, #tpu.memory_space<vmem>>) target_semaphore(%run_scoped3A_72 : memref<!tpu.dma_semaphore, #tpu.memory_space<semaphore_mem>>)
      %dma_wait3A_75 = tpu.memref_slice %arg5[%add3A_12] : memref<320000xi32, #tpu.memory_space<hbm>> -> memref<400xi32, #tpu.memory_space<hbm>>
      %dma_wait3A_76 = tpu.memref_slice %arg5[%add3A_12] : memref<320000xi32, #tpu.memory_space<hbm>> -> memref<400xi32, #tpu.memory_space<hbm>>
      tpu.wait_dma2 semaphore(%run_scoped3A_72 : memref<!tpu.dma_semaphore, #tpu.memory_space<semaphore_mem>>) src(%dma_wait3A_76 : memref<400xi32, #tpu.memory_space<hbm>>) dst(%arg12 : memref<400xi32, #tpu.memory_space<vmem>>)
      tpu.yield
    }) : () -> ()
    %dma_start3A_13 = arith.constant 0 : i32
    %dma_start3A_14 = arith.constant 0 : i32
    %dma_start3A_15 = tpu.memref_slice %arg2[%dma_start3A_13, %dma_start3A_14] : memref<10000x64xf32, #tpu.memory_space<hbm>> -> memref<10000x64xf32, #tpu.memory_space<hbm>>
    tpu.enqueue_indirect_dma source(%dma_start3A_15 : memref<10000x64xf32, #tpu.memory_space<hbm>>) target(%arg13 : memref<400x64xf32, #tpu.memory_space<vmem>>) offsets(%arg11 : memref<400xi32, #tpu.memory_space<vmem>>) semaphore(%arg16 : memref<!tpu.dma_semaphore, #tpu.memory_space<semaphore_mem>>)
    %dma_wait3A = arith.constant 0 : i32
    %dma_wait3A_16 = arith.constant 0 : i32
    %dma_wait3A_17 = tpu.memref_slice %arg2[%dma_wait3A, %dma_wait3A_16] : memref<10000x64xf32, #tpu.memory_space<hbm>> -> memref<10000x64xf32, #tpu.memory_space<hbm>>
    tpu.wait_indirect_dma semaphore(%arg15 : memref<!tpu.dma_semaphore, #tpu.memory_space<semaphore_mem>>) src(%dma_wait3A_17 : memref<10000x64xf32, #tpu.memory_space<hbm>>) dst(%arg10 : memref<400x64xf32, #tpu.memory_space<vmem>>)
    %scan3A = arith.constant 0 : i32
    %scan3A_18 = arith.constant 0 : i32
    %scan3A_19 = arith.constant 12 : i32
    %scan3A_20 = arith.addi %scan3A_18, %scan3A_19 : i32
    %scan3A_21 = arith.constant 1 : i32
    scf.for %scan3A_72 = %scan3A_18 to %scan3A_20 step %scan3A_21  : i32 {
      %mul3A_73 = arith.constant 2 : i32
      %mul3A_74 = arith.muli %mul3A_73, %scan3A_72 : i32
      %add3A_75 = arith.constant 1 : i32
      %add3A_76 = arith.addi %mul3A_74, %add3A_75 : i32
      %dma_wait3A_77 = arith.constant 0 : i32
      %dma_wait3A_78 = arith.constant 0 : i32
      %dma_wait3A_79 = tpu.memref_slice %arg2[%dma_wait3A_77, %dma_wait3A_78] : memref<10000x64xf32, #tpu.memory_space<hbm>> -> memref<10000x64xf32, #tpu.memory_space<hbm>>
      tpu.wait_indirect_dma semaphore(%arg16 : memref<!tpu.dma_semaphore, #tpu.memory_space<semaphore_mem>>) src(%dma_wait3A_79 : memref<10000x64xf32, #tpu.memory_space<hbm>>) dst(%arg13 : memref<400x64xf32, #tpu.memory_space<vmem>>)
      %add3A_80 = arith.constant 1 : i32
      %add3A_81 = arith.addi %add3A_76, %add3A_80 : i32
      %mul3A_82 = arith.constant 400 : i32
      %mul3A_83 = arith.muli %add3A_81, %mul3A_82 : i32
      %add3A_84 = arith.addi %mul3A_2, %mul3A_83 : i32
      "tpu.region"() ({
        %run_scoped3A_97 = tpu.sem_alloc : memref<!tpu.dma_semaphore, #tpu.memory_space<semaphore_mem>>
        %dma_start3A_98 = tpu.memref_slice %arg4[%add3A_84] : memref<320000xi32, #tpu.memory_space<hbm>> -> memref<400xi32, #tpu.memory_space<hbm>>
        %dma_start3A_99 = tpu.memref_slice %arg4[%add3A_84] : memref<320000xi32, #tpu.memory_space<hbm>> -> memref<400xi32, #tpu.memory_space<hbm>>
        tpu.enqueue_dma source(%dma_start3A_99 : memref<400xi32, #tpu.memory_space<hbm>>) target(%arg8 : memref<400xi32, #tpu.memory_space<vmem>>) target_semaphore(%run_scoped3A_97 : memref<!tpu.dma_semaphore, #tpu.memory_space<semaphore_mem>>)
        %dma_wait3A_100 = tpu.memref_slice %arg4[%add3A_84] : memref<320000xi32, #tpu.memory_space<hbm>> -> memref<400xi32, #tpu.memory_space<hbm>>
        %dma_wait3A_101 = tpu.memref_slice %arg4[%add3A_84] : memref<320000xi32, #tpu.memory_space<hbm>> -> memref<400xi32, #tpu.memory_space<hbm>>
        tpu.wait_dma2 semaphore(%run_scoped3A_97 : memref<!tpu.dma_semaphore, #tpu.memory_space<semaphore_mem>>) src(%dma_wait3A_101 : memref<400xi32, #tpu.memory_space<hbm>>) dst(%arg8 : memref<400xi32, #tpu.memory_space<vmem>>)
        tpu.yield
      }) : () -> ()
      "tpu.region"() ({
        %run_scoped3A_97 = tpu.sem_alloc : memref<!tpu.dma_semaphore, #tpu.memory_space<semaphore_mem>>
        %dma_start3A_98 = tpu.memref_slice %arg5[%add3A_84] : memref<320000xi32, #tpu.memory_space<hbm>> -> memref<400xi32, #tpu.memory_space<hbm>>
        %dma_start3A_99 = tpu.memref_slice %arg5[%add3A_84] : memref<320000xi32, #tpu.memory_space<hbm>> -> memref<400xi32, #tpu.memory_space<hbm>>
        tpu.enqueue_dma source(%dma_start3A_99 : memref<400xi32, #tpu.memory_space<hbm>>) target(%arg9 : memref<400xi32, #tpu.memory_space<vmem>>) target_semaphore(%run_scoped3A_97 : memref<!tpu.dma_semaphore, #tpu.memory_space<semaphore_mem>>)
        %dma_wait3A_100 = tpu.memref_slice %arg5[%add3A_84] : memref<320000xi32, #tpu.memory_space<hbm>> -> memref<400xi32, #tpu.memory_space<hbm>>
        %dma_wait3A_101 = tpu.memref_slice %arg5[%add3A_84] : memref<320000xi32, #tpu.memory_space<hbm>> -> memref<400xi32, #tpu.memory_space<hbm>>
        tpu.wait_dma2 semaphore(%run_scoped3A_97 : memref<!tpu.dma_semaphore, #tpu.memory_space<semaphore_mem>>) src(%dma_wait3A_101 : memref<400xi32, #tpu.memory_space<hbm>>) dst(%arg9 : memref<400xi32, #tpu.memory_space<vmem>>)
        tpu.yield
      }) : () -> ()
      %dma_start3A_85 = arith.constant 0 : i32
      %dma_start3A_86 = arith.constant 0 : i32
      %dma_start3A_87 = tpu.memref_slice %arg2[%dma_start3A_85, %dma_start3A_86] : memref<10000x64xf32, #tpu.memory_space<hbm>> -> memref<10000x64xf32, #tpu.memory_space<hbm>>
      tpu.enqueue_indirect_dma source(%dma_start3A_87 : memref<10000x64xf32, #tpu.memory_space<hbm>>) target(%arg10 : memref<400x64xf32, #tpu.memory_space<vmem>>) offsets(%arg8 : memref<400xi32, #tpu.memory_space<vmem>>) semaphore(%arg15 : memref<!tpu.dma_semaphore, #tpu.memory_space<semaphore_mem>>)
      %dma_wait3A_88 = arith.constant 0 : i32
      %dma_wait3A_89 = arith.constant 0 : i32
      %dma_wait3A_90 = tpu.memref_slice %arg2[%dma_wait3A_88, %dma_wait3A_89] : memref<10000x64xf32, #tpu.memory_space<hbm>> -> memref<10000x64xf32, #tpu.memory_space<hbm>>
      tpu.wait_indirect_dma semaphore(%arg15 : memref<!tpu.dma_semaphore, #tpu.memory_space<semaphore_mem>>) src(%dma_wait3A_90 : memref<10000x64xf32, #tpu.memory_space<hbm>>) dst(%arg10 : memref<400x64xf32, #tpu.memory_space<vmem>>)
      %add3A_91 = arith.constant 2 : i32
      %add3A_92 = arith.addi %add3A_76, %add3A_91 : i32
      %le3A = arith.constant 24 : i32
      %le3A_93 = arith.cmpi sle, %add3A_92, %le3A : i32
      %convert_element_type3A_94 = arith.extui %le3A_93 : i1 to i32
      %cond3A_95 = arith.constant 0 : i32
      %cond3A_96 = arith.cmpi ne, %convert_element_type3A_94, %cond3A_95 : i32
      scf.if %cond3A_96 {
        %add3A_97 = arith.constant 2 : i32
        %add3A_98 = arith.addi %add3A_76, %add3A_97 : i32
        %mul3A_99 = arith.constant 400 : i32
        %mul3A_100 = arith.muli %add3A_98, %mul3A_99 : i32
        %add3A_101 = arith.addi %mul3A_2, %mul3A_100 : i32
        "tpu.region"() ({
          %run_scoped3A_105 = tpu.sem_alloc : memref<!tpu.dma_semaphore, #tpu.memory_space<semaphore_mem>>
          %dma_start3A_106 = tpu.memref_slice %arg4[%add3A_101] : memref<320000xi32, #tpu.memory_space<hbm>> -> memref<400xi32, #tpu.memory_space<hbm>>
          %dma_start3A_107 = tpu.memref_slice %arg4[%add3A_101] : memref<320000xi32, #tpu.memory_space<hbm>> -> memref<400xi32, #tpu.memory_space<hbm>>
          tpu.enqueue_dma source(%dma_start3A_107 : memref<400xi32, #tpu.memory_space<hbm>>) target(%arg11 : memref<400xi32, #tpu.memory_space<vmem>>) target_semaphore(%run_scoped3A_105 : memref<!tpu.dma_semaphore, #tpu.memory_space<semaphore_mem>>)
          %dma_wait3A_108 = tpu.memref_slice %arg4[%add3A_101] : memref<320000xi32, #tpu.memory_space<hbm>> -> memref<400xi32, #tpu.memory_space<hbm>>
          %dma_wait3A_109 = tpu.memref_slice %arg4[%add3A_101] : memref<320000xi32, #tpu.memory_space<hbm>> -> memref<400xi32, #tpu.memory_space<hbm>>
          tpu.wait_dma2 semaphore(%run_scoped3A_105 : memref<!tpu.dma_semaphore, #tpu.memory_space<semaphore_mem>>) src(%dma_wait3A_109 : memref<400xi32, #tpu.memory_space<hbm>>) dst(%arg11 : memref<400xi32, #tpu.memory_space<vmem>>)
          tpu.yield
        }) : () -> ()
        "tpu.region"() ({
          %run_scoped3A_105 = tpu.sem_alloc : memref<!tpu.dma_semaphore, #tpu.memory_space<semaphore_mem>>
          %dma_start3A_106 = tpu.memref_slice %arg5[%add3A_101] : memref<320000xi32, #tpu.memory_space<hbm>> -> memref<400xi32, #tpu.memory_space<hbm>>
          %dma_start3A_107 = tpu.memref_slice %arg5[%add3A_101] : memref<320000xi32, #tpu.memory_space<hbm>> -> memref<400xi32, #tpu.memory_space<hbm>>
          tpu.enqueue_dma source(%dma_start3A_107 : memref<400xi32, #tpu.memory_space<hbm>>) target(%arg12 : memref<400xi32, #tpu.memory_space<vmem>>) target_semaphore(%run_scoped3A_105 : memref<!tpu.dma_semaphore, #tpu.memory_space<semaphore_mem>>)
          %dma_wait3A_108 = tpu.memref_slice %arg5[%add3A_101] : memref<320000xi32, #tpu.memory_space<hbm>> -> memref<400xi32, #tpu.memory_space<hbm>>
          %dma_wait3A_109 = tpu.memref_slice %arg5[%add3A_101] : memref<320000xi32, #tpu.memory_space<hbm>> -> memref<400xi32, #tpu.memory_space<hbm>>
          tpu.wait_dma2 semaphore(%run_scoped3A_105 : memref<!tpu.dma_semaphore, #tpu.memory_space<semaphore_mem>>) src(%dma_wait3A_109 : memref<400xi32, #tpu.memory_space<hbm>>) dst(%arg12 : memref<400xi32, #tpu.memory_space<vmem>>)
          tpu.yield
        }) : () -> ()
        %dma_start3A_102 = arith.constant 0 : i32
        %dma_start3A_103 = arith.constant 0 : i32
        %dma_start3A_104 = tpu.memref_slice %arg2[%dma_start3A_102, %dma_start3A_103] : memref<10000x64xf32, #tpu.memory_space<hbm>> -> memref<10000x64xf32, #tpu.memory_space<hbm>>
        tpu.enqueue_indirect_dma source(%dma_start3A_104 : memref<10000x64xf32, #tpu.memory_space<hbm>>) target(%arg13 : memref<400x64xf32, #tpu.memory_space<vmem>>) offsets(%arg11 : memref<400xi32, #tpu.memory_space<vmem>>) semaphore(%arg16 : memref<!tpu.dma_semaphore, #tpu.memory_space<semaphore_mem>>)
      } else {
      }
    }
    %scan3A_22 = arith.constant 12 : i32
    %barrier3A_23 = arith.constant 0 : index
    tpu.barrier barrier_id(%barrier3A_23)
    %mul3A_24 = arith.constant 624 : i32
    %mul3A_25 = arith.muli %arg1, %mul3A_24 : i32
    %mul3A_26 = arith.constant 624 : i32
    %mul3A_27 = arith.muli %arg1, %mul3A_26 : i32
    %run_scoped3A = arith.constant 0 : i32
    "tpu.region"() ({
      %run_scoped3A_72 = tpu.sem_alloc : memref<!tpu.dma_semaphore, #tpu.memory_space<semaphore_mem>>
      %dma_start3A_73 = arith.constant 0 : i32
      %dma_start3A_74 = tpu.memref_slice %arg7[%arg0, %run_scoped3A, %mul3A_27, %dma_start3A_73] : memref<2x2x10000x64xf32, #tpu.memory_space<hbm>> -> memref<1x1x624x64xf32, #tpu.memory_space<hbm>>
      %dma_start3A_75 = tpu.memref_squeeze %dma_start3A_74 : memref<1x1x624x64xf32, #tpu.memory_space<hbm>> -> memref<624x64xf32, #tpu.memory_space<hbm>>
      %dma_start3A_76 = arith.constant 0 : i32
      %dma_start3A_77 = tpu.memref_slice %arg14[%mul3A_25, %dma_start3A_76] : memref<10000x64xf32, #tpu.memory_space<vmem_shared>> -> memref<624x64xf32, #tpu.memory_space<vmem_shared>>
      tpu.enqueue_dma source(%dma_start3A_77 : memref<624x64xf32, #tpu.memory_space<vmem_shared>>) target(%dma_start3A_75 : memref<624x64xf32, #tpu.memory_space<hbm>>) target_semaphore(%run_scoped3A_72 : memref<!tpu.dma_semaphore, #tpu.memory_space<semaphore_mem>>)
      %dma_wait3A_78 = arith.constant 0 : i32
      %dma_wait3A_79 = tpu.memref_slice %arg7[%arg0, %run_scoped3A, %mul3A_27, %dma_wait3A_78] : memref<2x2x10000x64xf32, #tpu.memory_space<hbm>> -> memref<1x1x624x64xf32, #tpu.memory_space<hbm>>
      %dma_wait3A_80 = tpu.memref_squeeze %dma_wait3A_79 : memref<1x1x624x64xf32, #tpu.memory_space<hbm>> -> memref<624x64xf32, #tpu.memory_space<hbm>>
      %dma_wait3A_81 = arith.constant 0 : i32
      %dma_wait3A_82 = tpu.memref_slice %arg14[%mul3A_25, %dma_wait3A_81] : memref<10000x64xf32, #tpu.memory_space<vmem_shared>> -> memref<624x64xf32, #tpu.memory_space<vmem_shared>>
      tpu.wait_dma2 semaphore(%run_scoped3A_72 : memref<!tpu.dma_semaphore, #tpu.memory_space<semaphore_mem>>) src(%dma_wait3A_82 : memref<624x64xf32, #tpu.memory_space<vmem_shared>>) dst(%dma_wait3A_80 : memref<624x64xf32, #tpu.memory_space<hbm>>)
      tpu.yield
    }) : () -> ()
    %eq3A_28 = arith.constant 0 : i32
    %eq3A_29 = arith.cmpi eq, %arg1, %eq3A_28 : i32
    %convert_element_type3A_30 = arith.extui %eq3A_29 : i1 to i32
    %cond3A_31 = arith.constant 0 : i32
    %cond3A_32 = arith.cmpi ne, %convert_element_type3A_30, %cond3A_31 : i32
    scf.if %cond3A_32 {
      %run_scoped3A_72 = arith.constant 0 : i32
      "tpu.region"() ({
        %run_scoped3A_73 = tpu.sem_alloc : memref<!tpu.dma_semaphore, #tpu.memory_space<semaphore_mem>>
        %dma_start3A_74 = arith.constant 9984 : i32
        %dma_start3A_75 = arith.constant 0 : i32
        %dma_start3A_76 = tpu.memref_slice %arg7[%arg0, %run_scoped3A_72, %dma_start3A_74, %dma_start3A_75] : memref<2x2x10000x64xf32, #tpu.memory_space<hbm>> -> memref<1x1x16x64xf32, #tpu.memory_space<hbm>>
        %dma_start3A_77 = tpu.memref_squeeze %dma_start3A_76 : memref<1x1x16x64xf32, #tpu.memory_space<hbm>> -> memref<16x64xf32, #tpu.memory_space<hbm>>
        %dma_start3A_78 = arith.constant 9984 : i32
        %dma_start3A_79 = arith.constant 0 : i32
        %dma_start3A_80 = tpu.memref_slice %arg14[%dma_start3A_78, %dma_start3A_79] : memref<10000x64xf32, #tpu.memory_space<vmem_shared>> -> memref<16x64xf32, #tpu.memory_space<vmem_shared>>
        tpu.enqueue_dma source(%dma_start3A_80 : memref<16x64xf32, #tpu.memory_space<vmem_shared>>) target(%dma_start3A_77 : memref<16x64xf32, #tpu.memory_space<hbm>>) target_semaphore(%run_scoped3A_73 : memref<!tpu.dma_semaphore, #tpu.memory_space<semaphore_mem>>)
        %dma_wait3A_81 = arith.constant 9984 : i32
        %dma_wait3A_82 = arith.constant 0 : i32
        %dma_wait3A_83 = tpu.memref_slice %arg7[%arg0, %run_scoped3A_72, %dma_wait3A_81, %dma_wait3A_82] : memref<2x2x10000x64xf32, #tpu.memory_space<hbm>> -> memref<1x1x16x64xf32, #tpu.memory_space<hbm>>
        %dma_wait3A_84 = tpu.memref_squeeze %dma_wait3A_83 : memref<1x1x16x64xf32, #tpu.memory_space<hbm>> -> memref<16x64xf32, #tpu.memory_space<hbm>>
        %dma_wait3A_85 = arith.constant 9984 : i32
        %dma_wait3A_86 = arith.constant 0 : i32
        %dma_wait3A_87 = tpu.memref_slice %arg14[%dma_wait3A_85, %dma_wait3A_86] : memref<10000x64xf32, #tpu.memory_space<vmem_shared>> -> memref<16x64xf32, #tpu.memory_space<vmem_shared>>
        tpu.wait_dma2 semaphore(%run_scoped3A_73 : memref<!tpu.dma_semaphore, #tpu.memory_space<semaphore_mem>>) src(%dma_wait3A_87 : memref<16x64xf32, #tpu.memory_space<vmem_shared>>) dst(%dma_wait3A_84 : memref<16x64xf32, #tpu.memory_space<hbm>>)
        tpu.yield
      }) : () -> ()
    } else {
    }
    %barrier3A_33 = arith.constant 0 : index
    tpu.barrier barrier_id(%barrier3A_33)
    %mul3A_34 = arith.constant 624 : i32
    %mul3A_35 = arith.muli %arg1, %mul3A_34 : i32
    %mul3A_36 = arith.constant 624 : i32
    %mul3A_37 = arith.muli %arg1, %mul3A_36 : i32
    "tpu.region"() ({
      %run_scoped3A_72 = tpu.sem_alloc : memref<!tpu.dma_semaphore, #tpu.memory_space<semaphore_mem>>
      %dma_start3A_73 = arith.constant 0 : i32
      %dma_start3A_74 = tpu.memref_slice %arg14[%mul3A_37, %dma_start3A_73] : memref<10000x64xf32, #tpu.memory_space<vmem_shared>> -> memref<624x64xf32, #tpu.memory_space<vmem_shared>>
      %dma_start3A_75 = arith.constant 0 : i32
      %dma_start3A_76 = tpu.memref_slice %arg6[%mul3A_35, %dma_start3A_75] : memref<10000x64xf32, #tpu.memory_space<hbm>> -> memref<624x64xf32, #tpu.memory_space<hbm>>
      tpu.enqueue_dma source(%dma_start3A_76 : memref<624x64xf32, #tpu.memory_space<hbm>>) target(%dma_start3A_74 : memref<624x64xf32, #tpu.memory_space<vmem_shared>>) target_semaphore(%run_scoped3A_72 : memref<!tpu.dma_semaphore, #tpu.memory_space<semaphore_mem>>)
      %dma_wait3A_77 = arith.constant 0 : i32
      %dma_wait3A_78 = tpu.memref_slice %arg14[%mul3A_37, %dma_wait3A_77] : memref<10000x64xf32, #tpu.memory_space<vmem_shared>> -> memref<624x64xf32, #tpu.memory_space<vmem_shared>>
      %dma_wait3A_79 = arith.constant 0 : i32
      %dma_wait3A_80 = tpu.memref_slice %arg6[%mul3A_35, %dma_wait3A_79] : memref<10000x64xf32, #tpu.memory_space<hbm>> -> memref<624x64xf32, #tpu.memory_space<hbm>>
      tpu.wait_dma2 semaphore(%run_scoped3A_72 : memref<!tpu.dma_semaphore, #tpu.memory_space<semaphore_mem>>) src(%dma_wait3A_80 : memref<624x64xf32, #tpu.memory_space<hbm>>) dst(%dma_wait3A_78 : memref<624x64xf32, #tpu.memory_space<vmem_shared>>)
      tpu.yield
    }) : () -> ()
    %eq3A_38 = arith.constant 0 : i32
    %eq3A_39 = arith.cmpi eq, %arg1, %eq3A_38 : i32
    %convert_element_type3A_40 = arith.extui %eq3A_39 : i1 to i32
    %cond3A_41 = arith.constant 0 : i32
    %cond3A_42 = arith.cmpi ne, %convert_element_type3A_40, %cond3A_41 : i32
    scf.if %cond3A_42 {
      "tpu.region"() ({
        %run_scoped3A_72 = tpu.sem_alloc : memref<!tpu.dma_semaphore, #tpu.memory_space<semaphore_mem>>
        %dma_start3A_73 = arith.constant 9984 : i32
        %dma_start3A_74 = arith.constant 0 : i32
        %dma_start3A_75 = tpu.memref_slice %arg14[%dma_start3A_73, %dma_start3A_74] : memref<10000x64xf32, #tpu.memory_space<vmem_shared>> -> memref<16x64xf32, #tpu.memory_space<vmem_shared>>
        %dma_start3A_76 = arith.constant 9984 : i32
        %dma_start3A_77 = arith.constant 0 : i32
        %dma_start3A_78 = tpu.memref_slice %arg6[%dma_start3A_76, %dma_start3A_77] : memref<10000x64xf32, #tpu.memory_space<hbm>> -> memref<16x64xf32, #tpu.memory_space<hbm>>
        tpu.enqueue_dma source(%dma_start3A_78 : memref<16x64xf32, #tpu.memory_space<hbm>>) target(%dma_start3A_75 : memref<16x64xf32, #tpu.memory_space<vmem_shared>>) target_semaphore(%run_scoped3A_72 : memref<!tpu.dma_semaphore, #tpu.memory_space<semaphore_mem>>)
        %dma_wait3A_79 = arith.constant 9984 : i32
        %dma_wait3A_80 = arith.constant 0 : i32
        %dma_wait3A_81 = tpu.memref_slice %arg14[%dma_wait3A_79, %dma_wait3A_80] : memref<10000x64xf32, #tpu.memory_space<vmem_shared>> -> memref<16x64xf32, #tpu.memory_space<vmem_shared>>
        %dma_wait3A_82 = arith.constant 9984 : i32
        %dma_wait3A_83 = arith.constant 0 : i32
        %dma_wait3A_84 = tpu.memref_slice %arg6[%dma_wait3A_82, %dma_wait3A_83] : memref<10000x64xf32, #tpu.memory_space<hbm>> -> memref<16x64xf32, #tpu.memory_space<hbm>>
        tpu.wait_dma2 semaphore(%run_scoped3A_72 : memref<!tpu.dma_semaphore, #tpu.memory_space<semaphore_mem>>) src(%dma_wait3A_84 : memref<16x64xf32, #tpu.memory_space<hbm>>) dst(%dma_wait3A_81 : memref<16x64xf32, #tpu.memory_space<vmem_shared>>)
        tpu.yield
      }) : () -> ()
    } else {
    }
    %barrier3A_43 = arith.constant 0 : index
    tpu.barrier barrier_id(%barrier3A_43)
    "tpu.region"() ({
      %run_scoped3A_72 = tpu.sem_alloc : memref<!tpu.dma_semaphore, #tpu.memory_space<semaphore_mem>>
      %dma_start3A_73 = tpu.memref_slice %arg4[%mul3A_2] : memref<320000xi32, #tpu.memory_space<hbm>> -> memref<400xi32, #tpu.memory_space<hbm>>
      %dma_start3A_74 = tpu.memref_slice %arg4[%mul3A_2] : memref<320000xi32, #tpu.memory_space<hbm>> -> memref<400xi32, #tpu.memory_space<hbm>>
      tpu.enqueue_dma source(%dma_start3A_74 : memref<400xi32, #tpu.memory_space<hbm>>) target(%arg8 : memref<400xi32, #tpu.memory_space<vmem>>) target_semaphore(%run_scoped3A_72 : memref<!tpu.dma_semaphore, #tpu.memory_space<semaphore_mem>>)
      %dma_wait3A_75 = tpu.memref_slice %arg4[%mul3A_2] : memref<320000xi32, #tpu.memory_space<hbm>> -> memref<400xi32, #tpu.memory_space<hbm>>
      %dma_wait3A_76 = tpu.memref_slice %arg4[%mul3A_2] : memref<320000xi32, #tpu.memory_space<hbm>> -> memref<400xi32, #tpu.memory_space<hbm>>
      tpu.wait_dma2 semaphore(%run_scoped3A_72 : memref<!tpu.dma_semaphore, #tpu.memory_space<semaphore_mem>>) src(%dma_wait3A_76 : memref<400xi32, #tpu.memory_space<hbm>>) dst(%arg8 : memref<400xi32, #tpu.memory_space<vmem>>)
      tpu.yield
    }) : () -> ()
    "tpu.region"() ({
      %run_scoped3A_72 = tpu.sem_alloc : memref<!tpu.dma_semaphore, #tpu.memory_space<semaphore_mem>>
      %dma_start3A_73 = tpu.memref_slice %arg5[%mul3A_2] : memref<320000xi32, #tpu.memory_space<hbm>> -> memref<400xi32, #tpu.memory_space<hbm>>
      %dma_start3A_74 = tpu.memref_slice %arg5[%mul3A_2] : memref<320000xi32, #tpu.memory_space<hbm>> -> memref<400xi32, #tpu.memory_space<hbm>>
      tpu.enqueue_dma source(%dma_start3A_74 : memref<400xi32, #tpu.memory_space<hbm>>) target(%arg9 : memref<400xi32, #tpu.memory_space<vmem>>) target_semaphore(%run_scoped3A_72 : memref<!tpu.dma_semaphore, #tpu.memory_space<semaphore_mem>>)
      %dma_wait3A_75 = tpu.memref_slice %arg5[%mul3A_2] : memref<320000xi32, #tpu.memory_space<hbm>> -> memref<400xi32, #tpu.memory_space<hbm>>
      %dma_wait3A_76 = tpu.memref_slice %arg5[%mul3A_2] : memref<320000xi32, #tpu.memory_space<hbm>> -> memref<400xi32, #tpu.memory_space<hbm>>
      tpu.wait_dma2 semaphore(%run_scoped3A_72 : memref<!tpu.dma_semaphore, #tpu.memory_space<semaphore_mem>>) src(%dma_wait3A_76 : memref<400xi32, #tpu.memory_space<hbm>>) dst(%arg9 : memref<400xi32, #tpu.memory_space<vmem>>)
      tpu.yield
    }) : () -> ()
    %dma_start3A_44 = arith.constant 0 : i32
    %dma_start3A_45 = arith.constant 0 : i32
    %dma_start3A_46 = tpu.memref_slice %arg3[%dma_start3A_44, %dma_start3A_45] : memref<10000x64xf32, #tpu.memory_space<hbm>> -> memref<10000x64xf32, #tpu.memory_space<hbm>>
    tpu.enqueue_indirect_dma source(%dma_start3A_46 : memref<10000x64xf32, #tpu.memory_space<hbm>>) target(%arg10 : memref<400x64xf32, #tpu.memory_space<vmem>>) offsets(%arg8 : memref<400xi32, #tpu.memory_space<vmem>>) semaphore(%arg15 : memref<!tpu.dma_semaphore, #tpu.memory_space<semaphore_mem>>)
    %add3A_47 = arith.constant 400 : i32
    %add3A_48 = arith.addi %mul3A_2, %add3A_47 : i32
    "tpu.region"() ({
      %run_scoped3A_72 = tpu.sem_alloc : memref<!tpu.dma_semaphore, #tpu.memory_space<semaphore_mem>>
      %dma_start3A_73 = tpu.memref_slice %arg4[%add3A_48] : memref<320000xi32, #tpu.memory_space<hbm>> -> memref<400xi32, #tpu.memory_space<hbm>>
      %dma_start3A_74 = tpu.memref_slice %arg4[%add3A_48] : memref<320000xi32, #tpu.memory_space<hbm>> -> memref<400xi32, #tpu.memory_space<hbm>>
      tpu.enqueue_dma source(%dma_start3A_74 : memref<400xi32, #tpu.memory_space<hbm>>) target(%arg11 : memref<400xi32, #tpu.memory_space<vmem>>) target_semaphore(%run_scoped3A_72 : memref<!tpu.dma_semaphore, #tpu.memory_space<semaphore_mem>>)
      %dma_wait3A_75 = tpu.memref_slice %arg4[%add3A_48] : memref<320000xi32, #tpu.memory_space<hbm>> -> memref<400xi32, #tpu.memory_space<hbm>>
      %dma_wait3A_76 = tpu.memref_slice %arg4[%add3A_48] : memref<320000xi32, #tpu.memory_space<hbm>> -> memref<400xi32, #tpu.memory_space<hbm>>
      tpu.wait_dma2 semaphore(%run_scoped3A_72 : memref<!tpu.dma_semaphore, #tpu.memory_space<semaphore_mem>>) src(%dma_wait3A_76 : memref<400xi32, #tpu.memory_space<hbm>>) dst(%arg11 : memref<400xi32, #tpu.memory_space<vmem>>)
      tpu.yield
    }) : () -> ()
    "tpu.region"() ({
      %run_scoped3A_72 = tpu.sem_alloc : memref<!tpu.dma_semaphore, #tpu.memory_space<semaphore_mem>>
      %dma_start3A_73 = tpu.memref_slice %arg5[%add3A_48] : memref<320000xi32, #tpu.memory_space<hbm>> -> memref<400xi32, #tpu.memory_space<hbm>>
      %dma_start3A_74 = tpu.memref_slice %arg5[%add3A_48] : memref<320000xi32, #tpu.memory_space<hbm>> -> memref<400xi32, #tpu.memory_space<hbm>>
      tpu.enqueue_dma source(%dma_start3A_74 : memref<400xi32, #tpu.memory_space<hbm>>) target(%arg12 : memref<400xi32, #tpu.memory_space<vmem>>) target_semaphore(%run_scoped3A_72 : memref<!tpu.dma_semaphore, #tpu.memory_space<semaphore_mem>>)
      %dma_wait3A_75 = tpu.memref_slice %arg5[%add3A_48] : memref<320000xi32, #tpu.memory_space<hbm>> -> memref<400xi32, #tpu.memory_space<hbm>>
      %dma_wait3A_76 = tpu.memref_slice %arg5[%add3A_48] : memref<320000xi32, #tpu.memory_space<hbm>> -> memref<400xi32, #tpu.memory_space<hbm>>
      tpu.wait_dma2 semaphore(%run_scoped3A_72 : memref<!tpu.dma_semaphore, #tpu.memory_space<semaphore_mem>>) src(%dma_wait3A_76 : memref<400xi32, #tpu.memory_space<hbm>>) dst(%arg12 : memref<400xi32, #tpu.memory_space<vmem>>)
      tpu.yield
    }) : () -> ()
    %dma_start3A_49 = arith.constant 0 : i32
    %dma_start3A_50 = arith.constant 0 : i32
    %dma_start3A_51 = tpu.memref_slice %arg3[%dma_start3A_49, %dma_start3A_50] : memref<10000x64xf32, #tpu.memory_space<hbm>> -> memref<10000x64xf32, #tpu.memory_space<hbm>>
    tpu.enqueue_indirect_dma source(%dma_start3A_51 : memref<10000x64xf32, #tpu.memory_space<hbm>>) target(%arg13 : memref<400x64xf32, #tpu.memory_space<vmem>>) offsets(%arg11 : memref<400xi32, #tpu.memory_space<vmem>>) semaphore(%arg16 : memref<!tpu.dma_semaphore, #tpu.memory_space<semaphore_mem>>)
    %dma_wait3A_52 = arith.constant 0 : i32
    %dma_wait3A_53 = arith.constant 0 : i32
    %dma_wait3A_54 = tpu.memref_slice %arg3[%dma_wait3A_52, %dma_wait3A_53] : memref<10000x64xf32, #tpu.memory_space<hbm>> -> memref<10000x64xf32, #tpu.memory_space<hbm>>
    tpu.wait_indirect_dma semaphore(%arg15 : memref<!tpu.dma_semaphore, #tpu.memory_space<semaphore_mem>>) src(%dma_wait3A_54 : memref<10000x64xf32, #tpu.memory_space<hbm>>) dst(%arg10 : memref<400x64xf32, #tpu.memory_space<vmem>>)
    %scan3A_55 = arith.constant 0 : i32
    %scan3A_56 = arith.constant 0 : i32
    %scan3A_57 = arith.constant 12 : i32
    %scan3A_58 = arith.addi %scan3A_56, %scan3A_57 : i32
    %scan3A_59 = arith.constant 1 : i32
    scf.for %scan3A_72 = %scan3A_56 to %scan3A_58 step %scan3A_59  : i32 {
      %mul3A_73 = arith.constant 2 : i32
      %mul3A_74 = arith.muli %mul3A_73, %scan3A_72 : i32
      %add3A_75 = arith.constant 1 : i32
      %add3A_76 = arith.addi %mul3A_74, %add3A_75 : i32
      %dma_wait3A_77 = arith.constant 0 : i32
      %dma_wait3A_78 = arith.constant 0 : i32
      %dma_wait3A_79 = tpu.memref_slice %arg3[%dma_wait3A_77, %dma_wait3A_78] : memref<10000x64xf32, #tpu.memory_space<hbm>> -> memref<10000x64xf32, #tpu.memory_space<hbm>>
      tpu.wait_indirect_dma semaphore(%arg16 : memref<!tpu.dma_semaphore, #tpu.memory_space<semaphore_mem>>) src(%dma_wait3A_79 : memref<10000x64xf32, #tpu.memory_space<hbm>>) dst(%arg13 : memref<400x64xf32, #tpu.memory_space<vmem>>)
      %add3A_80 = arith.constant 1 : i32
      %add3A_81 = arith.addi %add3A_76, %add3A_80 : i32
      %mul3A_82 = arith.constant 400 : i32
      %mul3A_83 = arith.muli %add3A_81, %mul3A_82 : i32
      %add3A_84 = arith.addi %mul3A_2, %mul3A_83 : i32
      "tpu.region"() ({
        %run_scoped3A_97 = tpu.sem_alloc : memref<!tpu.dma_semaphore, #tpu.memory_space<semaphore_mem>>
        %dma_start3A_98 = tpu.memref_slice %arg4[%add3A_84] : memref<320000xi32, #tpu.memory_space<hbm>> -> memref<400xi32, #tpu.memory_space<hbm>>
        %dma_start3A_99 = tpu.memref_slice %arg4[%add3A_84] : memref<320000xi32, #tpu.memory_space<hbm>> -> memref<400xi32, #tpu.memory_space<hbm>>
        tpu.enqueue_dma source(%dma_start3A_99 : memref<400xi32, #tpu.memory_space<hbm>>) target(%arg8 : memref<400xi32, #tpu.memory_space<vmem>>) target_semaphore(%run_scoped3A_97 : memref<!tpu.dma_semaphore, #tpu.memory_space<semaphore_mem>>)
        %dma_wait3A_100 = tpu.memref_slice %arg4[%add3A_84] : memref<320000xi32, #tpu.memory_space<hbm>> -> memref<400xi32, #tpu.memory_space<hbm>>
        %dma_wait3A_101 = tpu.memref_slice %arg4[%add3A_84] : memref<320000xi32, #tpu.memory_space<hbm>> -> memref<400xi32, #tpu.memory_space<hbm>>
        tpu.wait_dma2 semaphore(%run_scoped3A_97 : memref<!tpu.dma_semaphore, #tpu.memory_space<semaphore_mem>>) src(%dma_wait3A_101 : memref<400xi32, #tpu.memory_space<hbm>>) dst(%arg8 : memref<400xi32, #tpu.memory_space<vmem>>)
        tpu.yield
      }) : () -> ()
      "tpu.region"() ({
        %run_scoped3A_97 = tpu.sem_alloc : memref<!tpu.dma_semaphore, #tpu.memory_space<semaphore_mem>>
        %dma_start3A_98 = tpu.memref_slice %arg5[%add3A_84] : memref<320000xi32, #tpu.memory_space<hbm>> -> memref<400xi32, #tpu.memory_space<hbm>>
        %dma_start3A_99 = tpu.memref_slice %arg5[%add3A_84] : memref<320000xi32, #tpu.memory_space<hbm>> -> memref<400xi32, #tpu.memory_space<hbm>>
        tpu.enqueue_dma source(%dma_start3A_99 : memref<400xi32, #tpu.memory_space<hbm>>) target(%arg9 : memref<400xi32, #tpu.memory_space<vmem>>) target_semaphore(%run_scoped3A_97 : memref<!tpu.dma_semaphore, #tpu.memory_space<semaphore_mem>>)
        %dma_wait3A_100 = tpu.memref_slice %arg5[%add3A_84] : memref<320000xi32, #tpu.memory_space<hbm>> -> memref<400xi32, #tpu.memory_space<hbm>>
        %dma_wait3A_101 = tpu.memref_slice %arg5[%add3A_84] : memref<320000xi32, #tpu.memory_space<hbm>> -> memref<400xi32, #tpu.memory_space<hbm>>
        tpu.wait_dma2 semaphore(%run_scoped3A_97 : memref<!tpu.dma_semaphore, #tpu.memory_space<semaphore_mem>>) src(%dma_wait3A_101 : memref<400xi32, #tpu.memory_space<hbm>>) dst(%arg9 : memref<400xi32, #tpu.memory_space<vmem>>)
        tpu.yield
      }) : () -> ()
      %dma_start3A_85 = arith.constant 0 : i32
      %dma_start3A_86 = arith.constant 0 : i32
      %dma_start3A_87 = tpu.memref_slice %arg3[%dma_start3A_85, %dma_start3A_86] : memref<10000x64xf32, #tpu.memory_space<hbm>> -> memref<10000x64xf32, #tpu.memory_space<hbm>>
      tpu.enqueue_indirect_dma source(%dma_start3A_87 : memref<10000x64xf32, #tpu.memory_space<hbm>>) target(%arg10 : memref<400x64xf32, #tpu.memory_space<vmem>>) offsets(%arg8 : memref<400xi32, #tpu.memory_space<vmem>>) semaphore(%arg15 : memref<!tpu.dma_semaphore, #tpu.memory_space<semaphore_mem>>)
      %dma_wait3A_88 = arith.constant 0 : i32
      %dma_wait3A_89 = arith.constant 0 : i32
      %dma_wait3A_90 = tpu.memref_slice %arg3[%dma_wait3A_88, %dma_wait3A_89] : memref<10000x64xf32, #tpu.memory_space<hbm>> -> memref<10000x64xf32, #tpu.memory_space<hbm>>
      tpu.wait_indirect_dma semaphore(%arg15 : memref<!tpu.dma_semaphore, #tpu.memory_space<semaphore_mem>>) src(%dma_wait3A_90 : memref<10000x64xf32, #tpu.memory_space<hbm>>) dst(%arg10 : memref<400x64xf32, #tpu.memory_space<vmem>>)
      %add3A_91 = arith.constant 2 : i32
      %add3A_92 = arith.addi %add3A_76, %add3A_91 : i32
      %le3A = arith.constant 24 : i32
      %le3A_93 = arith.cmpi sle, %add3A_92, %le3A : i32
      %convert_element_type3A_94 = arith.extui %le3A_93 : i1 to i32
      %cond3A_95 = arith.constant 0 : i32
      %cond3A_96 = arith.cmpi ne, %convert_element_type3A_94, %cond3A_95 : i32
      scf.if %cond3A_96 {
        %add3A_97 = arith.constant 2 : i32
        %add3A_98 = arith.addi %add3A_76, %add3A_97 : i32
        %mul3A_99 = arith.constant 400 : i32
        %mul3A_100 = arith.muli %add3A_98, %mul3A_99 : i32
        %add3A_101 = arith.addi %mul3A_2, %mul3A_100 : i32
        "tpu.region"() ({
          %run_scoped3A_105 = tpu.sem_alloc : memref<!tpu.dma_semaphore, #tpu.memory_space<semaphore_mem>>
          %dma_start3A_106 = tpu.memref_slice %arg4[%add3A_101] : memref<320000xi32, #tpu.memory_space<hbm>> -> memref<400xi32, #tpu.memory_space<hbm>>
          %dma_start3A_107 = tpu.memref_slice %arg4[%add3A_101] : memref<320000xi32, #tpu.memory_space<hbm>> -> memref<400xi32, #tpu.memory_space<hbm>>
          tpu.enqueue_dma source(%dma_start3A_107 : memref<400xi32, #tpu.memory_space<hbm>>) target(%arg11 : memref<400xi32, #tpu.memory_space<vmem>>) target_semaphore(%run_scoped3A_105 : memref<!tpu.dma_semaphore, #tpu.memory_space<semaphore_mem>>)
          %dma_wait3A_108 = tpu.memref_slice %arg4[%add3A_101] : memref<320000xi32, #tpu.memory_space<hbm>> -> memref<400xi32, #tpu.memory_space<hbm>>
          %dma_wait3A_109 = tpu.memref_slice %arg4[%add3A_101] : memref<320000xi32, #tpu.memory_space<hbm>> -> memref<400xi32, #tpu.memory_space<hbm>>
          tpu.wait_dma2 semaphore(%run_scoped3A_105 : memref<!tpu.dma_semaphore, #tpu.memory_space<semaphore_mem>>) src(%dma_wait3A_109 : memref<400xi32, #tpu.memory_space<hbm>>) dst(%arg11 : memref<400xi32, #tpu.memory_space<vmem>>)
          tpu.yield
        }) : () -> ()
        "tpu.region"() ({
          %run_scoped3A_105 = tpu.sem_alloc : memref<!tpu.dma_semaphore, #tpu.memory_space<semaphore_mem>>
          %dma_start3A_106 = tpu.memref_slice %arg5[%add3A_101] : memref<320000xi32, #tpu.memory_space<hbm>> -> memref<400xi32, #tpu.memory_space<hbm>>
          %dma_start3A_107 = tpu.memref_slice %arg5[%add3A_101] : memref<320000xi32, #tpu.memory_space<hbm>> -> memref<400xi32, #tpu.memory_space<hbm>>
          tpu.enqueue_dma source(%dma_start3A_107 : memref<400xi32, #tpu.memory_space<hbm>>) target(%arg12 : memref<400xi32, #tpu.memory_space<vmem>>) target_semaphore(%run_scoped3A_105 : memref<!tpu.dma_semaphore, #tpu.memory_space<semaphore_mem>>)
          %dma_wait3A_108 = tpu.memref_slice %arg5[%add3A_101] : memref<320000xi32, #tpu.memory_space<hbm>> -> memref<400xi32, #tpu.memory_space<hbm>>
          %dma_wait3A_109 = tpu.memref_slice %arg5[%add3A_101] : memref<320000xi32, #tpu.memory_space<hbm>> -> memref<400xi32, #tpu.memory_space<hbm>>
          tpu.wait_dma2 semaphore(%run_scoped3A_105 : memref<!tpu.dma_semaphore, #tpu.memory_space<semaphore_mem>>) src(%dma_wait3A_109 : memref<400xi32, #tpu.memory_space<hbm>>) dst(%arg12 : memref<400xi32, #tpu.memory_space<vmem>>)
          tpu.yield
        }) : () -> ()
        %dma_start3A_102 = arith.constant 0 : i32
        %dma_start3A_103 = arith.constant 0 : i32
        %dma_start3A_104 = tpu.memref_slice %arg3[%dma_start3A_102, %dma_start3A_103] : memref<10000x64xf32, #tpu.memory_space<hbm>> -> memref<10000x64xf32, #tpu.memory_space<hbm>>
        tpu.enqueue_indirect_dma source(%dma_start3A_104 : memref<10000x64xf32, #tpu.memory_space<hbm>>) target(%arg13 : memref<400x64xf32, #tpu.memory_space<vmem>>) offsets(%arg11 : memref<400xi32, #tpu.memory_space<vmem>>) semaphore(%arg16 : memref<!tpu.dma_semaphore, #tpu.memory_space<semaphore_mem>>)
      } else {
      }
    }
    %scan3A_60 = arith.constant 12 : i32
    %barrier3A_61 = arith.constant 0 : index
    tpu.barrier barrier_id(%barrier3A_61)
    %mul3A_62 = arith.constant 624 : i32
    %mul3A_63 = arith.muli %arg1, %mul3A_62 : i32
    %mul3A_64 = arith.constant 624 : i32
    %mul3A_65 = arith.muli %arg1, %mul3A_64 : i32
    %run_scoped3A_66 = arith.constant 1 : i32
    "tpu.region"() ({
      %run_scoped3A_72 = tpu.sem_alloc : memref<!tpu.dma_semaphore, #tpu.memory_space<semaphore_mem>>
      %dma_start3A_73 = arith.constant 0 : i32
      %dma_start3A_74 = tpu.memref_slice %arg7[%arg0, %run_scoped3A_66, %mul3A_65, %dma_start3A_73] : memref<2x2x10000x64xf32, #tpu.memory_space<hbm>> -> memref<1x1x624x64xf32, #tpu.memory_space<hbm>>
      %dma_start3A_75 = tpu.memref_squeeze %dma_start3A_74 : memref<1x1x624x64xf32, #tpu.memory_space<hbm>> -> memref<624x64xf32, #tpu.memory_space<hbm>>
      %dma_start3A_76 = arith.constant 0 : i32
      %dma_start3A_77 = tpu.memref_slice %arg14[%mul3A_63, %dma_start3A_76] : memref<10000x64xf32, #tpu.memory_space<vmem_shared>> -> memref<624x64xf32, #tpu.memory_space<vmem_shared>>
      tpu.enqueue_dma source(%dma_start3A_77 : memref<624x64xf32, #tpu.memory_space<vmem_shared>>) target(%dma_start3A_75 : memref<624x64xf32, #tpu.memory_space<hbm>>) target_semaphore(%run_scoped3A_72 : memref<!tpu.dma_semaphore, #tpu.memory_space<semaphore_mem>>)
      %dma_wait3A_78 = arith.constant 0 : i32
      %dma_wait3A_79 = tpu.memref_slice %arg7[%arg0, %run_scoped3A_66, %mul3A_65, %dma_wait3A_78] : memref<2x2x10000x64xf32, #tpu.memory_space<hbm>> -> memref<1x1x624x64xf32, #tpu.memory_space<hbm>>
      %dma_wait3A_80 = tpu.memref_squeeze %dma_wait3A_79 : memref<1x1x624x64xf32, #tpu.memory_space<hbm>> -> memref<624x64xf32, #tpu.memory_space<hbm>>
      %dma_wait3A_81 = arith.constant 0 : i32
      %dma_wait3A_82 = tpu.memref_slice %arg14[%mul3A_63, %dma_wait3A_81] : memref<10000x64xf32, #tpu.memory_space<vmem_shared>> -> memref<624x64xf32, #tpu.memory_space<vmem_shared>>
      tpu.wait_dma2 semaphore(%run_scoped3A_72 : memref<!tpu.dma_semaphore, #tpu.memory_space<semaphore_mem>>) src(%dma_wait3A_82 : memref<624x64xf32, #tpu.memory_space<vmem_shared>>) dst(%dma_wait3A_80 : memref<624x64xf32, #tpu.memory_space<hbm>>)
      tpu.yield
    }) : () -> ()
    %eq3A_67 = arith.constant 0 : i32
    %eq3A_68 = arith.cmpi eq, %arg1, %eq3A_67 : i32
    %convert_element_type3A_69 = arith.extui %eq3A_68 : i1 to i32
    %cond3A_70 = arith.constant 0 : i32
    %cond3A_71 = arith.cmpi ne, %convert_element_type3A_69, %cond3A_70 : i32
    scf.if %cond3A_71 {
      %run_scoped3A_72 = arith.constant 1 : i32
      "tpu.region"() ({
        %run_scoped3A_73 = tpu.sem_alloc : memref<!tpu.dma_semaphore, #tpu.memory_space<semaphore_mem>>
        %dma_start3A_74 = arith.constant 9984 : i32
        %dma_start3A_75 = arith.constant 0 : i32
        %dma_start3A_76 = tpu.memref_slice %arg7[%arg0, %run_scoped3A_72, %dma_start3A_74, %dma_start3A_75] : memref<2x2x10000x64xf32, #tpu.memory_space<hbm>> -> memref<1x1x16x64xf32, #tpu.memory_space<hbm>>
        %dma_start3A_77 = tpu.memref_squeeze %dma_start3A_76 : memref<1x1x16x64xf32, #tpu.memory_space<hbm>> -> memref<16x64xf32, #tpu.memory_space<hbm>>
        %dma_start3A_78 = arith.constant 9984 : i32
        %dma_start3A_79 = arith.constant 0 : i32
        %dma_start3A_80 = tpu.memref_slice %arg14[%dma_start3A_78, %dma_start3A_79] : memref<10000x64xf32, #tpu.memory_space<vmem_shared>> -> memref<16x64xf32, #tpu.memory_space<vmem_shared>>
        tpu.enqueue_dma source(%dma_start3A_80 : memref<16x64xf32, #tpu.memory_space<vmem_shared>>) target(%dma_start3A_77 : memref<16x64xf32, #tpu.memory_space<hbm>>) target_semaphore(%run_scoped3A_73 : memref<!tpu.dma_semaphore, #tpu.memory_space<semaphore_mem>>)
        %dma_wait3A_81 = arith.constant 9984 : i32
        %dma_wait3A_82 = arith.constant 0 : i32
        %dma_wait3A_83 = tpu.memref_slice %arg7[%arg0, %run_scoped3A_72, %dma_wait3A_81, %dma_wait3A_82] : memref<2x2x10000x64xf32, #tpu.memory_space<hbm>> -> memref<1x1x16x64xf32, #tpu.memory_space<hbm>>
        %dma_wait3A_84 = tpu.memref_squeeze %dma_wait3A_83 : memref<1x1x16x64xf32, #tpu.memory_space<hbm>> -> memref<16x64xf32, #tpu.memory_space<hbm>>
        %dma_wait3A_85 = arith.constant 9984 : i32
        %dma_wait3A_86 = arith.constant 0 : i32
        %dma_wait3A_87 = tpu.memref_slice %arg14[%dma_wait3A_85, %dma_wait3A_86] : memref<10000x64xf32, #tpu.memory_space<vmem_shared>> -> memref<16x64xf32, #tpu.memory_space<vmem_shared>>
        tpu.wait_dma2 semaphore(%run_scoped3A_73 : memref<!tpu.dma_semaphore, #tpu.memory_space<semaphore_mem>>) src(%dma_wait3A_87 : memref<16x64xf32, #tpu.memory_space<vmem_shared>>) dst(%dma_wait3A_84 : memref<16x64xf32, #tpu.memory_space<hbm>>)
        tpu.yield
      }) : () -> ()
    } else {
    }
    return
  }
}

module attributes {stable_mosaic.version = 14 : i64} {
  func.func @_stage1_body(%arg0: i32, %arg1: memref<1000x128xf32, #tpu.memory_space<vmem>>, %arg2: memref<128x64xf32, #tpu.memory_space<vmem>>, %arg3: memref<1x64xf32, #tpu.memory_space<vmem>>, %arg4: memref<64x64xf32, #tpu.memory_space<vmem>>, %arg5: memref<1000x64xf32, #tpu.memory_space<vmem>>, %arg6: memref<1000x64xf32, #tpu.memory_space<vmem>>) attributes {dimension_semantics = [#tpu.dimension_semantics<arbitrary>], iteration_bounds = array<i64: 10>, scalar_prefetch = 0 : i64, scratch_operands = 0 : i64, tpu.core_type = #tpu.core_type<tc>, window_params = [{transform_indices = @transform_0, window_bounds = array<i64: 1000, 128>}, {pipeline_mode = #tpu.pipeline_mode<synchronous>, transform_indices = @transform_1, window_bounds = array<i64: 128, 64>}, {pipeline_mode = #tpu.pipeline_mode<synchronous>, transform_indices = @transform_2, window_bounds = array<i64: 1, 64>}, {pipeline_mode = #tpu.pipeline_mode<synchronous>, transform_indices = @transform_3, window_bounds = array<i64: 64, 64>}, {transform_indices = @transform_4, window_bounds = array<i64: 1000, 64>}, {transform_indices = @transform_5, window_bounds = array<i64: 1000, 64>}]} {
    %get3A = arith.constant 0 : index
    %get3A_0 = arith.constant 0 : index
    %get3A_1 = vector.load %arg1[%get3A, %get3A_0] : memref<1000x128xf32, #tpu.memory_space<vmem>>, vector<1000x128xf32>
    %get3A_2 = arith.constant 0 : index
    %get3A_3 = arith.constant 0 : index
    %get3A_4 = vector.load %arg2[%get3A_2, %get3A_3] : memref<128x64xf32, #tpu.memory_space<vmem>>, vector<128x64xf32>
    %dot_general3A = arith.constant dense<0.000000e+00> : vector<1000x64xf32>
    %dot_general3A_5 = tpu.matmul %get3A_1, %get3A_4, %dot_general3A {dimension_numbers = #tpu.dot_dimension_numbers<[1], [0], [0], [1], [0, 0, 1, 1], [], []>, transpose_lhs_hint = false} : vector<1000x128xf32>, vector<128x64xf32>, vector<1000x64xf32> -> vector<1000x64xf32>
    %get3A_6 = arith.constant 0 : index
    %get3A_7 = arith.constant 0 : index
    %get3A_8 = vector.load %arg3[%get3A_6, %get3A_7] : memref<1x64xf32, #tpu.memory_space<vmem>>, vector<1x64xf32>
    %add3A = vector.broadcast %get3A_8 : vector<1x64xf32> to vector<1000x64xf32>
    %add3A_9 = arith.addf %dot_general3A_5, %add3A : vector<1000x64xf32>
    %max3A = arith.constant 0.000000e+00 : f32
    %max3A_10 = vector.broadcast %max3A : f32 to vector<1000x64xf32>
    %max3A_11 = arith.maximumf %add3A_9, %max3A_10 : vector<1000x64xf32>
    %swap3A = arith.constant 0 : index
    %swap3A_12 = arith.constant 0 : index
    %swap3A_13 = vector.load %arg5[%swap3A, %swap3A_12] : memref<1000x64xf32, #tpu.memory_space<vmem>>, vector<1000x64xf32>
    tpu.vector_store %arg5[%swap3A, %swap3A_12], %max3A_11 {strides = array<i32>} : memref<1000x64xf32, #tpu.memory_space<vmem>>, vector<1000x64xf32>,
    %get3A_14 = arith.constant 0 : index
    %get3A_15 = arith.constant 0 : index
    %get3A_16 = vector.load %arg4[%get3A_14, %get3A_15] : memref<64x64xf32, #tpu.memory_space<vmem>>, vector<64x64xf32>
    %dot_general3A_17 = arith.constant dense<0.000000e+00> : vector<1000x64xf32>
    %dot_general3A_18 = tpu.matmul %max3A_11, %get3A_16, %dot_general3A_17 {dimension_numbers = #tpu.dot_dimension_numbers<[1], [0], [0], [1], [0, 0, 1, 1], [], []>, transpose_lhs_hint = false} : vector<1000x64xf32>, vector<64x64xf32>, vector<1000x64xf32> -> vector<1000x64xf32>
    %swap3A_19 = arith.constant 0 : index
    %swap3A_20 = arith.constant 0 : index
    %swap3A_21 = vector.load %arg6[%swap3A_19, %swap3A_20] : memref<1000x64xf32, #tpu.memory_space<vmem>>, vector<1000x64xf32>
    tpu.vector_store %arg6[%swap3A_19, %swap3A_20], %dot_general3A_18 {strides = array<i32>} : memref<1000x64xf32, #tpu.memory_space<vmem>>, vector<1000x64xf32>,
    return
  }
  func.func @transform_0(%arg0: i32) -> (i32, i32) {
    %c0_i32 = arith.constant 0 : i32
    %c0_i32_0 = arith.constant 0 : i32
    return %arg0, %c0_i32 : i32, i32
  }
  func.func @transform_1(%arg0: i32) -> (i32, i32) {
    %c0_i32 = arith.constant 0 : i32
    %c0_i32_0 = arith.constant 0 : i32
    %c0_i32_1 = arith.constant 0 : i32
    return %c0_i32, %c0_i32_0 : i32, i32
  }
  func.func @transform_2(%arg0: i32) -> (i32, i32) {
    %c0_i32 = arith.constant 0 : i32
    %c0_i32_0 = arith.constant 0 : i32
    %c0_i32_1 = arith.constant 0 : i32
    return %c0_i32, %c0_i32_0 : i32, i32
  }
  func.func @transform_3(%arg0: i32) -> (i32, i32) {
    %c0_i32 = arith.constant 0 : i32
    %c0_i32_0 = arith.constant 0 : i32
    %c0_i32_1 = arith.constant 0 : i32
    return %c0_i32, %c0_i32_0 : i32, i32
  }
  func.func @transform_4(%arg0: i32) -> (i32, i32) {
    %c0_i32 = arith.constant 0 : i32
    %c0_i32_0 = arith.constant 0 : i32
    return %arg0, %c0_i32 : i32, i32
  }
  func.func @transform_5(%arg0: i32) -> (i32, i32) {
    %c0_i32 = arith.constant 0 : i32
    %c0_i32_0 = arith.constant 0 : i32
    return %arg0, %c0_i32 : i32, i32
  }
}

module attributes {stable_mosaic.version = 14 : i64} {
  func.func @_combine_body(%arg0: i32, %arg1: memref<1000x64xf32, #tpu.memory_space<vmem>>, %arg2: memref<1000x64xf32, #tpu.memory_space<vmem>>, %arg3: memref<1x64xf32, #tpu.memory_space<vmem>>, %arg4: memref<64x64xf32, #tpu.memory_space<vmem>>, %arg5: memref<1000x64xf32, #tpu.memory_space<vmem>>, %arg6: memref<1000x64xf32, #tpu.memory_space<vmem>>) attributes {dimension_semantics = [#tpu.dimension_semantics<arbitrary>], iteration_bounds = array<i64: 10>, scalar_prefetch = 0 : i64, scratch_operands = 0 : i64, tpu.core_type = #tpu.core_type<tc>, window_params = [{transform_indices = @transform_0, window_bounds = array<i64: 1000, 64>}, {transform_indices = @transform_1, window_bounds = array<i64: 1000, 64>}, {pipeline_mode = #tpu.pipeline_mode<synchronous>, transform_indices = @transform_2, window_bounds = array<i64: 1, 64>}, {pipeline_mode = #tpu.pipeline_mode<synchronous>, transform_indices = @transform_3, window_bounds = array<i64: 64, 64>}, {transform_indices = @transform_4, window_bounds = array<i64: 1000, 64>}, {transform_indices = @transform_5, window_bounds = array<i64: 1000, 64>}]} {
    %get3A = arith.constant 0 : index
    %get3A_0 = arith.constant 0 : index
    %get3A_1 = vector.load %arg1[%get3A, %get3A_0] : memref<1000x64xf32, #tpu.memory_space<vmem>>, vector<1000x64xf32>
    %get3A_2 = arith.constant 0 : index
    %get3A_3 = arith.constant 0 : index
    %get3A_4 = vector.load %arg2[%get3A_2, %get3A_3] : memref<1000x64xf32, #tpu.memory_space<vmem>>, vector<1000x64xf32>
    %add3A = arith.addf %get3A_1, %get3A_4 : vector<1000x64xf32>
    %get3A_5 = arith.constant 0 : index
    %get3A_6 = arith.constant 0 : index
    %get3A_7 = vector.load %arg3[%get3A_5, %get3A_6] : memref<1x64xf32, #tpu.memory_space<vmem>>, vector<1x64xf32>
    %add3A_8 = vector.broadcast %get3A_7 : vector<1x64xf32> to vector<1000x64xf32>
    %add3A_9 = arith.addf %add3A, %add3A_8 : vector<1000x64xf32>
    %swap3A = arith.constant 0 : index
    %swap3A_10 = arith.constant 0 : index
    %swap3A_11 = vector.load %arg5[%swap3A, %swap3A_10] : memref<1000x64xf32, #tpu.memory_space<vmem>>, vector<1000x64xf32>
    tpu.vector_store %arg5[%swap3A, %swap3A_10], %add3A_9 {strides = array<i32>} : memref<1000x64xf32, #tpu.memory_space<vmem>>, vector<1000x64xf32>,
    %get3A_12 = arith.constant 0 : index
    %get3A_13 = arith.constant 0 : index
    %get3A_14 = vector.load %arg4[%get3A_12, %get3A_13] : memref<64x64xf32, #tpu.memory_space<vmem>>, vector<64x64xf32>
    %dot_general3A = arith.constant dense<0.000000e+00> : vector<1000x64xf32>
    %dot_general3A_15 = tpu.matmul %add3A_9, %get3A_14, %dot_general3A {dimension_numbers = #tpu.dot_dimension_numbers<[1], [0], [0], [1], [0, 0, 1, 1], [], []>, transpose_lhs_hint = false} : vector<1000x64xf32>, vector<64x64xf32>, vector<1000x64xf32> -> vector<1000x64xf32>
    %swap3A_16 = arith.constant 0 : index
    %swap3A_17 = arith.constant 0 : index
    %swap3A_18 = vector.load %arg6[%swap3A_16, %swap3A_17] : memref<1000x64xf32, #tpu.memory_space<vmem>>, vector<1000x64xf32>
    tpu.vector_store %arg6[%swap3A_16, %swap3A_17], %dot_general3A_15 {strides = array<i32>} : memref<1000x64xf32, #tpu.memory_space<vmem>>, vector<1000x64xf32>,
    return
  }
  func.func @transform_0(%arg0: i32) -> (i32, i32) {
    %c0_i32 = arith.constant 0 : i32
    %c0_i32_0 = arith.constant 0 : i32
    return %arg0, %c0_i32 : i32, i32
  }
  func.func @transform_1(%arg0: i32) -> (i32, i32) {
    %c0_i32 = arith.constant 0 : i32
    %c0_i32_0 = arith.constant 0 : i32
    return %arg0, %c0_i32 : i32, i32
  }
  func.func @transform_2(%arg0: i32) -> (i32, i32) {
    %c0_i32 = arith.constant 0 : i32
    %c0_i32_0 = arith.constant 0 : i32
    %c0_i32_1 = arith.constant 0 : i32
    return %c0_i32, %c0_i32_0 : i32, i32
  }
  func.func @transform_3(%arg0: i32) -> (i32, i32) {
    %c0_i32 = arith.constant 0 : i32
    %c0_i32_0 = arith.constant 0 : i32
    %c0_i32_1 = arith.constant 0 : i32
    return %c0_i32, %c0_i32_0 : i32, i32
  }
  func.func @transform_4(%arg0: i32) -> (i32, i32) {
    %c0_i32 = arith.constant 0 : i32
    %c0_i32_0 = arith.constant 0 : i32
    return %arg0, %c0_i32 : i32, i32
  }
  func.func @transform_5(%arg0: i32) -> (i32, i32) {
    %c0_i32 = arith.constant 0 : i32
    %c0_i32_0 = arith.constant 0 : i32
    return %arg0, %c0_i32 : i32, i32
  }
}

module attributes {stable_mosaic.version = 14 : i64} {
  func.func @_combine2_body(%arg0: i32, %arg1: memref<1000x64xf32, #tpu.memory_space<vmem>>, %arg2: memref<1000x64xf32, #tpu.memory_space<vmem>>, %arg3: memref<1000x64xf32, #tpu.memory_space<vmem>>, %arg4: memref<1x64xf32, #tpu.memory_space<vmem>>, %arg5: memref<128x128xf32, #tpu.memory_space<vmem>>, %arg6: memref<1000x64xf32, #tpu.memory_space<vmem>>, %arg7: memref<1000x64xf32, #tpu.memory_space<vmem>>, %arg8: memref<1000x64xf32, #tpu.memory_space<vmem>>) attributes {dimension_semantics = [#tpu.dimension_semantics<arbitrary>], iteration_bounds = array<i64: 10>, scalar_prefetch = 0 : i64, scratch_operands = 0 : i64, tpu.core_type = #tpu.core_type<tc>, window_params = [{transform_indices = @transform_0, window_bounds = array<i64: 1000, 64>}, {transform_indices = @transform_1, window_bounds = array<i64: 1000, 64>}, {transform_indices = @transform_2, window_bounds = array<i64: 1000, 64>}, {pipeline_mode = #tpu.pipeline_mode<synchronous>, transform_indices = @transform_3, window_bounds = array<i64: 1, 64>}, {pipeline_mode = #tpu.pipeline_mode<synchronous>, transform_indices = @transform_4, window_bounds = array<i64: 128, 128>}, {transform_indices = @transform_5, window_bounds = array<i64: 1000, 64>}, {transform_indices = @transform_6, window_bounds = array<i64: 1000, 64>}, {transform_indices = @transform_7, window_bounds = array<i64: 1000, 64>}]} {
    %get3A = arith.constant 0 : index
    %get3A_0 = arith.constant 0 : index
    %get3A_1 = vector.load %arg1[%get3A, %get3A_0] : memref<1000x64xf32, #tpu.memory_space<vmem>>, vector<1000x64xf32>
    %get3A_2 = arith.constant 0 : index
    %get3A_3 = arith.constant 0 : index
    %get3A_4 = vector.load %arg2[%get3A_2, %get3A_3] : memref<1000x64xf32, #tpu.memory_space<vmem>>, vector<1000x64xf32>
    %add3A = arith.addf %get3A_1, %get3A_4 : vector<1000x64xf32>
    %get3A_5 = arith.constant 0 : index
    %get3A_6 = arith.constant 0 : index
    %get3A_7 = vector.load %arg4[%get3A_5, %get3A_6] : memref<1x64xf32, #tpu.memory_space<vmem>>, vector<1x64xf32>
    %add3A_8 = vector.broadcast %get3A_7 : vector<1x64xf32> to vector<1000x64xf32>
    %add3A_9 = arith.addf %add3A, %add3A_8 : vector<1000x64xf32>
    %swap3A = arith.constant 0 : index
    %swap3A_10 = arith.constant 0 : index
    %swap3A_11 = vector.load %arg6[%swap3A, %swap3A_10] : memref<1000x64xf32, #tpu.memory_space<vmem>>, vector<1000x64xf32>
    tpu.vector_store %arg6[%swap3A, %swap3A_10], %add3A_9 {strides = array<i32>} : memref<1000x64xf32, #tpu.memory_space<vmem>>, vector<1000x64xf32>,
    %get3A_12 = arith.constant 0 : index
    %get3A_13 = arith.constant 0 : index
    %get3A_14 = vector.load %arg5[%get3A_12, %get3A_13] : memref<128x128xf32, #tpu.memory_space<vmem>>, vector<128x128xf32>
    %get3A_15 = arith.constant 0 : index
    %get3A_16 = arith.constant 0 : index
    %get3A_17 = vector.load %arg3[%get3A_15, %get3A_16] : memref<1000x64xf32, #tpu.memory_space<vmem>>, vector<1000x64xf32>
    %slice3A = vector.extract_strided_slice %get3A_14 {offsets = [0, 0], sizes = [64, 64], strides = [1, 1]} : vector<128x128xf32> to vector<64x64xf32>
    %dot_general3A = arith.constant dense<0.000000e+00> : vector<1000x64xf32>
    %dot_general3A_18 = tpu.matmul %get3A_17, %slice3A, %dot_general3A {dimension_numbers = #tpu.dot_dimension_numbers<[1], [0], [0], [1], [0, 0, 1, 1], [], []>, transpose_lhs_hint = false} : vector<1000x64xf32>, vector<64x64xf32>, vector<1000x64xf32> -> vector<1000x64xf32>
    %slice3A_19 = vector.extract_strided_slice %get3A_14 {offsets = [64, 0], sizes = [64, 64], strides = [1, 1]} : vector<128x128xf32> to vector<64x64xf32>
    %dot_general3A_20 = arith.constant dense<0.000000e+00> : vector<1000x64xf32>
    %dot_general3A_21 = tpu.matmul %add3A_9, %slice3A_19, %dot_general3A_20 {dimension_numbers = #tpu.dot_dimension_numbers<[1], [0], [0], [1], [0, 0, 1, 1], [], []>, transpose_lhs_hint = false} : vector<1000x64xf32>, vector<64x64xf32>, vector<1000x64xf32> -> vector<1000x64xf32>
    %add3A_22 = arith.addf %dot_general3A_18, %dot_general3A_21 : vector<1000x64xf32>
    %swap3A_23 = arith.constant 0 : index
    %swap3A_24 = arith.constant 0 : index
    %swap3A_25 = vector.load %arg7[%swap3A_23, %swap3A_24] : memref<1000x64xf32, #tpu.memory_space<vmem>>, vector<1000x64xf32>
    tpu.vector_store %arg7[%swap3A_23, %swap3A_24], %add3A_22 {strides = array<i32>} : memref<1000x64xf32, #tpu.memory_space<vmem>>, vector<1000x64xf32>,
    %get3A_26 = arith.constant 0 : index
    %get3A_27 = arith.constant 0 : index
    %get3A_28 = vector.load %arg3[%get3A_26, %get3A_27] : memref<1000x64xf32, #tpu.memory_space<vmem>>, vector<1000x64xf32>
    %slice3A_29 = vector.extract_strided_slice %get3A_14 {offsets = [0, 64], sizes = [64, 64], strides = [1, 1]} : vector<128x128xf32> to vector<64x64xf32>
    %dot_general3A_30 = arith.constant dense<0.000000e+00> : vector<1000x64xf32>
    %dot_general3A_31 = tpu.matmul %get3A_28, %slice3A_29, %dot_general3A_30 {dimension_numbers = #tpu.dot_dimension_numbers<[1], [0], [0], [1], [0, 0, 1, 1], [], []>, transpose_lhs_hint = false} : vector<1000x64xf32>, vector<64x64xf32>, vector<1000x64xf32> -> vector<1000x64xf32>
    %slice3A_32 = vector.extract_strided_slice %get3A_14 {offsets = [64, 64], sizes = [64, 64], strides = [1, 1]} : vector<128x128xf32> to vector<64x64xf32>
    %dot_general3A_33 = arith.constant dense<0.000000e+00> : vector<1000x64xf32>
    %dot_general3A_34 = tpu.matmul %add3A_9, %slice3A_32, %dot_general3A_33 {dimension_numbers = #tpu.dot_dimension_numbers<[1], [0], [0], [1], [0, 0, 1, 1], [], []>, transpose_lhs_hint = false} : vector<1000x64xf32>, vector<64x64xf32>, vector<1000x64xf32> -> vector<1000x64xf32>
    %add3A_35 = arith.addf %dot_general3A_31, %dot_general3A_34 : vector<1000x64xf32>
    %swap3A_36 = arith.constant 0 : index
    %swap3A_37 = arith.constant 0 : index
    %swap3A_38 = vector.load %arg8[%swap3A_36, %swap3A_37] : memref<1000x64xf32, #tpu.memory_space<vmem>>, vector<1000x64xf32>
    tpu.vector_store %arg8[%swap3A_36, %swap3A_37], %add3A_35 {strides = array<i32>} : memref<1000x64xf32, #tpu.memory_space<vmem>>, vector<1000x64xf32>,
    return
  }
  func.func @transform_0(%arg0: i32) -> (i32, i32) {
    %c0_i32 = arith.constant 0 : i32
    %c0_i32_0 = arith.constant 0 : i32
    return %arg0, %c0_i32 : i32, i32
  }
  func.func @transform_1(%arg0: i32) -> (i32, i32) {
    %c0_i32 = arith.constant 0 : i32
    %c0_i32_0 = arith.constant 0 : i32
    return %arg0, %c0_i32 : i32, i32
  }
  func.func @transform_2(%arg0: i32) -> (i32, i32) {
    %c0_i32 = arith.constant 0 : i32
    %c0_i32_0 = arith.constant 0 : i32
    return %arg0, %c0_i32 : i32, i32
  }
  func.func @transform_3(%arg0: i32) -> (i32, i32) {
    %c0_i32 = arith.constant 0 : i32
    %c0_i32_0 = arith.constant 0 : i32
    %c0_i32_1 = arith.constant 0 : i32
    return %c0_i32, %c0_i32_0 : i32, i32
  }
  func.func @transform_4(%arg0: i32) -> (i32, i32) {
    %c0_i32 = arith.constant 0 : i32
    %c0_i32_0 = arith.constant 0 : i32
    %c0_i32_1 = arith.constant 0 : i32
    return %c0_i32, %c0_i32_0 : i32, i32
  }
  func.func @transform_5(%arg0: i32) -> (i32, i32) {
    %c0_i32 = arith.constant 0 : i32
    %c0_i32_0 = arith.constant 0 : i32
    return %arg0, %c0_i32 : i32, i32
  }
  func.func @transform_6(%arg0: i32) -> (i32, i32) {
    %c0_i32 = arith.constant 0 : i32
    %c0_i32_0 = arith.constant 0 : i32
    return %arg0, %c0_i32 : i32, i32
  }
  func.func @transform_7(%arg0: i32) -> (i32, i32) {
    %c0_i32 = arith.constant 0 : i32
    %c0_i32_0 = arith.constant 0 : i32
    return %arg0, %c0_i32 : i32, i32
  }
}

module attributes {stable_mosaic.version = 14 : i64} {
  func.func @_combine4_body(%arg0: i32, %arg1: memref<1000x64xf32, #tpu.memory_space<vmem>>, %arg2: memref<1000x64xf32, #tpu.memory_space<vmem>>, %arg3: memref<1000x64xf32, #tpu.memory_space<vmem>>, %arg4: memref<1000x64xf32, #tpu.memory_space<vmem>>, %arg5: memref<1x64xf32, #tpu.memory_space<vmem>>, %arg6: memref<1x64xf32, #tpu.memory_space<vmem>>, %arg7: memref<128x128xf32, #tpu.memory_space<vmem>>, %arg8: memref<1000x64xf32, #tpu.memory_space<vmem>>, %arg9: memref<1000x64xf32, #tpu.memory_space<vmem>>, %arg10: memref<1000x64xf32, #tpu.memory_space<vmem>>, %arg11: memref<1000x64xf32, #tpu.memory_space<vmem>>) attributes {dimension_semantics = [#tpu.dimension_semantics<arbitrary>], iteration_bounds = array<i64: 10>, scalar_prefetch = 0 : i64, scratch_operands = 0 : i64, tpu.core_type = #tpu.core_type<tc>, window_params = [{transform_indices = @transform_0, window_bounds = array<i64: 1000, 64>}, {transform_indices = @transform_1, window_bounds = array<i64: 1000, 64>}, {transform_indices = @transform_2, window_bounds = array<i64: 1000, 64>}, {transform_indices = @transform_3, window_bounds = array<i64: 1000, 64>}, {pipeline_mode = #tpu.pipeline_mode<synchronous>, transform_indices = @transform_4, window_bounds = array<i64: 1, 64>}, {pipeline_mode = #tpu.pipeline_mode<synchronous>, transform_indices = @transform_5, window_bounds = array<i64: 1, 64>}, {pipeline_mode = #tpu.pipeline_mode<synchronous>, transform_indices = @transform_6, window_bounds = array<i64: 128, 128>}, {transform_indices = @transform_7, window_bounds = array<i64: 1000, 64>}, {transform_indices = @transform_8, window_bounds = array<i64: 1000, 64>}, {transform_indices = @transform_9, window_bounds = array<i64: 1000, 64>}, {transform_indices = @transform_10, window_bounds = array<i64: 1000, 64>}]} {
    %get3A = arith.constant 0 : index
    %get3A_0 = arith.constant 0 : index
    %get3A_1 = vector.load %arg1[%get3A, %get3A_0] : memref<1000x64xf32, #tpu.memory_space<vmem>>, vector<1000x64xf32>
    %get3A_2 = arith.constant 0 : index
    %get3A_3 = arith.constant 0 : index
    %get3A_4 = vector.load %arg2[%get3A_2, %get3A_3] : memref<1000x64xf32, #tpu.memory_space<vmem>>, vector<1000x64xf32>
    %add3A = arith.addf %get3A_1, %get3A_4 : vector<1000x64xf32>
    %get3A_5 = arith.constant 0 : index
    %get3A_6 = arith.constant 0 : index
    %get3A_7 = vector.load %arg5[%get3A_5, %get3A_6] : memref<1x64xf32, #tpu.memory_space<vmem>>, vector<1x64xf32>
    %add3A_8 = vector.broadcast %get3A_7 : vector<1x64xf32> to vector<1000x64xf32>
    %add3A_9 = arith.addf %add3A, %add3A_8 : vector<1000x64xf32>
    %get3A_10 = arith.constant 0 : index
    %get3A_11 = arith.constant 0 : index
    %get3A_12 = vector.load %arg3[%get3A_10, %get3A_11] : memref<1000x64xf32, #tpu.memory_space<vmem>>, vector<1000x64xf32>
    %get3A_13 = arith.constant 0 : index
    %get3A_14 = arith.constant 0 : index
    %get3A_15 = vector.load %arg4[%get3A_13, %get3A_14] : memref<1000x64xf32, #tpu.memory_space<vmem>>, vector<1000x64xf32>
    %add3A_16 = arith.addf %get3A_12, %get3A_15 : vector<1000x64xf32>
    %get3A_17 = arith.constant 0 : index
    %get3A_18 = arith.constant 0 : index
    %get3A_19 = vector.load %arg6[%get3A_17, %get3A_18] : memref<1x64xf32, #tpu.memory_space<vmem>>, vector<1x64xf32>
    %add3A_20 = vector.broadcast %get3A_19 : vector<1x64xf32> to vector<1000x64xf32>
    %add3A_21 = arith.addf %add3A_16, %add3A_20 : vector<1000x64xf32>
    %swap3A = arith.constant 0 : index
    %swap3A_22 = arith.constant 0 : index
    %swap3A_23 = vector.load %arg8[%swap3A, %swap3A_22] : memref<1000x64xf32, #tpu.memory_space<vmem>>, vector<1000x64xf32>
    tpu.vector_store %arg8[%swap3A, %swap3A_22], %add3A_9 {strides = array<i32>} : memref<1000x64xf32, #tpu.memory_space<vmem>>, vector<1000x64xf32>,
    %swap3A_24 = arith.constant 0 : index
    %swap3A_25 = arith.constant 0 : index
    %swap3A_26 = vector.load %arg9[%swap3A_24, %swap3A_25] : memref<1000x64xf32, #tpu.memory_space<vmem>>, vector<1000x64xf32>
    tpu.vector_store %arg9[%swap3A_24, %swap3A_25], %add3A_21 {strides = array<i32>} : memref<1000x64xf32, #tpu.memory_space<vmem>>, vector<1000x64xf32>,
    %get3A_27 = arith.constant 0 : index
    %get3A_28 = arith.constant 0 : index
    %get3A_29 = vector.load %arg7[%get3A_27, %get3A_28] : memref<128x128xf32, #tpu.memory_space<vmem>>, vector<128x128xf32>
    %slice3A = vector.extract_strided_slice %get3A_29 {offsets = [0, 0], sizes = [64, 64], strides = [1, 1]} : vector<128x128xf32> to vector<64x64xf32>
    %dot_general3A = arith.constant dense<0.000000e+00> : vector<1000x64xf32>
    %dot_general3A_30 = tpu.matmul %add3A_9, %slice3A, %dot_general3A {dimension_numbers = #tpu.dot_dimension_numbers<[1], [0], [0], [1], [0, 0, 1, 1], [], []>, transpose_lhs_hint = false} : vector<1000x64xf32>, vector<64x64xf32>, vector<1000x64xf32> -> vector<1000x64xf32>
    %slice3A_31 = vector.extract_strided_slice %get3A_29 {offsets = [64, 0], sizes = [64, 64], strides = [1, 1]} : vector<128x128xf32> to vector<64x64xf32>
    %dot_general3A_32 = arith.constant dense<0.000000e+00> : vector<1000x64xf32>
    %dot_general3A_33 = tpu.matmul %add3A_21, %slice3A_31, %dot_general3A_32 {dimension_numbers = #tpu.dot_dimension_numbers<[1], [0], [0], [1], [0, 0, 1, 1], [], []>, transpose_lhs_hint = false} : vector<1000x64xf32>, vector<64x64xf32>, vector<1000x64xf32> -> vector<1000x64xf32>
    %add3A_34 = arith.addf %dot_general3A_30, %dot_general3A_33 : vector<1000x64xf32>
    %swap3A_35 = arith.constant 0 : index
    %swap3A_36 = arith.constant 0 : index
    %swap3A_37 = vector.load %arg10[%swap3A_35, %swap3A_36] : memref<1000x64xf32, #tpu.memory_space<vmem>>, vector<1000x64xf32>
    tpu.vector_store %arg10[%swap3A_35, %swap3A_36], %add3A_34 {strides = array<i32>} : memref<1000x64xf32, #tpu.memory_space<vmem>>, vector<1000x64xf32>,
    %slice3A_38 = vector.extract_strided_slice %get3A_29 {offsets = [0, 64], sizes = [64, 64], strides = [1, 1]} : vector<128x128xf32> to vector<64x64xf32>
    %dot_general3A_39 = arith.constant dense<0.000000e+00> : vector<1000x64xf32>
    %dot_general3A_40 = tpu.matmul %add3A_9, %slice3A_38, %dot_general3A_39 {dimension_numbers = #tpu.dot_dimension_numbers<[1], [0], [0], [1], [0, 0, 1, 1], [], []>, transpose_lhs_hint = false} : vector<1000x64xf32>, vector<64x64xf32>, vector<1000x64xf32> -> vector<1000x64xf32>
    %slice3A_41 = vector.extract_strided_slice %get3A_29 {offsets = [64, 64], sizes = [64, 64], strides = [1, 1]} : vector<128x128xf32> to vector<64x64xf32>
    %dot_general3A_42 = arith.constant dense<0.000000e+00> : vector<1000x64xf32>
    %dot_general3A_43 = tpu.matmul %add3A_21, %slice3A_41, %dot_general3A_42 {dimension_numbers = #tpu.dot_dimension_numbers<[1], [0], [0], [1], [0, 0, 1, 1], [], []>, transpose_lhs_hint = false} : vector<1000x64xf32>, vector<64x64xf32>, vector<1000x64xf32> -> vector<1000x64xf32>
    %add3A_44 = arith.addf %dot_general3A_40, %dot_general3A_43 : vector<1000x64xf32>
    %swap3A_45 = arith.constant 0 : index
    %swap3A_46 = arith.constant 0 : index
    %swap3A_47 = vector.load %arg11[%swap3A_45, %swap3A_46] : memref<1000x64xf32, #tpu.memory_space<vmem>>, vector<1000x64xf32>
    tpu.vector_store %arg11[%swap3A_45, %swap3A_46], %add3A_44 {strides = array<i32>} : memref<1000x64xf32, #tpu.memory_space<vmem>>, vector<1000x64xf32>,
    return
  }
  func.func @transform_0(%arg0: i32) -> (i32, i32) {
    %c0_i32 = arith.constant 0 : i32
    %c0_i32_0 = arith.constant 0 : i32
    return %arg0, %c0_i32 : i32, i32
  }
  func.func @transform_1(%arg0: i32) -> (i32, i32) {
    %c0_i32 = arith.constant 0 : i32
    %c0_i32_0 = arith.constant 0 : i32
    return %arg0, %c0_i32 : i32, i32
  }
  func.func @transform_2(%arg0: i32) -> (i32, i32) {
    %c0_i32 = arith.constant 0 : i32
    %c0_i32_0 = arith.constant 0 : i32
    return %arg0, %c0_i32 : i32, i32
  }
  func.func @transform_3(%arg0: i32) -> (i32, i32) {
    %c0_i32 = arith.constant 0 : i32
    %c0_i32_0 = arith.constant 0 : i32
    return %arg0, %c0_i32 : i32, i32
  }
  func.func @transform_4(%arg0: i32) -> (i32, i32) {
    %c0_i32 = arith.constant 0 : i32
    %c0_i32_0 = arith.constant 0 : i32
    %c0_i32_1 = arith.constant 0 : i32
    return %c0_i32, %c0_i32_0 : i32, i32
  }
  func.func @transform_5(%arg0: i32) -> (i32, i32) {
    %c0_i32 = arith.constant 0 : i32
    %c0_i32_0 = arith.constant 0 : i32
    %c0_i32_1 = arith.constant 0 : i32
    return %c0_i32, %c0_i32_0 : i32, i32
  }
  func.func @transform_6(%arg0: i32) -> (i32, i32) {
    %c0_i32 = arith.constant 0 : i32
    %c0_i32_0 = arith.constant 0 : i32
    %c0_i32_1 = arith.constant 0 : i32
    return %c0_i32, %c0_i32_0 : i32, i32
  }
  func.func @transform_7(%arg0: i32) -> (i32, i32) {
    %c0_i32 = arith.constant 0 : i32
    %c0_i32_0 = arith.constant 0 : i32
    return %arg0, %c0_i32 : i32, i32
  }
  func.func @transform_8(%arg0: i32) -> (i32, i32) {
    %c0_i32 = arith.constant 0 : i32
    %c0_i32_0 = arith.constant 0 : i32
    return %arg0, %c0_i32 : i32, i32
  }
  func.func @transform_9(%arg0: i32) -> (i32, i32) {
    %c0_i32 = arith.constant 0 : i32
    %c0_i32_0 = arith.constant 0 : i32
    return %arg0, %c0_i32 : i32, i32
  }
  func.func @transform_10(%arg0: i32) -> (i32, i32) {
    %c0_i32 = arith.constant 0 : i32
    %c0_i32_0 = arith.constant 0 : i32
    return %arg0, %c0_i32 : i32, i32
  }
}

module attributes {stable_mosaic.version = 14 : i64} {
  func.func @_final_body(%arg0: i32, %arg1: memref<1000x64xf32, #tpu.memory_space<vmem>>, %arg2: memref<1000x64xf32, #tpu.memory_space<vmem>>, %arg3: memref<1000x64xf32, #tpu.memory_space<vmem>>, %arg4: memref<1000x64xf32, #tpu.memory_space<vmem>>, %arg5: memref<1000x64xf32, #tpu.memory_space<vmem>>, %arg6: memref<1000x64xf32, #tpu.memory_space<vmem>>, %arg7: memref<1000x64xf32, #tpu.memory_space<vmem>>, %arg8: memref<1000x64xf32, #tpu.memory_space<vmem>>, %arg9: memref<1000x64xf32, #tpu.memory_space<vmem>>, %arg10: memref<1x64xf32, #tpu.memory_space<vmem>>, %arg11: memref<1x64xf32, #tpu.memory_space<vmem>>, %arg12: memref<448x32xf32, #tpu.memory_space<vmem>>, %arg13: memref<1x32xf32, #tpu.memory_space<vmem>>, %arg14: memref<1000x32xf32, #tpu.memory_space<vmem>>) attributes {dimension_semantics = [#tpu.dimension_semantics<arbitrary>], iteration_bounds = array<i64: 10>, scalar_prefetch = 0 : i64, scratch_operands = 0 : i64, tpu.core_type = #tpu.core_type<tc>, window_params = [{transform_indices = @transform_0, window_bounds = array<i64: 1000, 64>}, {transform_indices = @transform_1, window_bounds = array<i64: 1000, 64>}, {transform_indices = @transform_2, window_bounds = array<i64: 1000, 64>}, {transform_indices = @transform_3, window_bounds = array<i64: 1000, 64>}, {transform_indices = @transform_4, window_bounds = array<i64: 1000, 64>}, {transform_indices = @transform_5, window_bounds = array<i64: 1000, 64>}, {transform_indices = @transform_6, window_bounds = array<i64: 1000, 64>}, {transform_indices = @transform_7, window_bounds = array<i64: 1000, 64>}, {transform_indices = @transform_8, window_bounds = array<i64: 1000, 64>}, {pipeline_mode = #tpu.pipeline_mode<synchronous>, transform_indices = @transform_9, window_bounds = array<i64: 1, 64>}, {pipeline_mode = #tpu.pipeline_mode<synchronous>, transform_indices = @transform_10, window_bounds = array<i64: 1, 64>}, {pipeline_mode = #tpu.pipeline_mode<synchronous>, transform_indices = @transform_11, window_bounds = array<i64: 448, 32>}, {pipeline_mode = #tpu.pipeline_mode<synchronous>, transform_indices = @transform_12, window_bounds = array<i64: 1, 32>}, {transform_indices = @transform_13, window_bounds = array<i64: 1000, 32>}]} {
    %get3A = arith.constant 0 : index
    %get3A_0 = arith.constant 0 : index
    %get3A_1 = vector.load %arg1[%get3A, %get3A_0] : memref<1000x64xf32, #tpu.memory_space<vmem>>, vector<1000x64xf32>
    %get3A_2 = arith.constant 0 : index
    %get3A_3 = arith.constant 0 : index
    %get3A_4 = vector.load %arg2[%get3A_2, %get3A_3] : memref<1000x64xf32, #tpu.memory_space<vmem>>, vector<1000x64xf32>
    %add3A = arith.addf %get3A_1, %get3A_4 : vector<1000x64xf32>
    %get3A_5 = arith.constant 0 : index
    %get3A_6 = arith.constant 0 : index
    %get3A_7 = vector.load %arg10[%get3A_5, %get3A_6] : memref<1x64xf32, #tpu.memory_space<vmem>>, vector<1x64xf32>
    %add3A_8 = vector.broadcast %get3A_7 : vector<1x64xf32> to vector<1000x64xf32>
    %add3A_9 = arith.addf %add3A, %add3A_8 : vector<1000x64xf32>
    %get3A_10 = arith.constant 0 : index
    %get3A_11 = arith.constant 0 : index
    %get3A_12 = vector.load %arg3[%get3A_10, %get3A_11] : memref<1000x64xf32, #tpu.memory_space<vmem>>, vector<1000x64xf32>
    %get3A_13 = arith.constant 0 : index
    %get3A_14 = arith.constant 0 : index
    %get3A_15 = vector.load %arg4[%get3A_13, %get3A_14] : memref<1000x64xf32, #tpu.memory_space<vmem>>, vector<1000x64xf32>
    %add3A_16 = arith.addf %get3A_12, %get3A_15 : vector<1000x64xf32>
    %get3A_17 = arith.constant 0 : index
    %get3A_18 = arith.constant 0 : index
    %get3A_19 = vector.load %arg11[%get3A_17, %get3A_18] : memref<1x64xf32, #tpu.memory_space<vmem>>, vector<1x64xf32>
    %add3A_20 = vector.broadcast %get3A_19 : vector<1x64xf32> to vector<1000x64xf32>
    %add3A_21 = arith.addf %add3A_16, %add3A_20 : vector<1000x64xf32>
    %get3A_22 = arith.constant 0 : index
    %get3A_23 = arith.constant 0 : index
    %get3A_24 = vector.load %arg12[%get3A_22, %get3A_23] : memref<448x32xf32, #tpu.memory_space<vmem>>, vector<448x32xf32>
    %get3A_25 = arith.constant 0 : index
    %get3A_26 = arith.constant 0 : index
    %get3A_27 = vector.load %arg5[%get3A_25, %get3A_26] : memref<1000x64xf32, #tpu.memory_space<vmem>>, vector<1000x64xf32>
    %slice3A = vector.extract_strided_slice %get3A_24 {offsets = [0, 0], sizes = [64, 32], strides = [1, 1]} : vector<448x32xf32> to vector<64x32xf32>
    %dot_general3A = arith.constant dense<0.000000e+00> : vector<1000x32xf32>
    %dot_general3A_28 = tpu.matmul %get3A_27, %slice3A, %dot_general3A {dimension_numbers = #tpu.dot_dimension_numbers<[1], [0], [0], [1], [0, 0, 1, 1], [], []>, transpose_lhs_hint = false} : vector<1000x64xf32>, vector<64x32xf32>, vector<1000x32xf32> -> vector<1000x32xf32>
    %get3A_29 = arith.constant 0 : index
    %get3A_30 = arith.constant 0 : index
    %get3A_31 = vector.load %arg6[%get3A_29, %get3A_30] : memref<1000x64xf32, #tpu.memory_space<vmem>>, vector<1000x64xf32>
    %slice3A_32 = vector.extract_strided_slice %get3A_24 {offsets = [64, 0], sizes = [64, 32], strides = [1, 1]} : vector<448x32xf32> to vector<64x32xf32>
    %dot_general3A_33 = arith.constant dense<0.000000e+00> : vector<1000x32xf32>
    %dot_general3A_34 = tpu.matmul %get3A_31, %slice3A_32, %dot_general3A_33 {dimension_numbers = #tpu.dot_dimension_numbers<[1], [0], [0], [1], [0, 0, 1, 1], [], []>, transpose_lhs_hint = false} : vector<1000x64xf32>, vector<64x32xf32>, vector<1000x32xf32> -> vector<1000x32xf32>
    %add3A_35 = arith.addf %dot_general3A_28, %dot_general3A_34 : vector<1000x32xf32>
    %get3A_36 = arith.constant 0 : index
    %get3A_37 = arith.constant 0 : index
    %get3A_38 = vector.load %arg7[%get3A_36, %get3A_37] : memref<1000x64xf32, #tpu.memory_space<vmem>>, vector<1000x64xf32>
    %slice3A_39 = vector.extract_strided_slice %get3A_24 {offsets = [128, 0], sizes = [64, 32], strides = [1, 1]} : vector<448x32xf32> to vector<64x32xf32>
    %dot_general3A_40 = arith.constant dense<0.000000e+00> : vector<1000x32xf32>
    %dot_general3A_41 = tpu.matmul %get3A_38, %slice3A_39, %dot_general3A_40 {dimension_numbers = #tpu.dot_dimension_numbers<[1], [0], [0], [1], [0, 0, 1, 1], [], []>, transpose_lhs_hint = false} : vector<1000x64xf32>, vector<64x32xf32>, vector<1000x32xf32> -> vector<1000x32xf32>
    %add3A_42 = arith.addf %add3A_35, %dot_general3A_41 : vector<1000x32xf32>
    %get3A_43 = arith.constant 0 : index
    %get3A_44 = arith.constant 0 : index
    %get3A_45 = vector.load %arg8[%get3A_43, %get3A_44] : memref<1000x64xf32, #tpu.memory_space<vmem>>, vector<1000x64xf32>
    %slice3A_46 = vector.extract_strided_slice %get3A_24 {offsets = [192, 0], sizes = [64, 32], strides = [1, 1]} : vector<448x32xf32> to vector<64x32xf32>
    %dot_general3A_47 = arith.constant dense<0.000000e+00> : vector<1000x32xf32>
    %dot_general3A_48 = tpu.matmul %get3A_45, %slice3A_46, %dot_general3A_47 {dimension_numbers = #tpu.dot_dimension_numbers<[1], [0], [0], [1], [0, 0, 1, 1], [], []>, transpose_lhs_hint = false} : vector<1000x64xf32>, vector<64x32xf32>, vector<1000x32xf32> -> vector<1000x32xf32>
    %add3A_49 = arith.addf %add3A_42, %dot_general3A_48 : vector<1000x32xf32>
    %get3A_50 = arith.constant 0 : index
    %get3A_51 = arith.constant 0 : index
    %get3A_52 = vector.load %arg9[%get3A_50, %get3A_51] : memref<1000x64xf32, #tpu.memory_space<vmem>>, vector<1000x64xf32>
    %slice3A_53 = vector.extract_strided_slice %get3A_24 {offsets = [256, 0], sizes = [64, 32], strides = [1, 1]} : vector<448x32xf32> to vector<64x32xf32>
    %dot_general3A_54 = arith.constant dense<0.000000e+00> : vector<1000x32xf32>
    %dot_general3A_55 = tpu.matmul %get3A_52, %slice3A_53, %dot_general3A_54 {dimension_numbers = #tpu.dot_dimension_numbers<[1], [0], [0], [1], [0, 0, 1, 1], [], []>, transpose_lhs_hint = false} : vector<1000x64xf32>, vector<64x32xf32>, vector<1000x32xf32> -> vector<1000x32xf32>
    %add3A_56 = arith.addf %add3A_49, %dot_general3A_55 : vector<1000x32xf32>
    %slice3A_57 = vector.extract_strided_slice %get3A_24 {offsets = [320, 0], sizes = [64, 32], strides = [1, 1]} : vector<448x32xf32> to vector<64x32xf32>
    %dot_general3A_58 = arith.constant dense<0.000000e+00> : vector<1000x32xf32>
    %dot_general3A_59 = tpu.matmul %add3A_9, %slice3A_57, %dot_general3A_58 {dimension_numbers = #tpu.dot_dimension_numbers<[1], [0], [0], [1], [0, 0, 1, 1], [], []>, transpose_lhs_hint = false} : vector<1000x64xf32>, vector<64x32xf32>, vector<1000x32xf32> -> vector<1000x32xf32>
    %add3A_60 = arith.addf %add3A_56, %dot_general3A_59 : vector<1000x32xf32>
    %slice3A_61 = vector.extract_strided_slice %get3A_24 {offsets = [384, 0], sizes = [64, 32], strides = [1, 1]} : vector<448x32xf32> to vector<64x32xf32>
    %dot_general3A_62 = arith.constant dense<0.000000e+00> : vector<1000x32xf32>
    %dot_general3A_63 = tpu.matmul %add3A_21, %slice3A_61, %dot_general3A_62 {dimension_numbers = #tpu.dot_dimension_numbers<[1], [0], [0], [1], [0, 0, 1, 1], [], []>, transpose_lhs_hint = false} : vector<1000x64xf32>, vector<64x32xf32>, vector<1000x32xf32> -> vector<1000x32xf32>
    %add3A_64 = arith.addf %add3A_60, %dot_general3A_63 : vector<1000x32xf32>
    %get3A_65 = arith.constant 0 : index
    %get3A_66 = arith.constant 0 : index
    %get3A_67 = vector.load %arg13[%get3A_65, %get3A_66] : memref<1x32xf32, #tpu.memory_space<vmem>>, vector<1x32xf32>
    %add3A_68 = vector.broadcast %get3A_67 : vector<1x32xf32> to vector<1000x32xf32>
    %add3A_69 = arith.addf %add3A_64, %add3A_68 : vector<1000x32xf32>
    %neg3A = arith.constant 0.000000e+00 : f32
    %neg3A_70 = vector.broadcast %neg3A : f32 to vector<1000x32xf32>
    %neg3A_71 = arith.subf %neg3A_70, %add3A_69 : vector<1000x32xf32>
    %exp3A = math.exp %neg3A_71 : vector<1000x32xf32>
    %add3A_72 = arith.constant 1.000000e+00 : f32
    %add3A_73 = vector.broadcast %add3A_72 : f32 to vector<1000x32xf32>
    %add3A_74 = arith.addf %add3A_73, %exp3A : vector<1000x32xf32>
    %div3A = arith.constant 1.000000e+00 : f32
    %div3A_75 = vector.broadcast %div3A : f32 to vector<1000x32xf32>
    %div3A_76 = arith.divf %div3A_75, %add3A_74 : vector<1000x32xf32>
    %swap3A = arith.constant 0 : index
    %swap3A_77 = arith.constant 0 : index
    %swap3A_78 = vector.load %arg14[%swap3A, %swap3A_77] : memref<1000x32xf32, #tpu.memory_space<vmem>>, vector<1000x32xf32>
    tpu.vector_store %arg14[%swap3A, %swap3A_77], %div3A_76 {strides = array<i32>} : memref<1000x32xf32, #tpu.memory_space<vmem>>, vector<1000x32xf32>,
    return
  }
  func.func @transform_0(%arg0: i32) -> (i32, i32) {
    %c0_i32 = arith.constant 0 : i32
    %c0_i32_0 = arith.constant 0 : i32
    return %arg0, %c0_i32 : i32, i32
  }
  func.func @transform_1(%arg0: i32) -> (i32, i32) {
    %c0_i32 = arith.constant 0 : i32
    %c0_i32_0 = arith.constant 0 : i32
    return %arg0, %c0_i32 : i32, i32
  }
  func.func @transform_2(%arg0: i32) -> (i32, i32) {
    %c0_i32 = arith.constant 0 : i32
    %c0_i32_0 = arith.constant 0 : i32
    return %arg0, %c0_i32 : i32, i32
  }
  func.func @transform_3(%arg0: i32) -> (i32, i32) {
    %c0_i32 = arith.constant 0 : i32
    %c0_i32_0 = arith.constant 0 : i32
    return %arg0, %c0_i32 : i32, i32
  }
  func.func @transform_4(%arg0: i32) -> (i32, i32) {
    %c0_i32 = arith.constant 0 : i32
    %c0_i32_0 = arith.constant 0 : i32
    return %arg0, %c0_i32 : i32, i32
  }
  func.func @transform_5(%arg0: i32) -> (i32, i32) {
    %c0_i32 = arith.constant 0 : i32
    %c0_i32_0 = arith.constant 0 : i32
    return %arg0, %c0_i32 : i32, i32
  }
  func.func @transform_6(%arg0: i32) -> (i32, i32) {
    %c0_i32 = arith.constant 0 : i32
    %c0_i32_0 = arith.constant 0 : i32
    return %arg0, %c0_i32 : i32, i32
  }
  func.func @transform_7(%arg0: i32) -> (i32, i32) {
    %c0_i32 = arith.constant 0 : i32
    %c0_i32_0 = arith.constant 0 : i32
    return %arg0, %c0_i32 : i32, i32
  }
  func.func @transform_8(%arg0: i32) -> (i32, i32) {
    %c0_i32 = arith.constant 0 : i32
    %c0_i32_0 = arith.constant 0 : i32
    return %arg0, %c0_i32 : i32, i32
  }
  func.func @transform_9(%arg0: i32) -> (i32, i32) {
    %c0_i32 = arith.constant 0 : i32
    %c0_i32_0 = arith.constant 0 : i32
    %c0_i32_1 = arith.constant 0 : i32
    return %c0_i32, %c0_i32_0 : i32, i32
  }
  func.func @transform_10(%arg0: i32) -> (i32, i32) {
    %c0_i32 = arith.constant 0 : i32
    %c0_i32_0 = arith.constant 0 : i32
    %c0_i32_1 = arith.constant 0 : i32
    return %c0_i32, %c0_i32_0 : i32, i32
  }
  func.func @transform_11(%arg0: i32) -> (i32, i32) {
    %c0_i32 = arith.constant 0 : i32
    %c0_i32_0 = arith.constant 0 : i32
    %c0_i32_1 = arith.constant 0 : i32
    return %c0_i32, %c0_i32_0 : i32, i32
  }
  func.func @transform_12(%arg0: i32) -> (i32, i32) {
    %c0_i32 = arith.constant 0 : i32
    %c0_i32_0 = arith.constant 0 : i32
    %c0_i32_1 = arith.constant 0 : i32
    return %c0_i32, %c0_i32_0 : i32, i32
  }
  func.func @transform_13(%arg0: i32) -> (i32, i32) {
    %c0_i32 = arith.constant 0 : i32
    %c0_i32_0 = arith.constant 0 : i32
    return %arg0, %c0_i32 : i32, i32
  }
}

</mosaic_0001>

<sc_bundles>
// kernel: kernel.11.cloned.1.call-start
scs
__scs_entry_jumppad:
0x0: {  	(pc) =	sbr.rel $0x88, $3  }
0x1: {  	(tag) =	ssettag $0x0;
	lr =	simm.s32 $0x1  }
0x2: {  	[smem:$0x3F97] =	sst lr;
	_ =	strace $0xD0000000  }
0x3: {  	_ = 	snop  }
0x4: {  	_ = 	snop  }
0x5: {  	_ = 	snop  }
0x6: {  	_ = 	snop  }
0x7: {  	_ = 	snop  }
__scs_overlays_trampoline_lowered:
0x8: {  	[smem:$0x3FA6] =	sst s0  }
0x9: {  	[smem:$0x3FA7] =	sst s1  }
0xa: {  	[smem:$0x3FA8] =	sst s2  }
0xb: {  	[smem:$0x3FA9] =	sst s3  }
0xc: {  	[smem:$0x3FAA] =	sst s4  }
0xd: {  	[smem:$0x3FAB] =	sst s5  }
0xe: {  	[smem:$0x3FAC] =	sst s6  }
0xf: {  	[smem:$0x3FAD] =	sst s7  }
0x10: {  	[smem:$0x3FAE] =	sst s8  }
0x11: {  	[smem:$0x3FAF] =	sst s9;
	s0 =	simm.s32 @!p0 $0x0  }
0x12: {  	s1 =	sld [smem:$0x3F95];
	s0 =	simm.s32 @p0 $0x1  }
0x13: {  	[smem:$0x3FB0] =	sst s0;
	s0 =	simm.s32 @!p1 $0x0  }
0x14: {  	s2 =	sld [smem:$0x3F94];
	s0 =	simm.s32 @p1 $0x1  }
0x15: {  	[smem:$0x3FB1] =	sst s0;
	s0 =	simm.s32 @!p2 $0x0  }
0x16: {  	s3 =	sld [smem:$0x3FDB];
	s0 =	simm.s32 @p2 $0x1  }
0x17: {  	s4 =	simm.s32 $0x1BF5;
	[smem:$0x3FB3] =	sst s0  }
0x18: {  	s0 =	sld [smem:$0x3F96];
	_ =	swait.ge [sflag:s4], $0x0  }
0x19: {  	s7 =	sld [smem:$0x3F97]  }
0x1a: {  	s8 =	sadd.s32 $0xFFFFE003, lr  }
0x1b: {  	s9 =	sadd.s32 $0xFFFFFEF7, lr;
	s5 =	simm.s32 $0xFFFFFFFF;
	p2 =	slt.u32 s8, $0xFFFFF086  }
0x1c: {  	p1 =	slt.u32 s9, $0xF7A;
	s5 =	simm.s32 @!p2 $0x0  }
0x1d: {  	s5 =	simm.s32 @p1 $0x1;
	p0 =	seq.s32 s7, s2  }
0x1e: {  	s7 =	smul.u32 @!p0 $0xF7A, s2;
	p2 =	seq.s32 @!p0 s5, $0x0  }
0x1f: {  	s9 =	smul.u32 $0xF7A, s1;
	s8 =	simm.s32 @!p0 $0x1BF5;
	p2 =	por !p2, p0  }
0x20: {  	[sflag:s8] =	ssyncset.s32 @!p0 $0xFFFFF086;
	s6 =	sadd.s32 @!p0 s3, s7;
	s7 =	simm.s32 @!p0 $0x108  }
0x21: {  	s3 =	sadd.s32 s3, s9;
	s6 =	sadd.s32 @!p0 $0x88, s6;
	s7 =	simm.s32 @p2 $0x1082  }
0x22: {  	[simem:s7], [sflag:s8] =	dma.local @!p0 [hbm:s6], $0xF7A  }
0x23: {  	s9 =	sor.u32 $0xD0000000, s2;
	s6 =	simm.s32 $0x108;
	_ =	swait.ge @!p0 [sflag:s8], $0x0  }
0x24: {  	s3 =	sadd.s32 $0x88, s3;
	s6 =	simm.s32 @!p1 $0x1082;
	[sflag:s4] =	ssyncset.s32 $0xFFFFF086  }
0x25: {  	[simem:s6], [sflag:s4] =	dma.local [hbm:s3], $0xF7A  }
0x26: {  	[smem:$0x3F97] =	sst s1;
	(tag) =	ssettag s2;
	_ =	strace s9  }
0x27: {  	s1 =	sld [smem:$0x3FA7]  }
0x28: {  	s2 =	sld [smem:$0x3FA8]  }
0x29: {  	s4 =	sld [smem:$0x3FAA]  }
0x2a: {  	p0 =	seq.s32 s5, $0x0;
	s5 =	sld [smem:$0x3FAB]  }
0x2b: {  	s6 =	sld [smem:$0x3FAC]  }
0x2c: {  	s7 =	sld [smem:$0x3FAD]  }
0x2d: {  	s3 =	simm.s32 $0x108;
	s8 =	sld [smem:$0x3FAE]  }
0x2e: {  	s3 =	simm.s32 @!p0 $0x1082;
	s9 =	sld [smem:$0x3FAF]  }
0x2f: {  	lr =	sadd.s32 s0, s3;
	s0 =	sld [smem:$0x3FA6]  }
0x30: {  	s3 =	sld [smem:$0x3FA9]  }
0x31: {  	[smem:$0x3FB2] =	sst s10  }
0x32: {  	s10 =	sld [smem:$0x3FB0];
	_ =	sdelay $0x3  }
0x33: {  	p0 =	seq.s32 s10, $0x1;
	s10 =	sld [smem:$0x3FB2];
	_ =	sdelay $0x3  }
0x34: {  	[smem:$0x3FB2] =	sst s10  }
0x35: {  	s10 =	sld [smem:$0x3FB1];
	_ =	sdelay $0x3  }
0x36: {  	p1 =	seq.s32 s10, $0x1;
	s10 =	sld [smem:$0x3FB2];
	_ =	sdelay $0x3  }
0x37: {  	[smem:$0x3FB2] =	sst s10  }
0x38: {  	s10 =	sld [smem:$0x3FB3]  }
0x39: {  	_ = 	snop;
	(pc) =	sbr.ind lr, $3  }
0x3a: {  	_ = 	snop  }
0x3b: {  	_ = 	snop  }
0x3c: {  	p2 =	seq.s32 s10, $0x1;
	s10 =	sld [smem:$0x3FB2]  }
0x3d: {  	_ =	shalt  }
0x3e: {  	_ =	shalt  }
0x3f: {  	_ =	shalt  }
0x40: {  	_ =	shalt  }
0x41: {  	_ =	shalt  }
0x42: {  	_ =	shalt  }
0x43: {  	_ =	shalt  }
0x44: {  	_ =	shalt  }
0x45: {  	_ =	shalt  }
0x46: {  	_ =	shalt  }
0x47: {  	_ =	shalt  }
0x48: {  	_ =	shalt  }
0x49: {  	_ =	shalt  }
0x4a: {  	_ =	shalt  }
0x4b: {  	_ =	shalt  }
0x4c: {  	_ =	shalt  }
0x4d: {  	_ =	shalt  }
0x4e: {  	_ =	shalt  }
0x4f: {  	_ =	shalt  }
0x50: {  	_ =	shalt  }
0x51: {  	_ =	shalt  }
0x52: {  	_ =	shalt  }
0x53: {  	_ =	shalt  }
0x54: {  	_ =	shalt  }
0x55: {  	_ =	shalt  }
0x56: {  	_ =	shalt  }
0x57: {  	_ =	shalt  }
0x58: {  	_ =	shalt  }
0x59: {  	_ =	shalt  }
0x5a: {  	_ =	shalt  }
0x5b: {  	_ =	shalt  }
0x5c: {  	_ =	shalt  }
0x5d: {  	_ =	shalt  }
0x5e: {  	_ =	shalt  }
0x5f: {  	_ =	shalt  }
0x60: {  	_ =	shalt  }
0x61: {  	_ =	shalt  }
0x62: {  	_ =	shalt  }
0x63: {  	_ =	shalt  }
0x64: {  	_ =	shalt  }
0x65: {  	_ =	shalt  }
0x66: {  	_ =	shalt  }
0x67: {  	_ =	shalt  }
0x68: {  	_ =	shalt  }
0x69: {  	_ =	shalt  }
0x6a: {  	_ =	shalt  }
0x6b: {  	_ =	shalt  }
0x6c: {  	_ =	shalt  }
0x6d: {  	_ =	shalt  }
0x6e: {  	_ =	shalt  }
0x6f: {  	_ =	shalt  }
0x70: {  	_ =	shalt  }
0x71: {  	_ =	shalt  }
0x72: {  	_ =	shalt  }
0x73: {  	_ =	shalt  }
0x74: {  	_ =	shalt  }
0x75: {  	_ =	shalt  }
0x76: {  	_ =	shalt  }
0x77: {  	_ =	shalt  }
0x78: {  	_ =	shalt  }
0x79: {  	_ =	shalt  }
0x7a: {  	_ =	shalt  }
0x7b: {  	_ =	shalt  }
0x7c: {  	_ =	shalt  }
0x7d: {  	_ =	shalt  }
0x7e: {  	_ =	shalt  }
0x7f: {  	_ =	shalt  }
0x80: {  	_ =	shalt  }
0x81: {  	_ =	shalt  }
0x82: {  	_ =	shalt  }
0x83: {  	_ =	shalt  }
0x84: {  	_ =	shalt  }
0x85: {  	_ =	shalt  }
0x86: {  	_ =	shalt  }
0x87: {  	_ =	shalt  }
.Lfunc_end0:
.L_simem_size_0:
called_computation_lowered:
.L_overlay_start_0:
0x88: {  	s2 =	sld [smem:$0x3FD9]  }
0x89: {  	s3 =	sld [smem:$0x3FFE];
	_ =	sdelay $0x1  }
0x8a: {  	s1 =	srdreg.scid  }
0x8b: {  	s0 =	sand.u32 $0x1, s1  }
0x8c: {  	s17 =	sshll.u32 s0, $0xA;
	s2 =	sadd.s32 s3, s2  }
0x8d: {  	s2 =	sadd.s32 s2, s17  }
0x8e: {  	[smem:$0x3FBE] =	sst s2  }
0x8f: {  	_ = 	snop  }
0x90: {  	s2 =	sld [smem:$0x3FD0];
	(tm) =	ssettm $0x1  }
0x91: {  	s18 =	sld [smem:$0x3FFB];
	_ =	sdelay $0x3  }
0x92: {  	_ =	strace s18  }
0x93: {  	s3 =	sld [smem:$0x3FFC];
	_ =	sdelay $0x3  }
0x94: {  	_ =	strace s3  }
0x95: {  	s3 =	sld [smem:$0x3FFD];
	_ =	sdelay $0x3  }
0x96: {  	_ =	strace s3  }
0x97: {  	_ =	strace $0x8FFFFFFF  }
0x98: {  	s19 =	sld [smem:$0x3FDB];
	_ =	sdelay $0x1  }
0x99: {  	s4 =	simm.s32 $_scs_section_size  }
0x9a: {  	s5 =	simm.s32 $_size__tile_overlayer_lowered;
	s6 =	simm.s32 $_tile_overlayer_lowered  }
0x9b: {  	s22 =	simm.s32 $0x1BFF;
	s21 =	sshll.u32 s6, $0x1;
	s3 =	sadd.s32 s4, s19  }
0x9c: {  	s7 =	simm.s32 $0x0;
	s20 =	sshll.u32 s5, $0x1;
	s5 =	sadd.s32 s21, s3  }
0x9d: {  	[timem:s7], [sflag:s22] =	dma.local [hbm:s5], s20  }
0x9e: {  	_ =	swait.ge [sflag:s22], s20  }
0x9f: {  	s4 =	ssub.s32 $0x0, s20;
	[sflag:s22] =	ssyncset.done $0x0  }
0xa0: {  	[sflag:s22] =	ssyncadd.s32 s4;
	_ =	sdelay $0x1  }
0xa1: {  	s23 =	simm.s32 $0x1B8B  }
0xa2: {  	_ =	swait.ge [sflag:s23], $0x1  }
0xa3: {  	[sflag:s23] =	ssyncset.done $0x0  }
0xa4: {  	s25 =	simm.s32 $0x1B8E;
	s24 =	sld [smem:$0x3FFE];
	[sflag:s23] =	ssyncadd.s32 $0xFFFFFFFF  }
0xa5: {  	s26 =	simm.s32 $execute0_lowered;
	[smem:$0x3FD2] =	sst s25  }
0xa6: {  	s5 =	sshll.u32 s26, $0x1;
	_ =	strace $0x80000046;
	[dreg:$0x1] =	wrdreg $0xFFFFFFFF  }
0xa7: {  	s28 =	simm.s32 $_size_execute0_lowered;
	s3 =	sadd.s32 s3, s5;
	[dreg:$0x0] =	wrdreg $0x0  }
0xa8: {  	s5 =	sshll.u32 s28, $0x1;
	[dreg:$0x2] =	wrdreg s3  }
0xa9: {  	[dreg:$0x3] =	wrdreg s5  }
0xaa: {  	[dreg:$0x4] =	wrdreg $0xC0  }
0xab: {  	_ =	task [dreg:s7], $0x5FFFF  }
0xac: {  	[dreg:$0x1] =	wrdreg $0xFFFFFFFF  }
0xad: {  	[dreg:$0x0] =	wrdreg $0x60  }
0xae: {  	[dreg:$0x2] =	wrdreg s24  }
0xaf: {  	[dreg:$0x3] =	wrdreg s2  }
0xb0: {  	[dreg:$0x4] =	wrdreg $0xCE400  }
0xb1: {  	[dreg:$0x5] =	wrdreg $0x9  }
0xb2: {  	_ =	task.clear_ibuf [dreg:s7], $0x6FFFF;
	_ =	strace $0x90000046  }
0xb3: {  	s29 =	simm.s32 $0x9;
	_ =	strace $0x80000048  }
0xb4: {  	_ =	swait.ge [sflag:s29], $0x1  }
0xb5: {  	[sflag:s29] =	ssyncadd.s32 $0xFFFFFFFF  }
0xb6: {  	_ =	strace $0x90000048  }
0xb7: {  	_ =	sfence  }
0xb8: {  	s30 =	sld [smem:$0x0];
	_ =	sdelay $0x2  }
0xb9: {  	s31 =	sshll.u32 s1, $0xD;
	s1 =	sshrl.u32 s1, $0x2  }
0xba: {  	s3 =	sand.u32 $0x4000, s31;
	s1 =	sadd.s32 s1, s30  }
0xbb: {  	s0 =	sor.u32 s3, s0;
	s1 =	sshll.u32 s1, $0x11  }
0xbc: {  	s0 =	sor.u32 s1, s0  }
0xbd: {  	s0 =	sadd.s32 $0x8F2B, s0  }
0xbe: {  	[sflag:s0] =	ssyncadd.remote.s32 $0x1  }
0xbf: {  	_ =	sfence.sel $0xFFFF  }
0xc0: {  	[dreg:$0x0] =	wrdreg $0xFFFFFFFF;
	(pc) =	sbr.abs _section_cstart, $3  }
0xc1: {  	[dreg:$0x1] =	wrdreg $0xFFFFFFFF  }
0xc2: {  	_ =	task.clear_ibuf [dreg:s7], $0x2FFFF;
	_ =	strace $0x9FFFFFFF  }
0xc3: {  	(tm) =	ssettm $0x7FFFFFFF  }
tec
execute0_lowered:
.L_overlay_start_1:
0x0: {  	(tag) =	ssettag $0x1  }
0x1: {  	s0 =	rddreg [dreg:$0x0]  }
0x2: {  	s1 =	rddreg [dreg:$0x1]  }
0x3: {  	s5 =	rddreg [dreg:$0x2];
	s2 =	simm.s32 $0x0;
	s6 =	stileid.u32  }
0x4: {  	s4 =	srdreg.scid;
	s28 =	simm.s32 $0x6A40;
	s29 =	simm.s32 $0x1  }
0x5: {  	s30 =	simm.s32 $0x2;
	s31 =	simm.s32 $0x0;
	[smem:$0x7FF] =	sst s2  }
0x6: {  	s8 =	smul.u32 $0x9C00, s6;
	s3 =	sadd.s32 $0x34600, s0;
	s11 =	sand.u32 $0x1, s4  }
0x7: {  	s4 =	sadd.s32 $0x3600, s0;
	s14 =	sadd.s32 $0x5BA00, s0;
	s21 =	sshll.u32 s6, $0x6  }
0x8: {  	s17 =	smul.u32 $0x2710, s6;
	p0 =	sne.s32 s6, $0x0;
	_ =	strace $0x80000047  }
0x9: {  	s9 =	ssub.s32 $0x2, s11;
	s12 =	sshll.u32 s11, $0x4;
	s23 =	smul.u32 $0x9C400, s11  }
0xa: {  	s15 =	smul.u32 $0x27100, s11;
	s7 =	sshrl.u32 s8, $0x3;
	s10 =	sshrl.u32 s9, $0x1  }
0xb: {  	s18 =	sor.u32 s6, s12;
	s20 =	sadd.s32 s8, s5;
	s5 =	sadd.s32 $0x9C000, s5  }
0xc: {  	s7 =	sadd.s32 s7, s0;
	s16 =	ssub.s32 s9, s10;
	[dreg:$0x4] =	wrdreg s20  }
0xd: {  	s19 =	smul.u32 $0x2710, s18;
	[dreg:$0x6] =	wrdreg s5;
	s0 =	sadd.s32 $0x5B800, s0  }
0xe: {  	s8 =	sadd.s32 s8, s23;
	s5 =	sshrl.u32 s23, $0x3;
	s23 =	simm.s32 $0x190  }
0xf: {  	s7 =	sadd.s32 $0x48000, s7;
	[dreg:$0x7] =	wrdreg s0;
	s8 =	sshrl.u32 s8, $0x3  }
0x10: {  	s5 =	sadd.s32 s14, s5;
	s16 =	smax.u32 s16, $0x1;
	[dreg:$0x5] =	wrdreg s7  }
0x11: {  	s7 =	sor.u32 $0x1C03, s21;
	s22 =	sshrl.u32 s19, $0x3;
	s21 =	sadd.s32 s17, s15  }
0x12: {  	s14 =	sadd.s32 s14, s8;
	s15 =	sadd.s32 $0x13800, s5;
	s24 =	sadd.s32 s4, s22  }
0x13: {  	s13 =	sadd.s32 $0x32, s22;
	s25 =	sadd.s32 s1, s22;
	s26 =	sadd.s32 $0x4B0, s21  }
0x14: {  	s0 =	sadd.s32 $0x4B0, s22;
	s21 =	sadd.s32 $0x320, s21;
	[dreg:$0x8] =	wrdreg s24  }
0x15: {  	s22 =	simm.s32 $0x3;
	[dreg:$0x9] =	wrdreg s25;
	s12 =	sadd.s32 s4, s13  }
0x16: {  	s13 =	sadd.s32 s1, s13;
	s5 =	sshrl.u32 s26, $0x3;
	s17 =	sadd.s32 s4, s0  }
0x17: {  	s18 =	sadd.s32 s1, s0;
	s24 =	simm.s32 $0x320;
	s25 =	simm.s32 $0x6720  }
0x18: {  	s26 =	simm.s32 $0x68B0;
	s19 =	sadd.s32 s5, s1;
	s20 =	sadd.s32 s5, s4  }
.LBB2_1:
0x19: {  	s0 =	rddreg [dreg:$0x4]  }
0x1a: {  	s5 =	rddreg [dreg:$0x5];
	s0 =	sshrl.u32 s0, $0x3  }
0x1b: {  	[spmem:s0], [sflag:s7] =	dma.local [hbm:s5], $0x1380  }
0x1c: {  	_ =	swait.ge [sflag:s22], $0x1380  }
0x1d: {  	[sflag:s22] =	ssyncset.done $0x0;
	s5 =	rddreg [dreg:$0x6]  }
0x1e: {  	s6 =	rddreg [dreg:$0x7];
	[sflag:s22] =	ssyncadd.s32 $0xFFFFEC80;
	s5 =	sshrl.u32 @!p0 s5, $0x3  }
0x1f: {  	[spmem:s5], [sflag:s7] =	dma.local @!p0 [hbm:s6], $0x80  }
0x20: {  	s6 =	simm.s32 @!p0 $0x3  }
0x21: {  	_ =	swait.ge @!p0 [sflag:s6], $0x80  }
0x22: {  	[sflag:s6] =	ssyncset.done @!p0 $0x0  }
0x23: {  	[sflag:s6] =	ssyncadd.s32 @!p0 $0xFFFFFF80  }
0x24: {  	[bflag:$0x0] =	sbarrier.arrive $0xFFFF  }
0x25: {  	s11 =	rddreg [dreg:$0x8]  }
0x26: {  	[tilespmem:s2], [sflag:$0x3] =	stream.linear.gather [hbm4b:s11+s2], $0x190, $0x38;
	[tilespmem:$0x16A80] =	vst v63  }
0x27: {  	_ =	swait.ge [sflag:s22], $0x190  }
0x28: {  	[sflag:s22] =	ssyncset.done $0x0  }
0x29: {  	s8 =	rddreg [dreg:$0x9];
	[sflag:s22] =	ssyncadd.s32 $0xFFFFFE70  }
0x2a: {  	[tilespmem:s23], [sflag:$0x3] =	stream.linear.gather [hbm4b:s8+s2], $0x190, $0x38;
	[tilespmem:$0x16A80] =	vst v63  }
0x2b: {  	_ =	swait.ge [sflag:s22], $0x190  }
0x2c: {  	[sflag:s22] =	ssyncset.done $0x0  }
0x2d: {  	[sflag:s22] =	ssyncadd.s32 $0xFFFFFE70  }
0x2e: {  	[tilespmem:s24], [sflag:$0x1] =	stream.indirect.gather [hbm4b:s3+s23], $0x40, s2, s23, $0xb8;
	[tilespmem:$0x16A80] =	vst v63  }
0x2f: {  	_ = 	snop  }
0x30: {  	[tilespmem:s25], [sflag:$0x3] =	stream.linear.gather [hbm4b:s12+s2], $0x190, $0x38;
	[tilespmem:$0x16A80] =	vst v63  }
0x31: {  	_ =	swait.ge [sflag:s22], $0x190  }
0x32: {  	[sflag:s22] =	ssyncset.done $0x0  }
0x33: {  	[sflag:s22] =	ssyncadd.s32 $0xFFFFFE70  }
0x34: {  	[tilespmem:s26], [sflag:$0x3] =	stream.linear.gather [hbm4b:s13+s2], $0x190, $0x38;
	[tilespmem:$0x16A80] =	vst v63  }
0x35: {  	_ =	swait.ge [sflag:s22], $0x190  }
0x36: {  	[sflag:s22] =	ssyncset.done $0x0  }
0x37: {  	[sflag:s22] =	ssyncadd.s32 $0xFFFFFE70  }
0x38: {  	[tilespmem:s28], [sflag:$0x2] =	stream.indirect.gather [hbm4b:s3+s23], $0x40, s25, s23, $0xb8;
	[tilespmem:$0x16A80] =	vst v63  }
0x39: {  	_ =	swait.ge [sflag:s29], $0x6400  }
0x3a: {  	[sflag:s29] =	ssyncset.done $0x0  }
0x3b: {  	[sflag:s29] =	ssyncadd.s32 $0xFFFF9C00  }
0x3c: {  	_ =	swait.ge [sflag:s30], $0x6400  }
0x3d: {  	s9 =	sshrl.u32 s21, $0x3;
	[sflag:s30] =	ssyncset.done $0x0  }
0x3e: {  	s8 =	sadd.s32 s4, s9;
	[sflag:s30] =	ssyncadd.s32 $0xFFFF9C00  }
0x3f: {  	[tilespmem:s2], [sflag:$0x3] =	stream.linear.gather [hbm4b:s8+s2], $0x190, $0x38;
	[tilespmem:$0x16A80] =	vst v63  }
0x40: {  	_ =	swait.ge [sflag:s22], $0x190  }
0x41: {  	[sflag:s22] =	ssyncset.done $0x0  }
0x42: {  	s6 =	sadd.s32 s1, s9;
	[sflag:s22] =	ssyncadd.s32 $0xFFFFFE70  }
0x43: {  	[tilespmem:s23], [sflag:$0x3] =	stream.linear.gather [hbm4b:s6+s2], $0x190, $0x38;
	[tilespmem:$0x16A80] =	vst v63  }
0x44: {  	_ =	swait.ge [sflag:s22], $0x190  }
0x45: {  	[sflag:s22] =	ssyncset.done $0x0  }
0x46: {  	[sflag:s22] =	ssyncadd.s32 $0xFFFFFE70  }
0x47: {  	[tilespmem:s24], [sflag:$0x1] =	stream.indirect.gather [hbm4b:s3+s23], $0x40, s2, s23, $0xb8;
	[tilespmem:$0x16A80] =	vst v63  }
0x48: {  	_ =	swait.ge [sflag:s29], $0x6400  }
0x49: {  	[sflag:s29] =	ssyncset.done $0x0  }
0x4a: {  	s10 =	sadd.s32 $0x0, s20;
	[sflag:s29] =	ssyncadd.s32 $0xFFFF9C00  }
0x4b: {  	[tilespmem:s25], [sflag:$0x3] =	stream.linear.gather [hbm4b:s10+s2], $0x190, $0x38;
	[tilespmem:$0x16A80] =	vst v63  }
0x4c: {  	_ =	swait.ge [sflag:s22], $0x190  }
0x4d: {  	[sflag:s22] =	ssyncset.done $0x0  }
0x4e: {  	s11 =	sadd.s32 $0x0, s19;
	[sflag:s22] =	ssyncadd.s32 $0xFFFFFE70  }
0x4f: {  	[tilespmem:s26], [sflag:$0x3] =	stream.linear.gather [hbm4b:s11+s2], $0x190, $0x38;
	[tilespmem:$0x16A80] =	vst v63  }
0x50: {  	_ =	swait.ge [sflag:s22], $0x190  }
0x51: {  	[sflag:s22] =	ssyncset.done $0x0  }
0x52: {  	s8 =	sadd.s32 $0x320, s21;
	s6 =	simm.s32 $0x64;
	[sflag:s22] =	ssyncadd.s32 $0xFFFFFE70  }
.LBB2_2:
0x53: {  	[tilespmem:s28], [sflag:$0x2] =	stream.indirect.gather [hbm4b:s3+s23], $0x40, s25, s23, $0xb8;
	[tilespmem:$0x16A80] =	vst v63  }
0x54: {  	s9 =	smov.u32 s6  }
0x55: {  	p1 =	sne.s32 s6, $0x3E8;
	s6 =	sadd.s32 $0x64, s6;
	_ =	swait.ge [sflag:s30], $0x6400  }
0x56: {  	s10 =	sshrl.u32 s8, $0x3;
	[sflag:s30] =	ssyncset.done $0x0  }
0x57: {  	s11 =	sadd.s32 s4, s10;
	[sflag:s30] =	ssyncadd.s32 $0xFFFF9C00  }
0x58: {  	[tilespmem:s2], [sflag:$0x3] =	stream.linear.gather [hbm4b:s11+s2], $0x190, $0x38;
	[tilespmem:$0x16A80] =	vst v63  }
0x59: {  	_ =	swait.ge [sflag:s22], $0x190  }
0x5a: {  	[sflag:s22] =	ssyncset.done $0x0  }
0x5b: {  	s10 =	sadd.s32 s1, s10;
	[sflag:s22] =	ssyncadd.s32 $0xFFFFFE70  }
0x5c: {  	[tilespmem:s23], [sflag:$0x3] =	stream.linear.gather [hbm4b:s10+s2], $0x190, $0x38;
	[tilespmem:$0x16A80] =	vst v63  }
0x5d: {  	_ =	swait.ge [sflag:s22], $0x190  }
0x5e: {  	[sflag:s22] =	ssyncset.done $0x0  }
0x5f: {  	[sflag:s22] =	ssyncadd.s32 $0xFFFFFE70  }
0x60: {  	[tilespmem:s24], [sflag:$0x1] =	stream.indirect.gather [hbm4b:s3+s23], $0x40, s2, s23, $0xb8;
	[tilespmem:$0x16A80] =	vst v63  }
0x61: {  	_ =	swait.ge [sflag:s29], $0x6400  }
0x62: {  	[sflag:s29] =	ssyncset.done $0x0  }
0x63: {  	s10 =	sadd.s32 s9, s20;
	[sflag:s29] =	ssyncadd.s32 $0xFFFF9C00  }
0x64: {  	[tilespmem:s25], [sflag:$0x3] =	stream.linear.gather [hbm4b:s10+s2], $0x190, $0x38;
	[tilespmem:$0x16A80] =	vst v63  }
0x65: {  	_ =	swait.ge [sflag:s22], $0x190  }
0x66: {  	[sflag:s22] =	ssyncset.done $0x0  }
.Ltmp0:
0x67: {  	s9 =	sadd.s32 s9, s19;
	[sflag:s22] =	ssyncadd.s32 $0xFFFFFE70;
	(pc) =	sbr.rel @p1 .LBB2_2-.Ltmp0, $4  }
0x68: {  	[tilespmem:s26], [sflag:$0x3] =	stream.linear.gather [hbm4b:s9+s2], $0x190, $0x38;
	[tilespmem:$0x16A80] =	vst v63  }
0x69: {  	_ =	swait.ge [sflag:s22], $0x190  }
0x6a: {  	[sflag:s22] =	ssyncset.done $0x0  }
0x6b: {  	s8 =	sadd.s32 $0x320, s8;
	[sflag:s22] =	ssyncadd.s32 $0xFFFFFE70  }
0x6c: {  	[tilespmem:s28], [sflag:$0x2] =	stream.indirect.gather [hbm4b:s3+s23], $0x40, s25, s23, $0xb8;
	[tilespmem:$0x16A80] =	vst v63  }
0x6d: {  	_ =	swait.ge [sflag:s30], $0x6400  }
0x6e: {  	[sflag:s30] =	ssyncset.done $0x0  }
0x6f: {  	[sflag:s30] =	ssyncadd.s32 $0xFFFF9C00  }
0x70: {  	[tilespmem:s2], [sflag:$0x3] =	stream.linear.gather [hbm4b:s17+s2], $0x190, $0x38;
	[tilespmem:$0x16A80] =	vst v63  }
0x71: {  	_ =	swait.ge [sflag:s22], $0x190  }
0x72: {  	[sflag:s22] =	ssyncset.done $0x0  }
0x73: {  	[sflag:s22] =	ssyncadd.s32 $0xFFFFFE70  }
0x74: {  	[tilespmem:s23], [sflag:$0x3] =	stream.linear.gather [hbm4b:s18+s2], $0x190, $0x38;
	[tilespmem:$0x16A80] =	vst v63  }
0x75: {  	_ =	swait.ge [sflag:s22], $0x190  }
0x76: {  	[sflag:s22] =	ssyncset.done $0x0  }
0x77: {  	[sflag:s22] =	ssyncadd.s32 $0xFFFFFE70  }
0x78: {  	[tilespmem:s24], [sflag:$0x1] =	stream.indirect.gather [hbm4b:s3+s23], $0x40, s2, s23, $0xb8;
	[tilespmem:$0x16A80] =	vst v63  }
0x79: {  	_ =	swait.ge [sflag:s29], $0x6400  }
0x7a: {  	[sflag:s29] =	ssyncset.done $0x0  }
0x7b: {  	[sflag:s29] =	ssyncadd.s32 $0xFFFF9C00  }
0x7c: {  	[bflag:$0x0] =	sbarrier.arrive $0xFFFF  }
0x7d: {  	[hbm:s14], [sflag:s7] =	dma.local [spmem:s0], $0x1380  }
0x7e: {  	s31 =	sadd.s32 $0x1, s31;
	_ =	swait.ge [sflag:s22], $0x1380  }
0x7f: {  	p1 =	sne.s32 s31, s16;
	[sflag:s22] =	ssyncset.done $0x0  }
.Ltmp1:
0x80: {  	s0 =	simm.s32 @!p0 $0x3;
	[sflag:s22] =	ssyncadd.s32 $0xFFFFEC80;
	(pc) =	sbr.rel @p1 .LBB2_1-.Ltmp1, $4  }
0x81: {  	[hbm:s15], [sflag:s7] =	dma.local @!p0 [spmem:s5], $0x80  }
0x82: {  	_ =	swait.ge @!p0 [sflag:s0], $0x80  }
0x83: {  	[sflag:s0] =	ssyncset.done @!p0 $0x0  }
0x84: {  	[sflag:s0] =	ssyncadd.s32 @!p0 $0xFFFFFF80  }
0x85: {  	_ =	sfence.sel $0x180000  }
0x86: {  	[bflag:$0x0] =	sbarrier.arrive $0xFFFF  }
0x87: {  	_ =	strace $0x90000047  }
0x88: {  	[bflag:$0x2] =	sbarrier.arrive $0xFFFF  }
0x89: {  	s0 =	rddreg [dreg:$0x3]  }
0x8a: {  	s0 =	sadd.s32 @!p0 $0x100000, s0  }
0x8b: {  	[sflag:s0] =	ssyncadd.tile.s32 @!p0 $0x1;
	_ =	shalt  }
.Lfunc_end2:
_tile_overlayer_lowered:
.L_overlay_start_2:
0x8c: {  	(tag) =	ssettag $0x2  }
0x8d: {  	s0 =	rddreg [dreg:$0x0];
	s2 =	stileid.u32  }
0x8e: {  	s1 =	rddreg [dreg:$0x1];
	p0 =	sne.s32 s2, $0x0  }
0x8f: {  	s3 =	rddreg [dreg:$0x2];
	[bflag:$0x3] =	sbarrier.arrive $0xFFFF;
	s2 =	simm.s32 @!p0 $0x1C03  }
0x90: {  	[timem:s3], [sflag:s2] =	dma.local @!p0 [hbm:s0], s1  }
0x91: {  	s0 =	simm.s32 @!p0 $0x3  }
0x92: {  	_ =	swait.ge @!p0 [sflag:s0], s1  }
0x93: {  	s1 =	ssub.s32 @!p0 $0x0, s1;
	[sflag:s0] =	ssyncset.done @!p0 $0x0  }
0x94: {  	[sflag:s0] =	ssyncadd.s32 @!p0 s1  }
0x95: {  	[bflag:$0x3] =	sbarrier.arrive $0xFFFF  }
0x96: {  	_ =	shalt  }

// kernel: kernel.14.cloned.1.call-start
scs
__scs_entry_jumppad:
0x0: {  	(pc) =	sbr.rel $0x88, $3  }
0x1: {  	(tag) =	ssettag $0x0;
	lr =	simm.s32 $0x1  }
0x2: {  	[smem:$0x3F97] =	sst lr;
	_ =	strace $0xD0000000  }
0x3: {  	_ = 	snop  }
0x4: {  	_ = 	snop  }
0x5: {  	_ = 	snop  }
0x6: {  	_ = 	snop  }
0x7: {  	_ = 	snop  }
__scs_overlays_trampoline_lowered:
0x8: {  	[smem:$0x3FA6] =	sst s0  }
0x9: {  	[smem:$0x3FA7] =	sst s1  }
0xa: {  	[smem:$0x3FA8] =	sst s2  }
0xb: {  	[smem:$0x3FA9] =	sst s3  }
0xc: {  	[smem:$0x3FAA] =	sst s4  }
0xd: {  	[smem:$0x3FAB] =	sst s5  }
0xe: {  	[smem:$0x3FAC] =	sst s6  }
0xf: {  	[smem:$0x3FAD] =	sst s7  }
0x10: {  	[smem:$0x3FAE] =	sst s8  }
0x11: {  	[smem:$0x3FAF] =	sst s9;
	s0 =	simm.s32 @!p0 $0x0  }
0x12: {  	s1 =	sld [smem:$0x3F95];
	s0 =	simm.s32 @p0 $0x1  }
0x13: {  	[smem:$0x3FB0] =	sst s0;
	s0 =	simm.s32 @!p1 $0x0  }
0x14: {  	s2 =	sld [smem:$0x3F94];
	s0 =	simm.s32 @p1 $0x1  }
0x15: {  	[smem:$0x3FB1] =	sst s0;
	s0 =	simm.s32 @!p2 $0x0  }
0x16: {  	s3 =	sld [smem:$0x3FDB];
	s0 =	simm.s32 @p2 $0x1  }
0x17: {  	s4 =	simm.s32 $0x1BF5;
	[smem:$0x3FB3] =	sst s0  }
0x18: {  	s0 =	sld [smem:$0x3F96];
	_ =	swait.ge [sflag:s4], $0x0  }
0x19: {  	s7 =	sld [smem:$0x3F97]  }
0x1a: {  	s8 =	sadd.s32 $0xFFFFE003, lr  }
0x1b: {  	s9 =	sadd.s32 $0xFFFFFEF7, lr;
	s5 =	simm.s32 $0xFFFFFFFF;
	p2 =	slt.u32 s8, $0xFFFFF086  }
0x1c: {  	p1 =	slt.u32 s9, $0xF7A;
	s5 =	simm.s32 @!p2 $0x0  }
0x1d: {  	s5 =	simm.s32 @p1 $0x1;
	p0 =	seq.s32 s7, s2  }
0x1e: {  	s7 =	smul.u32 @!p0 $0xF7A, s2;
	p2 =	seq.s32 @!p0 s5, $0x0  }
0x1f: {  	s9 =	smul.u32 $0xF7A, s1;
	s8 =	simm.s32 @!p0 $0x1BF5;
	p2 =	por !p2, p0  }
0x20: {  	[sflag:s8] =	ssyncset.s32 @!p0 $0xFFFFF086;
	s6 =	sadd.s32 @!p0 s3, s7;
	s7 =	simm.s32 @!p0 $0x108  }
0x21: {  	s3 =	sadd.s32 s3, s9;
	s6 =	sadd.s32 @!p0 $0x88, s6;
	s7 =	simm.s32 @p2 $0x1082  }
0x22: {  	[simem:s7], [sflag:s8] =	dma.local @!p0 [hbm:s6], $0xF7A  }
0x23: {  	s9 =	sor.u32 $0xD0000000, s2;
	s6 =	simm.s32 $0x108;
	_ =	swait.ge @!p0 [sflag:s8], $0x0  }
0x24: {  	s3 =	sadd.s32 $0x88, s3;
	s6 =	simm.s32 @!p1 $0x1082;
	[sflag:s4] =	ssyncset.s32 $0xFFFFF086  }
0x25: {  	[simem:s6], [sflag:s4] =	dma.local [hbm:s3], $0xF7A  }
0x26: {  	[smem:$0x3F97] =	sst s1;
	(tag) =	ssettag s2;
	_ =	strace s9  }
0x27: {  	s1 =	sld [smem:$0x3FA7]  }
0x28: {  	s2 =	sld [smem:$0x3FA8]  }
0x29: {  	s4 =	sld [smem:$0x3FAA]  }
0x2a: {  	p0 =	seq.s32 s5, $0x0;
	s5 =	sld [smem:$0x3FAB]  }
0x2b: {  	s6 =	sld [smem:$0x3FAC]  }
0x2c: {  	s7 =	sld [smem:$0x3FAD]  }
0x2d: {  	s3 =	simm.s32 $0x108;
	s8 =	sld [smem:$0x3FAE]  }
0x2e: {  	s3 =	simm.s32 @!p0 $0x1082;
	s9 =	sld [smem:$0x3FAF]  }
0x2f: {  	lr =	sadd.s32 s0, s3;
	s0 =	sld [smem:$0x3FA6]  }
0x30: {  	s3 =	sld [smem:$0x3FA9]  }
0x31: {  	[smem:$0x3FB2] =	sst s10  }
0x32: {  	s10 =	sld [smem:$0x3FB0];
	_ =	sdelay $0x3  }
0x33: {  	p0 =	seq.s32 s10, $0x1;
	s10 =	sld [smem:$0x3FB2];
	_ =	sdelay $0x3  }
0x34: {  	[smem:$0x3FB2] =	sst s10  }
0x35: {  	s10 =	sld [smem:$0x3FB1];
	_ =	sdelay $0x3  }
0x36: {  	p1 =	seq.s32 s10, $0x1;
	s10 =	sld [smem:$0x3FB2];
	_ =	sdelay $0x3  }
0x37: {  	[smem:$0x3FB2] =	sst s10  }
0x38: {  	s10 =	sld [smem:$0x3FB3]  }
0x39: {  	_ = 	snop;
	(pc) =	sbr.ind lr, $3  }
0x3a: {  	_ = 	snop  }
0x3b: {  	_ = 	snop  }
0x3c: {  	p2 =	seq.s32 s10, $0x1;
	s10 =	sld [smem:$0x3FB2]  }
0x3d: {  	_ =	shalt  }
0x3e: {  	_ =	shalt  }
0x3f: {  	_ =	shalt  }
0x40: {  	_ =	shalt  }
0x41: {  	_ =	shalt  }
0x42: {  	_ =	shalt  }
0x43: {  	_ =	shalt  }
0x44: {  	_ =	shalt  }
0x45: {  	_ =	shalt  }
0x46: {  	_ =	shalt  }
0x47: {  	_ =	shalt  }
0x48: {  	_ =	shalt  }
0x49: {  	_ =	shalt  }
0x4a: {  	_ =	shalt  }
0x4b: {  	_ =	shalt  }
0x4c: {  	_ =	shalt  }
0x4d: {  	_ =	shalt  }
0x4e: {  	_ =	shalt  }
0x4f: {  	_ =	shalt  }
0x50: {  	_ =	shalt  }
0x51: {  	_ =	shalt  }
0x52: {  	_ =	shalt  }
0x53: {  	_ =	shalt  }
0x54: {  	_ =	shalt  }
0x55: {  	_ =	shalt  }
0x56: {  	_ =	shalt  }
0x57: {  	_ =	shalt  }
0x58: {  	_ =	shalt  }
0x59: {  	_ =	shalt  }
0x5a: {  	_ =	shalt  }
0x5b: {  	_ =	shalt  }
0x5c: {  	_ =	shalt  }
0x5d: {  	_ =	shalt  }
0x5e: {  	_ =	shalt  }
0x5f: {  	_ =	shalt  }
0x60: {  	_ =	shalt  }
0x61: {  	_ =	shalt  }
0x62: {  	_ =	shalt  }
0x63: {  	_ =	shalt  }
0x64: {  	_ =	shalt  }
0x65: {  	_ =	shalt  }
0x66: {  	_ =	shalt  }
0x67: {  	_ =	shalt  }
0x68: {  	_ =	shalt  }
0x69: {  	_ =	shalt  }
0x6a: {  	_ =	shalt  }
0x6b: {  	_ =	shalt  }
0x6c: {  	_ =	shalt  }
0x6d: {  	_ =	shalt  }
0x6e: {  	_ =	shalt  }
0x6f: {  	_ =	shalt  }
0x70: {  	_ =	shalt  }
0x71: {  	_ =	shalt  }
0x72: {  	_ =	shalt  }
0x73: {  	_ =	shalt  }
0x74: {  	_ =	shalt  }
0x75: {  	_ =	shalt  }
0x76: {  	_ =	shalt  }
0x77: {  	_ =	shalt  }
0x78: {  	_ =	shalt  }
0x79: {  	_ =	shalt  }
0x7a: {  	_ =	shalt  }
0x7b: {  	_ =	shalt  }
0x7c: {  	_ =	shalt  }
0x7d: {  	_ =	shalt  }
0x7e: {  	_ =	shalt  }
0x7f: {  	_ =	shalt  }
0x80: {  	_ =	shalt  }
0x81: {  	_ =	shalt  }
0x82: {  	_ =	shalt  }
0x83: {  	_ =	shalt  }
0x84: {  	_ =	shalt  }
0x85: {  	_ =	shalt  }
0x86: {  	_ =	shalt  }
0x87: {  	_ =	shalt  }
.Lfunc_end0:
.L_simem_size_0:
called_computation.1_lowered:
.L_overlay_start_0:
0x88: {  	s2 =	sld [smem:$0x3FD9]  }
0x89: {  	s3 =	sld [smem:$0x3FFE];
	_ =	sdelay $0x1  }
0x8a: {  	s1 =	srdreg.scid  }
0x8b: {  	s0 =	sand.u32 $0x1, s1  }
0x8c: {  	s17 =	sshll.u32 s0, $0xA;
	s2 =	sadd.s32 s3, s2  }
0x8d: {  	s2 =	sadd.s32 s2, s17  }
0x8e: {  	[smem:$0x3FBE] =	sst s2  }
0x8f: {  	_ = 	snop  }
0x90: {  	s2 =	sld [smem:$0x3FD0];
	(tm) =	ssettm $0x1  }
0x91: {  	s18 =	sld [smem:$0x3FFB];
	_ =	sdelay $0x3  }
0x92: {  	_ =	strace s18  }
0x93: {  	s3 =	sld [smem:$0x3FFC];
	_ =	sdelay $0x3  }
0x94: {  	_ =	strace s3  }
0x95: {  	s3 =	sld [smem:$0x3FFD];
	_ =	sdelay $0x3  }
0x96: {  	_ =	strace s3  }
0x97: {  	_ =	strace $0x8FFFFFFF  }
0x98: {  	s19 =	sld [smem:$0x3FDB];
	_ =	sdelay $0x1  }
0x99: {  	s4 =	simm.s32 $_scs_section_size  }
0x9a: {  	s5 =	simm.s32 $_size__tile_overlayer_lowered;
	s6 =	simm.s32 $_tile_overlayer_lowered  }
0x9b: {  	s22 =	simm.s32 $0x1BFF;
	s21 =	sshll.u32 s6, $0x1;
	s3 =	sadd.s32 s4, s19  }
0x9c: {  	s7 =	simm.s32 $0x0;
	s20 =	sshll.u32 s5, $0x1;
	s5 =	sadd.s32 s21, s3  }
0x9d: {  	[timem:s7], [sflag:s22] =	dma.local [hbm:s5], s20  }
0x9e: {  	_ =	swait.ge [sflag:s22], s20  }
0x9f: {  	s4 =	ssub.s32 $0x0, s20;
	[sflag:s22] =	ssyncset.done $0x0  }
0xa0: {  	[sflag:s22] =	ssyncadd.s32 s4;
	_ =	sdelay $0x1  }
0xa1: {  	s23 =	simm.s32 $0x1B8B  }
0xa2: {  	_ =	swait.ge [sflag:s23], $0x1  }
0xa3: {  	[sflag:s23] =	ssyncset.done $0x0  }
0xa4: {  	s25 =	simm.s32 $0x1B8E;
	s24 =	sld [smem:$0x3FFE];
	[sflag:s23] =	ssyncadd.s32 $0xFFFFFFFF  }
0xa5: {  	s26 =	simm.s32 $execute0_lowered;
	[smem:$0x3FD2] =	sst s25  }
0xa6: {  	s5 =	sshll.u32 s26, $0x1;
	_ =	strace $0x80000049;
	[dreg:$0x1] =	wrdreg $0xFFFFFFFF  }
0xa7: {  	s28 =	simm.s32 $_size_execute0_lowered;
	s3 =	sadd.s32 s3, s5;
	[dreg:$0x0] =	wrdreg $0x0  }
0xa8: {  	s5 =	sshll.u32 s28, $0x1;
	[dreg:$0x2] =	wrdreg s3  }
0xa9: {  	[dreg:$0x3] =	wrdreg s5  }
0xaa: {  	[dreg:$0x4] =	wrdreg $0xC0  }
0xab: {  	_ =	task [dreg:s7], $0x5FFFF  }
0xac: {  	[dreg:$0x1] =	wrdreg $0xFFFFFFFF  }
0xad: {  	[dreg:$0x0] =	wrdreg $0x60  }
0xae: {  	[dreg:$0x2] =	wrdreg s24  }
0xaf: {  	[dreg:$0x3] =	wrdreg s2  }
0xb0: {  	[dreg:$0x4] =	wrdreg $0xCE400  }
0xb1: {  	[dreg:$0x5] =	wrdreg $0x9  }
0xb2: {  	_ =	task.clear_ibuf [dreg:s7], $0x6FFFF;
	_ =	strace $0x90000049  }
0xb3: {  	s29 =	simm.s32 $0x9;
	_ =	strace $0x8000004B  }
0xb4: {  	_ =	swait.ge [sflag:s29], $0x1  }
0xb5: {  	[sflag:s29] =	ssyncadd.s32 $0xFFFFFFFF  }
0xb6: {  	_ =	strace $0x9000004B  }
0xb7: {  	_ =	sfence  }
0xb8: {  	s30 =	sld [smem:$0x0];
	_ =	sdelay $0x2  }
0xb9: {  	s31 =	sshll.u32 s1, $0xD;
	s1 =	sshrl.u32 s1, $0x2  }
0xba: {  	s3 =	sand.u32 $0x4000, s31;
	s1 =	sadd.s32 s1, s30  }
0xbb: {  	s0 =	sor.u32 s3, s0;
	s1 =	sshll.u32 s1, $0x11  }
0xbc: {  	s0 =	sor.u32 s1, s0  }
0xbd: {  	s0 =	sadd.s32 $0x8F2B, s0  }
0xbe: {  	[sflag:s0] =	ssyncadd.remote.s32 $0x1  }
0xbf: {  	_ =	sfence.sel $0xFFFF  }
0xc0: {  	[dreg:$0x0] =	wrdreg $0xFFFFFFFF;
	(pc) =	sbr.abs _section_cstart, $3  }
0xc1: {  	[dreg:$0x1] =	wrdreg $0xFFFFFFFF  }
0xc2: {  	_ =	task.clear_ibuf [dreg:s7], $0x2FFFF;
	_ =	strace $0x9FFFFFFF  }
0xc3: {  	(tm) =	ssettm $0x7FFFFFFF  }
tec
execute0_lowered:
.L_overlay_start_1:
0x0: {  	(tag) =	ssettag $0x1  }
0x1: {  	s0 =	rddreg [dreg:$0x0]  }
0x2: {  	s1 =	rddreg [dreg:$0x1]  }
0x3: {  	s5 =	rddreg [dreg:$0x2];
	s2 =	simm.s32 $0x0;
	s6 =	stileid.u32  }
0x4: {  	s4 =	srdreg.scid;
	s28 =	simm.s32 $0x6A40;
	s29 =	simm.s32 $0x1  }
0x5: {  	s30 =	simm.s32 $0x2;
	s31 =	simm.s32 $0x0;
	[smem:$0x7FF] =	sst s2  }
0x6: {  	s8 =	smul.u32 $0x9C00, s6;
	s3 =	sadd.s32 $0x34600, s0;
	s11 =	sand.u32 $0x1, s4  }
0x7: {  	s4 =	sadd.s32 $0x3600, s0;
	s14 =	sadd.s32 $0x82C00, s0;
	s21 =	sshll.u32 s6, $0x6  }
0x8: {  	s17 =	smul.u32 $0x2710, s6;
	p0 =	sne.s32 s6, $0x0;
	_ =	strace $0x8000004A  }
0x9: {  	s9 =	ssub.s32 $0x2, s11;
	s12 =	sshll.u32 s11, $0x4;
	s23 =	smul.u32 $0x9C400, s11  }
0xa: {  	s15 =	smul.u32 $0x27100, s11;
	s7 =	sshrl.u32 s8, $0x3;
	s10 =	sshrl.u32 s9, $0x1  }
0xb: {  	s18 =	sor.u32 s6, s12;
	s20 =	sadd.s32 s8, s5;
	s5 =	sadd.s32 $0x9C000, s5  }
0xc: {  	s7 =	sadd.s32 s7, s0;
	s16 =	ssub.s32 s9, s10;
	[dreg:$0x4] =	wrdreg s20  }
0xd: {  	s19 =	smul.u32 $0x2710, s18;
	[dreg:$0x6] =	wrdreg s5;
	s0 =	sadd.s32 $0x5B800, s0  }
0xe: {  	s8 =	sadd.s32 s8, s23;
	s5 =	sshrl.u32 s23, $0x3;
	s23 =	simm.s32 $0x190  }
0xf: {  	s7 =	sadd.s32 $0x48000, s7;
	[dreg:$0x7] =	wrdreg s0;
	s8 =	sshrl.u32 s8, $0x3  }
0x10: {  	s5 =	sadd.s32 s14, s5;
	s16 =	smax.u32 s16, $0x1;
	[dreg:$0x5] =	wrdreg s7  }
0x11: {  	s7 =	sor.u32 $0x1C03, s21;
	s22 =	sshrl.u32 s19, $0x3;
	s21 =	sadd.s32 s17, s15  }
0x12: {  	s14 =	sadd.s32 s14, s8;
	s15 =	sadd.s32 $0x13800, s5;
	s24 =	sadd.s32 s4, s22  }
0x13: {  	s13 =	sadd.s32 $0x32, s22;
	s25 =	sadd.s32 s1, s22;
	s26 =	sadd.s32 $0x4B0, s21  }
0x14: {  	s0 =	sadd.s32 $0x4B0, s22;
	s21 =	sadd.s32 $0x320, s21;
	[dreg:$0x8] =	wrdreg s24  }
0x15: {  	s22 =	simm.s32 $0x3;
	[dreg:$0x9] =	wrdreg s25;
	s12 =	sadd.s32 s4, s13  }
0x16: {  	s13 =	sadd.s32 s1, s13;
	s5 =	sshrl.u32 s26, $0x3;
	s17 =	sadd.s32 s4, s0  }
0x17: {  	s18 =	sadd.s32 s1, s0;
	s24 =	simm.s32 $0x320;
	s25 =	simm.s32 $0x6720  }
0x18: {  	s26 =	simm.s32 $0x68B0;
	s19 =	sadd.s32 s5, s1;
	s20 =	sadd.s32 s5, s4  }
.LBB2_1:
0x19: {  	s0 =	rddreg [dreg:$0x4]  }
0x1a: {  	s5 =	rddreg [dreg:$0x5];
	s0 =	sshrl.u32 s0, $0x3  }
0x1b: {  	[spmem:s0], [sflag:s7] =	dma.local [hbm:s5], $0x1380  }
0x1c: {  	_ =	swait.ge [sflag:s22], $0x1380  }
0x1d: {  	[sflag:s22] =	ssyncset.done $0x0;
	s5 =	rddreg [dreg:$0x6]  }
0x1e: {  	s6 =	rddreg [dreg:$0x7];
	[sflag:s22] =	ssyncadd.s32 $0xFFFFEC80;
	s5 =	sshrl.u32 @!p0 s5, $0x3  }
0x1f: {  	[spmem:s5], [sflag:s7] =	dma.local @!p0 [hbm:s6], $0x80  }
0x20: {  	s6 =	simm.s32 @!p0 $0x3  }
0x21: {  	_ =	swait.ge @!p0 [sflag:s6], $0x80  }
0x22: {  	[sflag:s6] =	ssyncset.done @!p0 $0x0  }
0x23: {  	[sflag:s6] =	ssyncadd.s32 @!p0 $0xFFFFFF80  }
0x24: {  	[bflag:$0x0] =	sbarrier.arrive $0xFFFF  }
0x25: {  	s11 =	rddreg [dreg:$0x8]  }
0x26: {  	[tilespmem:s2], [sflag:$0x3] =	stream.linear.gather [hbm4b:s11+s2], $0x190, $0x38;
	[tilespmem:$0x16A80] =	vst v63  }
0x27: {  	_ =	swait.ge [sflag:s22], $0x190  }
0x28: {  	[sflag:s22] =	ssyncset.done $0x0  }
0x29: {  	s8 =	rddreg [dreg:$0x9];
	[sflag:s22] =	ssyncadd.s32 $0xFFFFFE70  }
0x2a: {  	[tilespmem:s23], [sflag:$0x3] =	stream.linear.gather [hbm4b:s8+s2], $0x190, $0x38;
	[tilespmem:$0x16A80] =	vst v63  }
0x2b: {  	_ =	swait.ge [sflag:s22], $0x190  }
0x2c: {  	[sflag:s22] =	ssyncset.done $0x0  }
0x2d: {  	[sflag:s22] =	ssyncadd.s32 $0xFFFFFE70  }
0x2e: {  	[tilespmem:s24], [sflag:$0x1] =	stream.indirect.gather [hbm4b:s3+s23], $0x40, s2, s23, $0xb8;
	[tilespmem:$0x16A80] =	vst v63  }
0x2f: {  	_ = 	snop  }
0x30: {  	[tilespmem:s25], [sflag:$0x3] =	stream.linear.gather [hbm4b:s12+s2], $0x190, $0x38;
	[tilespmem:$0x16A80] =	vst v63  }
0x31: {  	_ =	swait.ge [sflag:s22], $0x190  }
0x32: {  	[sflag:s22] =	ssyncset.done $0x0  }
0x33: {  	[sflag:s22] =	ssyncadd.s32 $0xFFFFFE70  }
0x34: {  	[tilespmem:s26], [sflag:$0x3] =	stream.linear.gather [hbm4b:s13+s2], $0x190, $0x38;
	[tilespmem:$0x16A80] =	vst v63  }
0x35: {  	_ =	swait.ge [sflag:s22], $0x190  }
0x36: {  	[sflag:s22] =	ssyncset.done $0x0  }
0x37: {  	[sflag:s22] =	ssyncadd.s32 $0xFFFFFE70  }
0x38: {  	[tilespmem:s28], [sflag:$0x2] =	stream.indirect.gather [hbm4b:s3+s23], $0x40, s25, s23, $0xb8;
	[tilespmem:$0x16A80] =	vst v63  }
0x39: {  	_ =	swait.ge [sflag:s29], $0x6400  }
0x3a: {  	[sflag:s29] =	ssyncset.done $0x0  }
0x3b: {  	[sflag:s29] =	ssyncadd.s32 $0xFFFF9C00  }
0x3c: {  	_ =	swait.ge [sflag:s30], $0x6400  }
0x3d: {  	s9 =	sshrl.u32 s21, $0x3;
	[sflag:s30] =	ssyncset.done $0x0  }
0x3e: {  	s8 =	sadd.s32 s4, s9;
	[sflag:s30] =	ssyncadd.s32 $0xFFFF9C00  }
0x3f: {  	[tilespmem:s2], [sflag:$0x3] =	stream.linear.gather [hbm4b:s8+s2], $0x190, $0x38;
	[tilespmem:$0x16A80] =	vst v63  }
0x40: {  	_ =	swait.ge [sflag:s22], $0x190  }
0x41: {  	[sflag:s22] =	ssyncset.done $0x0  }
0x42: {  	s6 =	sadd.s32 s1, s9;
	[sflag:s22] =	ssyncadd.s32 $0xFFFFFE70  }
0x43: {  	[tilespmem:s23], [sflag:$0x3] =	stream.linear.gather [hbm4b:s6+s2], $0x190, $0x38;
	[tilespmem:$0x16A80] =	vst v63  }
0x44: {  	_ =	swait.ge [sflag:s22], $0x190  }
0x45: {  	[sflag:s22] =	ssyncset.done $0x0  }
0x46: {  	[sflag:s22] =	ssyncadd.s32 $0xFFFFFE70  }
0x47: {  	[tilespmem:s24], [sflag:$0x1] =	stream.indirect.gather [hbm4b:s3+s23], $0x40, s2, s23, $0xb8;
	[tilespmem:$0x16A80] =	vst v63  }
0x48: {  	_ =	swait.ge [sflag:s29], $0x6400  }
0x49: {  	[sflag:s29] =	ssyncset.done $0x0  }
0x4a: {  	s10 =	sadd.s32 $0x0, s20;
	[sflag:s29] =	ssyncadd.s32 $0xFFFF9C00  }
0x4b: {  	[tilespmem:s25], [sflag:$0x3] =	stream.linear.gather [hbm4b:s10+s2], $0x190, $0x38;
	[tilespmem:$0x16A80] =	vst v63  }
0x4c: {  	_ =	swait.ge [sflag:s22], $0x190  }
0x4d: {  	[sflag:s22] =	ssyncset.done $0x0  }
0x4e: {  	s11 =	sadd.s32 $0x0, s19;
	[sflag:s22] =	ssyncadd.s32 $0xFFFFFE70  }
0x4f: {  	[tilespmem:s26], [sflag:$0x3] =	stream.linear.gather [hbm4b:s11+s2], $0x190, $0x38;
	[tilespmem:$0x16A80] =	vst v63  }
0x50: {  	_ =	swait.ge [sflag:s22], $0x190  }
0x51: {  	[sflag:s22] =	ssyncset.done $0x0  }
0x52: {  	s8 =	sadd.s32 $0x320, s21;
	s6 =	simm.s32 $0x64;
	[sflag:s22] =	ssyncadd.s32 $0xFFFFFE70  }
.LBB2_2:
0x53: {  	[tilespmem:s28], [sflag:$0x2] =	stream.indirect.gather [hbm4b:s3+s23], $0x40, s25, s23, $0xb8;
	[tilespmem:$0x16A80] =	vst v63  }
0x54: {  	s9 =	smov.u32 s6  }
0x55: {  	p1 =	sne.s32 s6, $0x3E8;
	s6 =	sadd.s32 $0x64, s6;
	_ =	swait.ge [sflag:s30], $0x6400  }
0x56: {  	s10 =	sshrl.u32 s8, $0x3;
	[sflag:s30] =	ssyncset.done $0x0  }
0x57: {  	s11 =	sadd.s32 s4, s10;
	[sflag:s30] =	ssyncadd.s32 $0xFFFF9C00  }
0x58: {  	[tilespmem:s2], [sflag:$0x3] =	stream.linear.gather [hbm4b:s11+s2], $0x190, $0x38;
	[tilespmem:$0x16A80] =	vst v63  }
0x59: {  	_ =	swait.ge [sflag:s22], $0x190  }
0x5a: {  	[sflag:s22] =	ssyncset.done $0x0  }
0x5b: {  	s10 =	sadd.s32 s1, s10;
	[sflag:s22] =	ssyncadd.s32 $0xFFFFFE70  }
0x5c: {  	[tilespmem:s23], [sflag:$0x3] =	stream.linear.gather [hbm4b:s10+s2], $0x190, $0x38;
	[tilespmem:$0x16A80] =	vst v63  }
0x5d: {  	_ =	swait.ge [sflag:s22], $0x190  }
0x5e: {  	[sflag:s22] =	ssyncset.done $0x0  }
0x5f: {  	[sflag:s22] =	ssyncadd.s32 $0xFFFFFE70  }
0x60: {  	[tilespmem:s24], [sflag:$0x1] =	stream.indirect.gather [hbm4b:s3+s23], $0x40, s2, s23, $0xb8;
	[tilespmem:$0x16A80] =	vst v63  }
0x61: {  	_ =	swait.ge [sflag:s29], $0x6400  }
0x62: {  	[sflag:s29] =	ssyncset.done $0x0  }
0x63: {  	s10 =	sadd.s32 s9, s20;
	[sflag:s29] =	ssyncadd.s32 $0xFFFF9C00  }
0x64: {  	[tilespmem:s25], [sflag:$0x3] =	stream.linear.gather [hbm4b:s10+s2], $0x190, $0x38;
	[tilespmem:$0x16A80] =	vst v63  }
0x65: {  	_ =	swait.ge [sflag:s22], $0x190  }
0x66: {  	[sflag:s22] =	ssyncset.done $0x0  }
.Ltmp0:
0x67: {  	s9 =	sadd.s32 s9, s19;
	[sflag:s22] =	ssyncadd.s32 $0xFFFFFE70;
	(pc) =	sbr.rel @p1 .LBB2_2-.Ltmp0, $4  }
0x68: {  	[tilespmem:s26], [sflag:$0x3] =	stream.linear.gather [hbm4b:s9+s2], $0x190, $0x38;
	[tilespmem:$0x16A80] =	vst v63  }
0x69: {  	_ =	swait.ge [sflag:s22], $0x190  }
0x6a: {  	[sflag:s22] =	ssyncset.done $0x0  }
0x6b: {  	s8 =	sadd.s32 $0x320, s8;
	[sflag:s22] =	ssyncadd.s32 $0xFFFFFE70  }
0x6c: {  	[tilespmem:s28], [sflag:$0x2] =	stream.indirect.gather [hbm4b:s3+s23], $0x40, s25, s23, $0xb8;
	[tilespmem:$0x16A80] =	vst v63  }
0x6d: {  	_ =	swait.ge [sflag:s30], $0x6400  }
0x6e: {  	[sflag:s30] =	ssyncset.done $0x0  }
0x6f: {  	[sflag:s30] =	ssyncadd.s32 $0xFFFF9C00  }
0x70: {  	[tilespmem:s2], [sflag:$0x3] =	stream.linear.gather [hbm4b:s17+s2], $0x190, $0x38;
	[tilespmem:$0x16A80] =	vst v63  }
0x71: {  	_ =	swait.ge [sflag:s22], $0x190  }
0x72: {  	[sflag:s22] =	ssyncset.done $0x0  }
0x73: {  	[sflag:s22] =	ssyncadd.s32 $0xFFFFFE70  }
0x74: {  	[tilespmem:s23], [sflag:$0x3] =	stream.linear.gather [hbm4b:s18+s2], $0x190, $0x38;
	[tilespmem:$0x16A80] =	vst v63  }
0x75: {  	_ =	swait.ge [sflag:s22], $0x190  }
0x76: {  	[sflag:s22] =	ssyncset.done $0x0  }
0x77: {  	[sflag:s22] =	ssyncadd.s32 $0xFFFFFE70  }
0x78: {  	[tilespmem:s24], [sflag:$0x1] =	stream.indirect.gather [hbm4b:s3+s23], $0x40, s2, s23, $0xb8;
	[tilespmem:$0x16A80] =	vst v63  }
0x79: {  	_ =	swait.ge [sflag:s29], $0x6400  }
0x7a: {  	[sflag:s29] =	ssyncset.done $0x0  }
0x7b: {  	[sflag:s29] =	ssyncadd.s32 $0xFFFF9C00  }
0x7c: {  	[bflag:$0x0] =	sbarrier.arrive $0xFFFF  }
0x7d: {  	[hbm:s14], [sflag:s7] =	dma.local [spmem:s0], $0x1380  }
0x7e: {  	s31 =	sadd.s32 $0x1, s31;
	_ =	swait.ge [sflag:s22], $0x1380  }
0x7f: {  	p1 =	sne.s32 s31, s16;
	[sflag:s22] =	ssyncset.done $0x0  }
.Ltmp1:
0x80: {  	s0 =	simm.s32 @!p0 $0x3;
	[sflag:s22] =	ssyncadd.s32 $0xFFFFEC80;
	(pc) =	sbr.rel @p1 .LBB2_1-.Ltmp1, $4  }
0x81: {  	[hbm:s15], [sflag:s7] =	dma.local @!p0 [spmem:s5], $0x80  }
0x82: {  	_ =	swait.ge @!p0 [sflag:s0], $0x80  }
0x83: {  	[sflag:s0] =	ssyncset.done @!p0 $0x0  }
0x84: {  	[sflag:s0] =	ssyncadd.s32 @!p0 $0xFFFFFF80  }
0x85: {  	_ =	sfence.sel $0x180000  }
0x86: {  	[bflag:$0x0] =	sbarrier.arrive $0xFFFF  }
0x87: {  	_ =	strace $0x9000004A  }
0x88: {  	[bflag:$0x2] =	sbarrier.arrive $0xFFFF  }
0x89: {  	s0 =	rddreg [dreg:$0x3]  }
0x8a: {  	s0 =	sadd.s32 @!p0 $0x100000, s0  }
0x8b: {  	[sflag:s0] =	ssyncadd.tile.s32 @!p0 $0x1;
	_ =	shalt  }
.Lfunc_end2:
_tile_overlayer_lowered:
.L_overlay_start_2:
0x8c: {  	(tag) =	ssettag $0x2  }
0x8d: {  	s0 =	rddreg [dreg:$0x0];
	s2 =	stileid.u32  }
0x8e: {  	s1 =	rddreg [dreg:$0x1];
	p0 =	sne.s32 s2, $0x0  }
0x8f: {  	s3 =	rddreg [dreg:$0x2];
	[bflag:$0x3] =	sbarrier.arrive $0xFFFF;
	s2 =	simm.s32 @!p0 $0x1C03  }
0x90: {  	[timem:s3], [sflag:s2] =	dma.local @!p0 [hbm:s0], s1  }
0x91: {  	s0 =	simm.s32 @!p0 $0x3  }
0x92: {  	_ =	swait.ge @!p0 [sflag:s0], s1  }
0x93: {  	s1 =	ssub.s32 @!p0 $0x0, s1;
	[sflag:s0] =	ssyncset.done @!p0 $0x0  }
0x94: {  	[sflag:s0] =	ssyncadd.s32 @!p0 s1  }
0x95: {  	[bflag:$0x3] =	sbarrier.arrive $0xFFFF  }
0x96: {  	_ =	shalt  }

// kernel: kernel.17.cloned.1.call-start
scs
__scs_entry_jumppad:
0x0: {  	(pc) =	sbr.rel $0x88, $3  }
0x1: {  	(tag) =	ssettag $0x0;
	lr =	simm.s32 $0x1  }
0x2: {  	[smem:$0x3F97] =	sst lr;
	_ =	strace $0xD0000000  }
0x3: {  	_ = 	snop  }
0x4: {  	_ = 	snop  }
0x5: {  	_ = 	snop  }
0x6: {  	_ = 	snop  }
0x7: {  	_ = 	snop  }
__scs_overlays_trampoline_lowered:
0x8: {  	[smem:$0x3FA6] =	sst s0  }
0x9: {  	[smem:$0x3FA7] =	sst s1  }
0xa: {  	[smem:$0x3FA8] =	sst s2  }
0xb: {  	[smem:$0x3FA9] =	sst s3  }
0xc: {  	[smem:$0x3FAA] =	sst s4  }
0xd: {  	[smem:$0x3FAB] =	sst s5  }
0xe: {  	[smem:$0x3FAC] =	sst s6  }
0xf: {  	[smem:$0x3FAD] =	sst s7  }
0x10: {  	[smem:$0x3FAE] =	sst s8  }
0x11: {  	[smem:$0x3FAF] =	sst s9;
	s0 =	simm.s32 @!p0 $0x0  }
0x12: {  	s1 =	sld [smem:$0x3F95];
	s0 =	simm.s32 @p0 $0x1  }
0x13: {  	[smem:$0x3FB0] =	sst s0;
	s0 =	simm.s32 @!p1 $0x0  }
0x14: {  	s2 =	sld [smem:$0x3F94];
	s0 =	simm.s32 @p1 $0x1  }
0x15: {  	[smem:$0x3FB1] =	sst s0;
	s0 =	simm.s32 @!p2 $0x0  }
0x16: {  	s3 =	sld [smem:$0x3FDB];
	s0 =	simm.s32 @p2 $0x1  }
0x17: {  	s4 =	simm.s32 $0x1BF5;
	[smem:$0x3FB3] =	sst s0  }
0x18: {  	s0 =	sld [smem:$0x3F96];
	_ =	swait.ge [sflag:s4], $0x0  }
0x19: {  	s7 =	sld [smem:$0x3F97]  }
0x1a: {  	s8 =	sadd.s32 $0xFFFFE003, lr  }
0x1b: {  	s9 =	sadd.s32 $0xFFFFFEF7, lr;
	s5 =	simm.s32 $0xFFFFFFFF;
	p2 =	slt.u32 s8, $0xFFFFF086  }
0x1c: {  	p1 =	slt.u32 s9, $0xF7A;
	s5 =	simm.s32 @!p2 $0x0  }
0x1d: {  	s5 =	simm.s32 @p1 $0x1;
	p0 =	seq.s32 s7, s2  }
0x1e: {  	s7 =	smul.u32 @!p0 $0xF7A, s2;
	p2 =	seq.s32 @!p0 s5, $0x0  }
0x1f: {  	s9 =	smul.u32 $0xF7A, s1;
	s8 =	simm.s32 @!p0 $0x1BF5;
	p2 =	por !p2, p0  }
0x20: {  	[sflag:s8] =	ssyncset.s32 @!p0 $0xFFFFF086;
	s6 =	sadd.s32 @!p0 s3, s7;
	s7 =	simm.s32 @!p0 $0x108  }
0x21: {  	s3 =	sadd.s32 s3, s9;
	s6 =	sadd.s32 @!p0 $0x88, s6;
	s7 =	simm.s32 @p2 $0x1082  }
0x22: {  	[simem:s7], [sflag:s8] =	dma.local @!p0 [hbm:s6], $0xF7A  }
0x23: {  	s9 =	sor.u32 $0xD0000000, s2;
	s6 =	simm.s32 $0x108;
	_ =	swait.ge @!p0 [sflag:s8], $0x0  }
0x24: {  	s3 =	sadd.s32 $0x88, s3;
	s6 =	simm.s32 @!p1 $0x1082;
	[sflag:s4] =	ssyncset.s32 $0xFFFFF086  }
0x25: {  	[simem:s6], [sflag:s4] =	dma.local [hbm:s3], $0xF7A  }
0x26: {  	[smem:$0x3F97] =	sst s1;
	(tag) =	ssettag s2;
	_ =	strace s9  }
0x27: {  	s1 =	sld [smem:$0x3FA7]  }
0x28: {  	s2 =	sld [smem:$0x3FA8]  }
0x29: {  	s4 =	sld [smem:$0x3FAA]  }
0x2a: {  	p0 =	seq.s32 s5, $0x0;
	s5 =	sld [smem:$0x3FAB]  }
0x2b: {  	s6 =	sld [smem:$0x3FAC]  }
0x2c: {  	s7 =	sld [smem:$0x3FAD]  }
0x2d: {  	s3 =	simm.s32 $0x108;
	s8 =	sld [smem:$0x3FAE]  }
0x2e: {  	s3 =	simm.s32 @!p0 $0x1082;
	s9 =	sld [smem:$0x3FAF]  }
0x2f: {  	lr =	sadd.s32 s0, s3;
	s0 =	sld [smem:$0x3FA6]  }
0x30: {  	s3 =	sld [smem:$0x3FA9]  }
0x31: {  	[smem:$0x3FB2] =	sst s10  }
0x32: {  	s10 =	sld [smem:$0x3FB0];
	_ =	sdelay $0x3  }
0x33: {  	p0 =	seq.s32 s10, $0x1;
	s10 =	sld [smem:$0x3FB2];
	_ =	sdelay $0x3  }
0x34: {  	[smem:$0x3FB2] =	sst s10  }
0x35: {  	s10 =	sld [smem:$0x3FB1];
	_ =	sdelay $0x3  }
0x36: {  	p1 =	seq.s32 s10, $0x1;
	s10 =	sld [smem:$0x3FB2];
	_ =	sdelay $0x3  }
0x37: {  	[smem:$0x3FB2] =	sst s10  }
0x38: {  	s10 =	sld [smem:$0x3FB3]  }
0x39: {  	_ = 	snop;
	(pc) =	sbr.ind lr, $3  }
0x3a: {  	_ = 	snop  }
0x3b: {  	_ = 	snop  }
0x3c: {  	p2 =	seq.s32 s10, $0x1;
	s10 =	sld [smem:$0x3FB2]  }
0x3d: {  	_ =	shalt  }
0x3e: {  	_ =	shalt  }
0x3f: {  	_ =	shalt  }
0x40: {  	_ =	shalt  }
0x41: {  	_ =	shalt  }
0x42: {  	_ =	shalt  }
0x43: {  	_ =	shalt  }
0x44: {  	_ =	shalt  }
0x45: {  	_ =	shalt  }
0x46: {  	_ =	shalt  }
0x47: {  	_ =	shalt  }
0x48: {  	_ =	shalt  }
0x49: {  	_ =	shalt  }
0x4a: {  	_ =	shalt  }
0x4b: {  	_ =	shalt  }
0x4c: {  	_ =	shalt  }
0x4d: {  	_ =	shalt  }
0x4e: {  	_ =	shalt  }
0x4f: {  	_ =	shalt  }
0x50: {  	_ =	shalt  }
0x51: {  	_ =	shalt  }
0x52: {  	_ =	shalt  }
0x53: {  	_ =	shalt  }
0x54: {  	_ =	shalt  }
0x55: {  	_ =	shalt  }
0x56: {  	_ =	shalt  }
0x57: {  	_ =	shalt  }
0x58: {  	_ =	shalt  }
0x59: {  	_ =	shalt  }
0x5a: {  	_ =	shalt  }
0x5b: {  	_ =	shalt  }
0x5c: {  	_ =	shalt  }
0x5d: {  	_ =	shalt  }
0x5e: {  	_ =	shalt  }
0x5f: {  	_ =	shalt  }
0x60: {  	_ =	shalt  }
0x61: {  	_ =	shalt  }
0x62: {  	_ =	shalt  }
0x63: {  	_ =	shalt  }
0x64: {  	_ =	shalt  }
0x65: {  	_ =	shalt  }
0x66: {  	_ =	shalt  }
0x67: {  	_ =	shalt  }
0x68: {  	_ =	shalt  }
0x69: {  	_ =	shalt  }
0x6a: {  	_ =	shalt  }
0x6b: {  	_ =	shalt  }
0x6c: {  	_ =	shalt  }
0x6d: {  	_ =	shalt  }
0x6e: {  	_ =	shalt  }
0x6f: {  	_ =	shalt  }
0x70: {  	_ =	shalt  }
0x71: {  	_ =	shalt  }
0x72: {  	_ =	shalt  }
0x73: {  	_ =	shalt  }
0x74: {  	_ =	shalt  }
0x75: {  	_ =	shalt  }
0x76: {  	_ =	shalt  }
0x77: {  	_ =	shalt  }
0x78: {  	_ =	shalt  }
0x79: {  	_ =	shalt  }
0x7a: {  	_ =	shalt  }
0x7b: {  	_ =	shalt  }
0x7c: {  	_ =	shalt  }
0x7d: {  	_ =	shalt  }
0x7e: {  	_ =	shalt  }
0x7f: {  	_ =	shalt  }
0x80: {  	_ =	shalt  }
0x81: {  	_ =	shalt  }
0x82: {  	_ =	shalt  }
0x83: {  	_ =	shalt  }
0x84: {  	_ =	shalt  }
0x85: {  	_ =	shalt  }
0x86: {  	_ =	shalt  }
0x87: {  	_ =	shalt  }
.Lfunc_end0:
.L_simem_size_0:
called_computation.2_lowered:
.L_overlay_start_0:
0x88: {  	s2 =	sld [smem:$0x3FD9]  }
0x89: {  	s3 =	sld [smem:$0x3FFE];
	_ =	sdelay $0x1  }
0x8a: {  	s1 =	srdreg.scid  }
0x8b: {  	s0 =	sand.u32 $0x1, s1  }
0x8c: {  	s17 =	sshll.u32 s0, $0xA;
	s2 =	sadd.s32 s3, s2  }
0x8d: {  	s2 =	sadd.s32 s2, s17  }
0x8e: {  	[smem:$0x3FBE] =	sst s2  }
0x8f: {  	_ = 	snop  }
0x90: {  	s2 =	sld [smem:$0x3FD0];
	(tm) =	ssettm $0x1  }
0x91: {  	s18 =	sld [smem:$0x3FFB];
	_ =	sdelay $0x3  }
0x92: {  	_ =	strace s18  }
0x93: {  	s3 =	sld [smem:$0x3FFC];
	_ =	sdelay $0x3  }
0x94: {  	_ =	strace s3  }
0x95: {  	s3 =	sld [smem:$0x3FFD];
	_ =	sdelay $0x3  }
0x96: {  	_ =	strace s3  }
0x97: {  	_ =	strace $0x8FFFFFFF  }
0x98: {  	s19 =	sld [smem:$0x3FDB];
	_ =	sdelay $0x1  }
0x99: {  	s4 =	simm.s32 $_scs_section_size  }
0x9a: {  	s5 =	simm.s32 $_size__tile_overlayer_lowered;
	s6 =	simm.s32 $_tile_overlayer_lowered  }
0x9b: {  	s22 =	simm.s32 $0x1BFF;
	s21 =	sshll.u32 s6, $0x1;
	s3 =	sadd.s32 s4, s19  }
0x9c: {  	s7 =	simm.s32 $0x0;
	s20 =	sshll.u32 s5, $0x1;
	s5 =	sadd.s32 s21, s3  }
0x9d: {  	[timem:s7], [sflag:s22] =	dma.local [hbm:s5], s20  }
0x9e: {  	_ =	swait.ge [sflag:s22], s20  }
0x9f: {  	s4 =	ssub.s32 $0x0, s20;
	[sflag:s22] =	ssyncset.done $0x0  }
0xa0: {  	[sflag:s22] =	ssyncadd.s32 s4;
	_ =	sdelay $0x1  }
0xa1: {  	s23 =	simm.s32 $0x1B8B  }
0xa2: {  	_ =	swait.ge [sflag:s23], $0x1  }
0xa3: {  	[sflag:s23] =	ssyncset.done $0x0  }
0xa4: {  	s25 =	simm.s32 $0x1B8E;
	s24 =	sld [smem:$0x3FFE];
	[sflag:s23] =	ssyncadd.s32 $0xFFFFFFFF  }
0xa5: {  	s26 =	simm.s32 $execute0_lowered;
	[smem:$0x3FD2] =	sst s25  }
0xa6: {  	s5 =	sshll.u32 s26, $0x1;
	_ =	strace $0x8000004C;
	[dreg:$0x1] =	wrdreg $0xFFFFFFFF  }
0xa7: {  	s28 =	simm.s32 $_size_execute0_lowered;
	s3 =	sadd.s32 s3, s5;
	[dreg:$0x0] =	wrdreg $0x0  }
0xa8: {  	s5 =	sshll.u32 s28, $0x1;
	[dreg:$0x2] =	wrdreg s3  }
0xa9: {  	[dreg:$0x3] =	wrdreg s5  }
0xaa: {  	[dreg:$0x4] =	wrdreg $0xC0  }
0xab: {  	_ =	task [dreg:s7], $0x5FFFF  }
0xac: {  	[dreg:$0x1] =	wrdreg $0xFFFFFFFF  }
0xad: {  	[dreg:$0x0] =	wrdreg $0x60  }
0xae: {  	[dreg:$0x2] =	wrdreg s24  }
0xaf: {  	[dreg:$0x3] =	wrdreg s2  }
0xb0: {  	[dreg:$0x4] =	wrdreg $0xCE400  }
0xb1: {  	[dreg:$0x5] =	wrdreg $0x9  }
0xb2: {  	_ =	task.clear_ibuf [dreg:s7], $0x6FFFF;
	_ =	strace $0x9000004C  }
0xb3: {  	s29 =	simm.s32 $0x9;
	_ =	strace $0x8000004E  }
0xb4: {  	_ =	swait.ge [sflag:s29], $0x1  }
0xb5: {  	[sflag:s29] =	ssyncadd.s32 $0xFFFFFFFF  }
0xb6: {  	_ =	strace $0x9000004E  }
0xb7: {  	_ =	sfence  }
0xb8: {  	s30 =	sld [smem:$0x0];
	_ =	sdelay $0x2  }
0xb9: {  	s31 =	sshll.u32 s1, $0xD;
	s1 =	sshrl.u32 s1, $0x2  }
0xba: {  	s3 =	sand.u32 $0x4000, s31;
	s1 =	sadd.s32 s1, s30  }
0xbb: {  	s0 =	sor.u32 s3, s0;
	s1 =	sshll.u32 s1, $0x11  }
0xbc: {  	s0 =	sor.u32 s1, s0  }
0xbd: {  	s0 =	sadd.s32 $0x8F2B, s0  }
0xbe: {  	[sflag:s0] =	ssyncadd.remote.s32 $0x1  }
0xbf: {  	_ =	sfence.sel $0xFFFF  }
0xc0: {  	[dreg:$0x0] =	wrdreg $0xFFFFFFFF;
	(pc) =	sbr.abs _section_cstart, $3  }
0xc1: {  	[dreg:$0x1] =	wrdreg $0xFFFFFFFF  }
0xc2: {  	_ =	task.clear_ibuf [dreg:s7], $0x2FFFF;
	_ =	strace $0x9FFFFFFF  }
0xc3: {  	(tm) =	ssettm $0x7FFFFFFF  }
tec
execute0_lowered:
.L_overlay_start_1:
0x0: {  	(tag) =	ssettag $0x1  }
0x1: {  	s0 =	rddreg [dreg:$0x0]  }
0x2: {  	s1 =	rddreg [dreg:$0x1]  }
0x3: {  	s9 =	rddreg [dreg:$0x2];
	s2 =	simm.s32 $0x0  }
0x4: {  	s10 =	stileid.u32;
	s6 =	srdreg.scid;
	s28 =	simm.s32 $0x320  }
0x5: {  	s29 =	simm.s32 $0x6720;
	s30 =	simm.s32 $0x68B0;
	s31 =	simm.s32 $0x6A40  }
0x6: {  	[smem:$0x7FF] =	sst s2;
	s11 =	smul.u32 $0x9C00, s10;
	s3 =	sadd.s32 $0xA9E00, s0  }
0x7: {  	s4 =	sadd.s32 $0x34600, s0;
	s5 =	sadd.s32 $0x3600, s0;
	s14 =	sand.u32 $0x1, s6  }
0x8: {  	s15 =	sadd.s32 $0xBD800, s0;
	s26 =	sshll.u32 s10, $0x6;
	p0 =	sne.s32 s10, $0x0  }
0x9: {  	_ =	strace $0x8000004D;
	s6 =	ssub.s32 $0x2, s14;
	s17 =	smul.u32 $0x138800, s14  }
0xa: {  	s8 =	sshll.u32 s14, $0x4;
	s18 =	smul.u32 $0x27100, s14;
	s7 =	sshrl.u32 s11, $0x3  }
0xb: {  	s12 =	sshrl.u32 s6, $0x1;
	s8 =	sor.u32 s10, s8;
	s7 =	sadd.s32 s7, s0  }
0xc: {  	s16 =	ssub.s32 s6, s12;
	s25 =	smul.u32 $0x2710, s8;
	s6 =	sadd.s32 s11, s9  }
0xd: {  	s8 =	sor.u32 $0x1C03, s26;
	s9 =	sadd.s32 $0x9C000, s9;
	s0 =	sadd.s32 $0x5B800, s0  }
0xe: {  	s11 =	sadd.s32 s11, s17;
	s17 =	sshrl.u32 s17, $0x3;
	[dreg:$0x4] =	wrdreg s9  }
0xf: {  	[dreg:$0x5] =	wrdreg s0;
	s21 =	sadd.s32 s15, s17;
	s26 =	smax.u32 s16, $0x1  }
0x10: {  	s20 =	sshrl.u32 s11, $0x3;
	s23 =	sadd.s32 $0x13800, s21;
	[dreg:$0xe] =	wrdreg s26  }
0x11: {  	s7 =	sadd.s32 $0x48000, s7;
	s22 =	sadd.s32 s15, s20;
	[dreg:$0xb] =	wrdreg s23  }
0x12: {  	s0 =	sshrl.u32 s25, $0x3;
	s11 =	sadd.s32 $0x27080, s21;
	[dreg:$0xa] =	wrdreg s22  }
0x13: {  	s16 =	simm.s32 $0x0;
	s12 =	sadd.s32 s5, s0;
	[dreg:$0xd] =	wrdreg s11  }
0x14: {  	s13 =	sadd.s32 $0x32, s0;
	[dreg:$0x6] =	wrdreg s12;
	s12 =	sadd.s32 s1, s0  }
0x15: {  	s26 =	simm.s32 $0x190;
	s19 =	sadd.s32 s5, s13;
	[dreg:$0x7] =	wrdreg s12  }
0x16: {  	s9 =	sadd.s32 s1, s13;
	[dreg:$0x8] =	wrdreg s19;
	s19 =	smul.u32 $0x2710, s10  }
0x17: {  	s0 =	sadd.s32 $0x4B0, s0;
	[dreg:$0x9] =	wrdreg s9;
	s12 =	sadd.s32 $0x13880, s22  }
0x18: {  	s20 =	sadd.s32 s5, s0;
	s21 =	sadd.s32 s1, s0;
	s24 =	sadd.s32 s19, s18  }
0x19: {  	s0 =	simm.s32 $0x1;
	s9 =	simm.s32 $0x2;
	s25 =	sadd.s32 $0x4B0, s24  }
0x1a: {  	[dreg:$0xc] =	wrdreg s12;
	s24 =	sadd.s32 $0x320, s24;
	s11 =	sshrl.u32 s25, $0x3  }
0x1b: {  	s25 =	simm.s32 $0x3;
	s22 =	sadd.s32 s11, s1;
	s23 =	sadd.s32 s11, s5  }
.LBB2_1:
0x1c: {  	s17 =	sshrl.u32 s6, $0x3  }
0x1d: {  	[spmem:s17], [sflag:s8] =	dma.local [hbm:s7], $0x1380  }
0x1e: {  	_ =	swait.ge [sflag:s25], $0x1380  }
0x1f: {  	[sflag:s25] =	ssyncset.done $0x0;
	s10 =	rddreg [dreg:$0x4]  }
0x20: {  	[sflag:s25] =	ssyncadd.s32 $0xFFFFEC80;
	s18 =	sshrl.u32 @!p0 s10, $0x3;
	s10 =	rddreg [dreg:$0x5]  }
0x21: {  	[spmem:s18], [sflag:s8] =	dma.local @!p0 [hbm:s10], $0x80  }
0x22: {  	s10 =	simm.s32 @!p0 $0x3  }
0x23: {  	_ =	swait.ge @!p0 [sflag:s10], $0x80  }
0x24: {  	[sflag:s10] =	ssyncset.done @!p0 $0x0  }
0x25: {  	[sflag:s10] =	ssyncadd.s32 @!p0 $0xFFFFFF80  }
0x26: {  	[bflag:$0x0] =	sbarrier.arrive $0xFFFF  }
0x27: {  	s14 =	rddreg [dreg:$0x6]  }
0x28: {  	[tilespmem:s2], [sflag:$0x3] =	stream.linear.gather [hbm4b:s14+s2], $0x190, $0x38;
	[tilespmem:$0x16A80] =	vst v63  }
0x29: {  	_ =	swait.ge [sflag:s25], $0x190  }
0x2a: {  	[sflag:s25] =	ssyncset.done $0x0  }
0x2b: {  	s15 =	rddreg [dreg:$0x7];
	[sflag:s25] =	ssyncadd.s32 $0xFFFFFE70  }
0x2c: {  	[tilespmem:s26], [sflag:$0x3] =	stream.linear.gather [hbm4b:s15+s2], $0x190, $0x38;
	[tilespmem:$0x16A80] =	vst v63  }
0x2d: {  	_ =	swait.ge [sflag:s25], $0x190  }
0x2e: {  	[sflag:s25] =	ssyncset.done $0x0  }
0x2f: {  	[sflag:s25] =	ssyncadd.s32 $0xFFFFFE70  }
0x30: {  	[tilespmem:s28], [sflag:$0x1] =	stream.indirect.gather [hbm4b:s3+s26], $0x40, s2, s26, $0xb8;
	[tilespmem:$0x16A80] =	vst v63  }
0x31: {  	s19 =	rddreg [dreg:$0x8]  }
0x32: {  	[tilespmem:s29], [sflag:$0x3] =	stream.linear.gather [hbm4b:s19+s2], $0x190, $0x38;
	[tilespmem:$0x16A80] =	vst v63  }
0x33: {  	_ =	swait.ge [sflag:s25], $0x190  }
0x34: {  	[sflag:s25] =	ssyncset.done $0x0  }
0x35: {  	s11 =	rddreg [dreg:$0x9];
	[sflag:s25] =	ssyncadd.s32 $0xFFFFFE70  }
0x36: {  	[tilespmem:s30], [sflag:$0x3] =	stream.linear.gather [hbm4b:s11+s2], $0x190, $0x38;
	[tilespmem:$0x16A80] =	vst v63  }
0x37: {  	_ =	swait.ge [sflag:s25], $0x190  }
0x38: {  	[sflag:s25] =	ssyncset.done $0x0  }
0x39: {  	[sflag:s25] =	ssyncadd.s32 $0xFFFFFE70  }
0x3a: {  	[tilespmem:s31], [sflag:$0x2] =	stream.indirect.gather [hbm4b:s3+s26], $0x40, s29, s26, $0xb8;
	[tilespmem:$0x16A80] =	vst v63  }
0x3b: {  	_ =	swait.ge [sflag:s0], $0x6400  }
0x3c: {  	[sflag:s0] =	ssyncset.done $0x0  }
0x3d: {  	[sflag:s0] =	ssyncadd.s32 $0xFFFF9C00  }
0x3e: {  	_ =	swait.ge [sflag:s9], $0x6400  }
0x3f: {  	s12 =	sshrl.u32 s24, $0x3;
	[sflag:s9] =	ssyncset.done $0x0  }
0x40: {  	s19 =	sadd.s32 s5, s12;
	[sflag:s9] =	ssyncadd.s32 $0xFFFF9C00  }
0x41: {  	[tilespmem:s2], [sflag:$0x3] =	stream.linear.gather [hbm4b:s19+s2], $0x190, $0x38;
	[tilespmem:$0x16A80] =	vst v63  }
0x42: {  	_ =	swait.ge [sflag:s25], $0x190  }
0x43: {  	[sflag:s25] =	ssyncset.done $0x0  }
0x44: {  	s15 =	sadd.s32 s1, s12;
	[sflag:s25] =	ssyncadd.s32 $0xFFFFFE70  }
0x45: {  	[tilespmem:s26], [sflag:$0x3] =	stream.linear.gather [hbm4b:s15+s2], $0x190, $0x38;
	[tilespmem:$0x16A80] =	vst v63  }
0x46: {  	_ =	swait.ge [sflag:s25], $0x190  }
0x47: {  	[sflag:s25] =	ssyncset.done $0x0  }
0x48: {  	[sflag:s25] =	ssyncadd.s32 $0xFFFFFE70  }
0x49: {  	[tilespmem:s28], [sflag:$0x1] =	stream.indirect.gather [hbm4b:s3+s26], $0x40, s2, s26, $0xb8;
	[tilespmem:$0x16A80] =	vst v63  }
0x4a: {  	_ =	swait.ge [sflag:s0], $0x6400  }
0x4b: {  	[sflag:s0] =	ssyncset.done $0x0  }
0x4c: {  	s13 =	sadd.s32 $0x0, s23;
	[sflag:s0] =	ssyncadd.s32 $0xFFFF9C00  }
0x4d: {  	[tilespmem:s29], [sflag:$0x3] =	stream.linear.gather [hbm4b:s13+s2], $0x190, $0x38;
	[tilespmem:$0x16A80] =	vst v63  }
0x4e: {  	_ =	swait.ge [sflag:s25], $0x190  }
0x4f: {  	[sflag:s25] =	ssyncset.done $0x0  }
0x50: {  	s14 =	sadd.s32 $0x0, s22;
	[sflag:s25] =	ssyncadd.s32 $0xFFFFFE70  }
0x51: {  	[tilespmem:s30], [sflag:$0x3] =	stream.linear.gather [hbm4b:s14+s2], $0x190, $0x38;
	[tilespmem:$0x16A80] =	vst v63  }
0x52: {  	_ =	swait.ge [sflag:s25], $0x190  }
0x53: {  	[sflag:s25] =	ssyncset.done $0x0  }
0x54: {  	s10 =	simm.s32 $0x64;
	s11 =	sadd.s32 $0x320, s24;
	[sflag:s25] =	ssyncadd.s32 $0xFFFFFE70  }
.LBB2_2:
0x55: {  	[tilespmem:s31], [sflag:$0x2] =	stream.indirect.gather [hbm4b:s3+s26], $0x40, s29, s26, $0xb8;
	[tilespmem:$0x16A80] =	vst v63  }
0x56: {  	s12 =	smov.u32 s10  }
0x57: {  	p1 =	sne.s32 s10, $0x3E8;
	s10 =	sadd.s32 $0x64, s10;
	_ =	swait.ge [sflag:s9], $0x6400  }
0x58: {  	s13 =	sshrl.u32 s11, $0x3;
	[sflag:s9] =	ssyncset.done $0x0  }
0x59: {  	s14 =	sadd.s32 s5, s13;
	[sflag:s9] =	ssyncadd.s32 $0xFFFF9C00  }
0x5a: {  	[tilespmem:s2], [sflag:$0x3] =	stream.linear.gather [hbm4b:s14+s2], $0x190, $0x38;
	[tilespmem:$0x16A80] =	vst v63  }
0x5b: {  	_ =	swait.ge [sflag:s25], $0x190  }
0x5c: {  	[sflag:s25] =	ssyncset.done $0x0  }
0x5d: {  	s13 =	sadd.s32 s1, s13;
	[sflag:s25] =	ssyncadd.s32 $0xFFFFFE70  }
0x5e: {  	[tilespmem:s26], [sflag:$0x3] =	stream.linear.gather [hbm4b:s13+s2], $0x190, $0x38;
	[tilespmem:$0x16A80] =	vst v63  }
0x5f: {  	_ =	swait.ge [sflag:s25], $0x190  }
0x60: {  	[sflag:s25] =	ssyncset.done $0x0  }
0x61: {  	[sflag:s25] =	ssyncadd.s32 $0xFFFFFE70  }
0x62: {  	[tilespmem:s28], [sflag:$0x1] =	stream.indirect.gather [hbm4b:s3+s26], $0x40, s2, s26, $0xb8;
	[tilespmem:$0x16A80] =	vst v63  }
0x63: {  	_ =	swait.ge [sflag:s0], $0x6400  }
0x64: {  	[sflag:s0] =	ssyncset.done $0x0  }
0x65: {  	s13 =	sadd.s32 s12, s23;
	[sflag:s0] =	ssyncadd.s32 $0xFFFF9C00  }
0x66: {  	[tilespmem:s29], [sflag:$0x3] =	stream.linear.gather [hbm4b:s13+s2], $0x190, $0x38;
	[tilespmem:$0x16A80] =	vst v63  }
0x67: {  	_ =	swait.ge [sflag:s25], $0x190  }
0x68: {  	[sflag:s25] =	ssyncset.done $0x0  }
.Ltmp0:
0x69: {  	s12 =	sadd.s32 s12, s22;
	[sflag:s25] =	ssyncadd.s32 $0xFFFFFE70;
	(pc) =	sbr.rel @p1 .LBB2_2-.Ltmp0, $4  }
0x6a: {  	[tilespmem:s30], [sflag:$0x3] =	stream.linear.gather [hbm4b:s12+s2], $0x190, $0x38;
	[tilespmem:$0x16A80] =	vst v63  }
0x6b: {  	_ =	swait.ge [sflag:s25], $0x190  }
0x6c: {  	[sflag:s25] =	ssyncset.done $0x0  }
0x6d: {  	s11 =	sadd.s32 $0x320, s11;
	[sflag:s25] =	ssyncadd.s32 $0xFFFFFE70  }
0x6e: {  	[tilespmem:s31], [sflag:$0x2] =	stream.indirect.gather [hbm4b:s3+s26], $0x40, s29, s26, $0xb8;
	[tilespmem:$0x16A80] =	vst v63  }
0x6f: {  	_ =	swait.ge [sflag:s9], $0x6400  }
0x70: {  	[sflag:s9] =	ssyncset.done $0x0  }
0x71: {  	[sflag:s9] =	ssyncadd.s32 $0xFFFF9C00  }
0x72: {  	[tilespmem:s2], [sflag:$0x3] =	stream.linear.gather [hbm4b:s20+s2], $0x190, $0x38;
	[tilespmem:$0x16A80] =	vst v63  }
0x73: {  	_ =	swait.ge [sflag:s25], $0x190  }
0x74: {  	[sflag:s25] =	ssyncset.done $0x0  }
0x75: {  	[sflag:s25] =	ssyncadd.s32 $0xFFFFFE70  }
0x76: {  	[tilespmem:s26], [sflag:$0x3] =	stream.linear.gather [hbm4b:s21+s2], $0x190, $0x38;
	[tilespmem:$0x16A80] =	vst v63  }
0x77: {  	_ =	swait.ge [sflag:s25], $0x190  }
0x78: {  	[sflag:s25] =	ssyncset.done $0x0  }
0x79: {  	[sflag:s25] =	ssyncadd.s32 $0xFFFFFE70  }
0x7a: {  	[tilespmem:s28], [sflag:$0x1] =	stream.indirect.gather [hbm4b:s3+s26], $0x40, s2, s26, $0xb8;
	[tilespmem:$0x16A80] =	vst v63  }
0x7b: {  	_ =	swait.ge [sflag:s0], $0x6400  }
0x7c: {  	[sflag:s0] =	ssyncset.done $0x0  }
0x7d: {  	[sflag:s0] =	ssyncadd.s32 $0xFFFF9C00  }
0x7e: {  	[bflag:$0x0] =	sbarrier.arrive $0xFFFF  }
0x7f: {  	s10 =	rddreg [dreg:$0xa]  }
0x80: {  	[hbm:s10], [sflag:s8] =	dma.local [spmem:s17], $0x1380  }
0x81: {  	_ =	swait.ge [sflag:s25], $0x1380  }
0x82: {  	[sflag:s25] =	ssyncset.done $0x0  }
0x83: {  	[sflag:s25] =	ssyncadd.s32 $0xFFFFEC80  }
0x84: {  	s10 =	sshrl.u32 @p0 s6, $0x3;
	[bflag:$0x0] =	sbarrier.arrive @p0 $0xFFFF  }
0x85: {  	[spmem:s10], [sflag:s8] =	dma.local @p0 [hbm:s7], $0x1380  }
0x86: {  	s10 =	simm.s32 @p0 $0x3  }
0x87: {  	_ =	swait.ge @p0 [sflag:s10], $0x1380  }
0x88: {  	[sflag:s10] =	ssyncset.done @p0 $0x0  }
0x89: {  	[sflag:s10] =	ssyncadd.s32 @p0 $0xFFFFEC80;
	s10 =	rddreg [dreg:$0xb]  }
0x8a: {  	[hbm:s10], [sflag:s8] =	dma.local @!p0 [spmem:s18], $0x80  }
0x8b: {  	s10 =	simm.s32 @!p0 $0x3  }
0x8c: {  	_ =	swait.ge @!p0 [sflag:s10], $0x80  }
0x8d: {  	[sflag:s10] =	ssyncset.done @!p0 $0x0  }
0x8e: {  	[sflag:s10] =	ssyncadd.s32 @!p0 $0xFFFFFF80  }
0x8f: {  	s11 =	sshrl.u32 @!p0 s6, $0x3;
	[bflag:$0x0] =	sbarrier.arrive @!p0 $0xFFFF  }
0x90: {  	[spmem:s11], [sflag:s8] =	dma.local @!p0 [hbm:s7], $0x1380  }
0x91: {  	_ =	swait.ge @!p0 [sflag:s10], $0x1380  }
0x92: {  	[sflag:s10] =	ssyncset.done @!p0 $0x0  }
0x93: {  	s11 =	rddreg [dreg:$0x5];
	[sflag:s10] =	ssyncadd.s32 @!p0 $0xFFFFEC80  }
0x94: {  	[spmem:s18], [sflag:s8] =	dma.local @!p0 [hbm:s11], $0x80  }
0x95: {  	_ =	swait.ge @!p0 [sflag:s10], $0x80  }
0x96: {  	[sflag:s10] =	ssyncset.done @!p0 $0x0  }
0x97: {  	[sflag:s10] =	ssyncadd.s32 @!p0 $0xFFFFFF80  }
0x98: {  	[bflag:$0x0] =	sbarrier.arrive $0xFFFF  }
0x99: {  	s10 =	simm.s32 $0x0;
	s14 =	rddreg [dreg:$0x6]  }
0x9a: {  	[tilespmem:s10], [sflag:$0x3] =	stream.linear.gather [hbm4b:s14+s10], $0x190, $0x38;
	[tilespmem:$0x16A80] =	vst v63  }
0x9b: {  	_ =	swait.ge [sflag:s25], $0x190  }
0x9c: {  	[sflag:s25] =	ssyncset.done $0x0  }
0x9d: {  	s12 =	rddreg [dreg:$0x7];
	[sflag:s25] =	ssyncadd.s32 $0xFFFFFE70  }
0x9e: {  	[tilespmem:s26], [sflag:$0x3] =	stream.linear.gather [hbm4b:s12+s10], $0x190, $0x38;
	[tilespmem:$0x16A80] =	vst v63  }
0x9f: {  	_ =	swait.ge [sflag:s25], $0x190  }
0xa0: {  	[sflag:s25] =	ssyncset.done $0x0  }
0xa1: {  	[sflag:s25] =	ssyncadd.s32 $0xFFFFFE70  }
0xa2: {  	[tilespmem:s28], [sflag:$0x1] =	stream.indirect.gather [hbm4b:s4+s26], $0x40, s10, s26, $0xb8;
	[tilespmem:$0x16A80] =	vst v63  }
0xa3: {  	s13 =	rddreg [dreg:$0x8]  }
0xa4: {  	[tilespmem:s29], [sflag:$0x3] =	stream.linear.gather [hbm4b:s13+s10], $0x190, $0x38;
	[tilespmem:$0x16A80] =	vst v63  }
0xa5: {  	_ =	swait.ge [sflag:s25], $0x190  }
0xa6: {  	[sflag:s25] =	ssyncset.done $0x0  }
0xa7: {  	s14 =	rddreg [dreg:$0x9];
	[sflag:s25] =	ssyncadd.s32 $0xFFFFFE70  }
0xa8: {  	[tilespmem:s30], [sflag:$0x3] =	stream.linear.gather [hbm4b:s14+s10], $0x190, $0x38;
	[tilespmem:$0x16A80] =	vst v63  }
0xa9: {  	_ =	swait.ge [sflag:s25], $0x190  }
0xaa: {  	[sflag:s25] =	ssyncset.done $0x0  }
0xab: {  	[sflag:s25] =	ssyncadd.s32 $0xFFFFFE70  }
0xac: {  	[tilespmem:s31], [sflag:$0x2] =	stream.indirect.gather [hbm4b:s4+s26], $0x40, s29, s26, $0xb8;
	[tilespmem:$0x16A80] =	vst v63  }
0xad: {  	_ =	swait.ge [sflag:s0], $0x6400  }
0xae: {  	[sflag:s0] =	ssyncset.done $0x0  }
0xaf: {  	[sflag:s0] =	ssyncadd.s32 $0xFFFF9C00  }
0xb0: {  	_ =	swait.ge [sflag:s9], $0x6400  }
0xb1: {  	[sflag:s9] =	ssyncset.done $0x0  }
0xb2: {  	[sflag:s9] =	ssyncadd.s32 $0xFFFF9C00  }
0xb3: {  	[tilespmem:s2], [sflag:$0x3] =	stream.linear.gather [hbm4b:s19+s2], $0x190, $0x38;
	[tilespmem:$0x16A80] =	vst v63  }
0xb4: {  	_ =	swait.ge [sflag:s25], $0x190  }
0xb5: {  	[sflag:s25] =	ssyncset.done $0x0  }
0xb6: {  	[sflag:s25] =	ssyncadd.s32 $0xFFFFFE70  }
0xb7: {  	[tilespmem:s26], [sflag:$0x3] =	stream.linear.gather [hbm4b:s15+s2], $0x190, $0x38;
	[tilespmem:$0x16A80] =	vst v63  }
0xb8: {  	_ =	swait.ge [sflag:s25], $0x190  }
0xb9: {  	[sflag:s25] =	ssyncset.done $0x0  }
0xba: {  	[sflag:s25] =	ssyncadd.s32 $0xFFFFFE70  }
0xbb: {  	[tilespmem:s28], [sflag:$0x1] =	stream.indirect.gather [hbm4b:s4+s26], $0x40, s2, s26, $0xb8;
	[tilespmem:$0x16A80] =	vst v63  }
0xbc: {  	_ =	swait.ge [sflag:s0], $0x6400  }
0xbd: {  	[sflag:s0] =	ssyncset.done $0x0  }
0xbe: {  	s15 =	sadd.s32 $0x0, s23;
	[sflag:s0] =	ssyncadd.s32 $0xFFFF9C00  }
0xbf: {  	[tilespmem:s29], [sflag:$0x3] =	stream.linear.gather [hbm4b:s15+s2], $0x190, $0x38;
	[tilespmem:$0x16A80] =	vst v63  }
0xc0: {  	_ =	swait.ge [sflag:s25], $0x190  }
0xc1: {  	[sflag:s25] =	ssyncset.done $0x0  }
0xc2: {  	s19 =	sadd.s32 $0x0, s22;
	[sflag:s25] =	ssyncadd.s32 $0xFFFFFE70  }
0xc3: {  	[tilespmem:s30], [sflag:$0x3] =	stream.linear.gather [hbm4b:s19+s2], $0x190, $0x38;
	[tilespmem:$0x16A80] =	vst v63  }
0xc4: {  	_ =	swait.ge [sflag:s25], $0x190  }
0xc5: {  	[sflag:s25] =	ssyncset.done $0x0  }
0xc6: {  	s11 =	sadd.s32 $0x320, s24;
	s10 =	simm.s32 $0x64;
	[sflag:s25] =	ssyncadd.s32 $0xFFFFFE70  }
.LBB2_4:
0xc7: {  	[tilespmem:s31], [sflag:$0x2] =	stream.indirect.gather [hbm4b:s4+s26], $0x40, s29, s26, $0xb8;
	[tilespmem:$0x16A80] =	vst v63  }
0xc8: {  	s12 =	smov.u32 s10  }
0xc9: {  	p1 =	sne.s32 s10, $0x3E8;
	s10 =	sadd.s32 $0x64, s10;
	_ =	swait.ge [sflag:s9], $0x6400  }
0xca: {  	s13 =	sshrl.u32 s11, $0x3;
	[sflag:s9] =	ssyncset.done $0x0  }
0xcb: {  	s14 =	sadd.s32 s5, s13;
	[sflag:s9] =	ssyncadd.s32 $0xFFFF9C00  }
0xcc: {  	[tilespmem:s2], [sflag:$0x3] =	stream.linear.gather [hbm4b:s14+s2], $0x190, $0x38;
	[tilespmem:$0x16A80] =	vst v63  }
0xcd: {  	_ =	swait.ge [sflag:s25], $0x190  }
0xce: {  	[sflag:s25] =	ssyncset.done $0x0  }
0xcf: {  	s13 =	sadd.s32 s1, s13;
	[sflag:s25] =	ssyncadd.s32 $0xFFFFFE70  }
0xd0: {  	[tilespmem:s26], [sflag:$0x3] =	stream.linear.gather [hbm4b:s13+s2], $0x190, $0x38;
	[tilespmem:$0x16A80] =	vst v63  }
0xd1: {  	_ =	swait.ge [sflag:s25], $0x190  }
0xd2: {  	[sflag:s25] =	ssyncset.done $0x0  }
0xd3: {  	[sflag:s25] =	ssyncadd.s32 $0xFFFFFE70  }
0xd4: {  	[tilespmem:s28], [sflag:$0x1] =	stream.indirect.gather [hbm4b:s4+s26], $0x40, s2, s26, $0xb8;
	[tilespmem:$0x16A80] =	vst v63  }
0xd5: {  	_ =	swait.ge [sflag:s0], $0x6400  }
0xd6: {  	[sflag:s0] =	ssyncset.done $0x0  }
0xd7: {  	s13 =	sadd.s32 s12, s23;
	[sflag:s0] =	ssyncadd.s32 $0xFFFF9C00  }
0xd8: {  	[tilespmem:s29], [sflag:$0x3] =	stream.linear.gather [hbm4b:s13+s2], $0x190, $0x38;
	[tilespmem:$0x16A80] =	vst v63  }
0xd9: {  	_ =	swait.ge [sflag:s25], $0x190  }
0xda: {  	[sflag:s25] =	ssyncset.done $0x0  }
.Ltmp1:
0xdb: {  	s12 =	sadd.s32 s12, s22;
	[sflag:s25] =	ssyncadd.s32 $0xFFFFFE70;
	(pc) =	sbr.rel @p1 .LBB2_4-.Ltmp1, $4  }
0xdc: {  	[tilespmem:s30], [sflag:$0x3] =	stream.linear.gather [hbm4b:s12+s2], $0x190, $0x38;
	[tilespmem:$0x16A80] =	vst v63  }
0xdd: {  	_ =	swait.ge [sflag:s25], $0x190  }
0xde: {  	[sflag:s25] =	ssyncset.done $0x0  }
0xdf: {  	s11 =	sadd.s32 $0x320, s11;
	[sflag:s25] =	ssyncadd.s32 $0xFFFFFE70  }
0xe0: {  	[tilespmem:s31], [sflag:$0x2] =	stream.indirect.gather [hbm4b:s4+s26], $0x40, s29, s26, $0xb8;
	[tilespmem:$0x16A80] =	vst v63  }
0xe1: {  	_ =	swait.ge [sflag:s9], $0x6400  }
0xe2: {  	[sflag:s9] =	ssyncset.done $0x0  }
0xe3: {  	[sflag:s9] =	ssyncadd.s32 $0xFFFF9C00  }
0xe4: {  	[tilespmem:s2], [sflag:$0x3] =	stream.linear.gather [hbm4b:s20+s2], $0x190, $0x38;
	[tilespmem:$0x16A80] =	vst v63  }
0xe5: {  	_ =	swait.ge [sflag:s25], $0x190  }
0xe6: {  	[sflag:s25] =	ssyncset.done $0x0  }
0xe7: {  	[sflag:s25] =	ssyncadd.s32 $0xFFFFFE70  }
0xe8: {  	[tilespmem:s26], [sflag:$0x3] =	stream.linear.gather [hbm4b:s21+s2], $0x190, $0x38;
	[tilespmem:$0x16A80] =	vst v63  }
0xe9: {  	_ =	swait.ge [sflag:s25], $0x190  }
0xea: {  	[sflag:s25] =	ssyncset.done $0x0  }
0xeb: {  	[sflag:s25] =	ssyncadd.s32 $0xFFFFFE70  }
0xec: {  	[tilespmem:s28], [sflag:$0x1] =	stream.indirect.gather [hbm4b:s4+s26], $0x40, s2, s26, $0xb8;
	[tilespmem:$0x16A80] =	vst v63  }
0xed: {  	_ =	swait.ge [sflag:s0], $0x6400  }
0xee: {  	[sflag:s0] =	ssyncset.done $0x0  }
0xef: {  	[sflag:s0] =	ssyncadd.s32 $0xFFFF9C00  }
0xf0: {  	[bflag:$0x0] =	sbarrier.arrive $0xFFFF  }
0xf1: {  	s10 =	rddreg [dreg:$0xc]  }
0xf2: {  	[hbm:s10], [sflag:s8] =	dma.local [spmem:s17], $0x1380  }
0xf3: {  	_ =	swait.ge [sflag:s25], $0x1380  }
0xf4: {  	[sflag:s25] =	ssyncset.done $0x0  }
0xf5: {  	s10 =	rddreg [dreg:$0xd];
	[sflag:s25] =	ssyncadd.s32 $0xFFFFEC80  }
0xf6: {  	[hbm:s10], [sflag:s8] =	dma.local @!p0 [spmem:s18], $0x80  }
0xf7: {  	s10 =	simm.s32 @!p0 $0x3  }
0xf8: {  	_ =	swait.ge @!p0 [sflag:s10], $0x80  }
0xf9: {  	s16 =	sadd.s32 $0x1, s16;
	s11 =	rddreg [dreg:$0xe]  }
0xfa: {  	p1 =	sne.s32 s16, s11  }
.Ltmp2:
0xfb: {  	_ = 	snop;
	(pc) =	sbr.rel @p1 .LBB2_1-.Ltmp2, $3  }
0xfc: {  	_ =	sdelay $0x1  }
0xfd: {  	[sflag:s10] =	ssyncset.done @!p0 $0x0  }
0xfe: {  	[sflag:s10] =	ssyncadd.s32 @!p0 $0xFFFFFF80  }
0xff: {  	_ =	sfence.sel $0x180000  }
0x100: {  	[bflag:$0x0] =	sbarrier.arrive $0xFFFF  }
0x101: {  	_ =	strace $0x9000004D  }
0x102: {  	[bflag:$0x2] =	sbarrier.arrive $0xFFFF  }
0x103: {  	s0 =	rddreg [dreg:$0x3]  }
0x104: {  	s0 =	sadd.s32 @!p0 $0x100000, s0  }
0x105: {  	[sflag:s0] =	ssyncadd.tile.s32 @!p0 $0x1;
	_ =	shalt  }
.Lfunc_end2:
_tile_overlayer_lowered:
.L_overlay_start_2:
0x106: {  	(tag) =	ssettag $0x2  }
0x107: {  	s0 =	rddreg [dreg:$0x0];
	s2 =	stileid.u32  }
0x108: {  	s1 =	rddreg [dreg:$0x1];
	p0 =	sne.s32 s2, $0x0  }
0x109: {  	s3 =	rddreg [dreg:$0x2];
	[bflag:$0x3] =	sbarrier.arrive $0xFFFF;
	s2 =	simm.s32 @!p0 $0x1C03  }
0x10a: {  	[timem:s3], [sflag:s2] =	dma.local @!p0 [hbm:s0], s1  }
0x10b: {  	s0 =	simm.s32 @!p0 $0x3  }
0x10c: {  	_ =	swait.ge @!p0 [sflag:s0], s1  }
0x10d: {  	s1 =	ssub.s32 @!p0 $0x0, s1;
	[sflag:s0] =	ssyncset.done @!p0 $0x0  }
0x10e: {  	[sflag:s0] =	ssyncadd.s32 @!p0 s1  }
0x10f: {  	[bflag:$0x3] =	sbarrier.arrive $0xFFFF  }
0x110: {  	_ =	shalt  }

// kernel: kernel.20.cloned.1.call-start
scs
__scs_entry_jumppad:
0x0: {  	(pc) =	sbr.rel $0x88, $3  }
0x1: {  	(tag) =	ssettag $0x0;
	lr =	simm.s32 $0x1  }
0x2: {  	[smem:$0x3F97] =	sst lr;
	_ =	strace $0xD0000000  }
0x3: {  	_ = 	snop  }
0x4: {  	_ = 	snop  }
0x5: {  	_ = 	snop  }
0x6: {  	_ = 	snop  }
0x7: {  	_ = 	snop  }
__scs_overlays_trampoline_lowered:
0x8: {  	[smem:$0x3FA6] =	sst s0  }
0x9: {  	[smem:$0x3FA7] =	sst s1  }
0xa: {  	[smem:$0x3FA8] =	sst s2  }
0xb: {  	[smem:$0x3FA9] =	sst s3  }
0xc: {  	[smem:$0x3FAA] =	sst s4  }
0xd: {  	[smem:$0x3FAB] =	sst s5  }
0xe: {  	[smem:$0x3FAC] =	sst s6  }
0xf: {  	[smem:$0x3FAD] =	sst s7  }
0x10: {  	[smem:$0x3FAE] =	sst s8  }
0x11: {  	[smem:$0x3FAF] =	sst s9;
	s0 =	simm.s32 @!p0 $0x0  }
0x12: {  	s1 =	sld [smem:$0x3F95];
	s0 =	simm.s32 @p0 $0x1  }
0x13: {  	[smem:$0x3FB0] =	sst s0;
	s0 =	simm.s32 @!p1 $0x0  }
0x14: {  	s2 =	sld [smem:$0x3F94];
	s0 =	simm.s32 @p1 $0x1  }
0x15: {  	[smem:$0x3FB1] =	sst s0;
	s0 =	simm.s32 @!p2 $0x0  }
0x16: {  	s3 =	sld [smem:$0x3FDB];
	s0 =	simm.s32 @p2 $0x1  }
0x17: {  	s4 =	simm.s32 $0x1BF5;
	[smem:$0x3FB3] =	sst s0  }
0x18: {  	s0 =	sld [smem:$0x3F96];
	_ =	swait.ge [sflag:s4], $0x0  }
0x19: {  	s7 =	sld [smem:$0x3F97]  }
0x1a: {  	s8 =	sadd.s32 $0xFFFFE003, lr  }
0x1b: {  	s9 =	sadd.s32 $0xFFFFFEF7, lr;
	s5 =	simm.s32 $0xFFFFFFFF;
	p2 =	slt.u32 s8, $0xFFFFF086  }
0x1c: {  	p1 =	slt.u32 s9, $0xF7A;
	s5 =	simm.s32 @!p2 $0x0  }
0x1d: {  	s5 =	simm.s32 @p1 $0x1;
	p0 =	seq.s32 s7, s2  }
0x1e: {  	s7 =	smul.u32 @!p0 $0xF7A, s2;
	p2 =	seq.s32 @!p0 s5, $0x0  }
0x1f: {  	s9 =	smul.u32 $0xF7A, s1;
	s8 =	simm.s32 @!p0 $0x1BF5;
	p2 =	por !p2, p0  }
0x20: {  	[sflag:s8] =	ssyncset.s32 @!p0 $0xFFFFF086;
	s6 =	sadd.s32 @!p0 s3, s7;
	s7 =	simm.s32 @!p0 $0x108  }
0x21: {  	s3 =	sadd.s32 s3, s9;
	s6 =	sadd.s32 @!p0 $0x88, s6;
	s7 =	simm.s32 @p2 $0x1082  }
0x22: {  	[simem:s7], [sflag:s8] =	dma.local @!p0 [hbm:s6], $0xF7A  }
0x23: {  	s9 =	sor.u32 $0xD0000000, s2;
	s6 =	simm.s32 $0x108;
	_ =	swait.ge @!p0 [sflag:s8], $0x0  }
0x24: {  	s3 =	sadd.s32 $0x88, s3;
	s6 =	simm.s32 @!p1 $0x1082;
	[sflag:s4] =	ssyncset.s32 $0xFFFFF086  }
0x25: {  	[simem:s6], [sflag:s4] =	dma.local [hbm:s3], $0xF7A  }
0x26: {  	[smem:$0x3F97] =	sst s1;
	(tag) =	ssettag s2;
	_ =	strace s9  }
0x27: {  	s1 =	sld [smem:$0x3FA7]  }
0x28: {  	s2 =	sld [smem:$0x3FA8]  }
0x29: {  	s4 =	sld [smem:$0x3FAA]  }
0x2a: {  	p0 =	seq.s32 s5, $0x0;
	s5 =	sld [smem:$0x3FAB]  }
0x2b: {  	s6 =	sld [smem:$0x3FAC]  }
0x2c: {  	s7 =	sld [smem:$0x3FAD]  }
0x2d: {  	s3 =	simm.s32 $0x108;
	s8 =	sld [smem:$0x3FAE]  }
0x2e: {  	s3 =	simm.s32 @!p0 $0x1082;
	s9 =	sld [smem:$0x3FAF]  }
0x2f: {  	lr =	sadd.s32 s0, s3;
	s0 =	sld [smem:$0x3FA6]  }
0x30: {  	s3 =	sld [smem:$0x3FA9]  }
0x31: {  	[smem:$0x3FB2] =	sst s10  }
0x32: {  	s10 =	sld [smem:$0x3FB0];
	_ =	sdelay $0x3  }
0x33: {  	p0 =	seq.s32 s10, $0x1;
	s10 =	sld [smem:$0x3FB2];
	_ =	sdelay $0x3  }
0x34: {  	[smem:$0x3FB2] =	sst s10  }
0x35: {  	s10 =	sld [smem:$0x3FB1];
	_ =	sdelay $0x3  }
0x36: {  	p1 =	seq.s32 s10, $0x1;
	s10 =	sld [smem:$0x3FB2];
	_ =	sdelay $0x3  }
0x37: {  	[smem:$0x3FB2] =	sst s10  }
0x38: {  	s10 =	sld [smem:$0x3FB3]  }
0x39: {  	_ = 	snop;
	(pc) =	sbr.ind lr, $3  }
0x3a: {  	_ = 	snop  }
0x3b: {  	_ = 	snop  }
0x3c: {  	p2 =	seq.s32 s10, $0x1;
	s10 =	sld [smem:$0x3FB2]  }
0x3d: {  	_ =	shalt  }
0x3e: {  	_ =	shalt  }
0x3f: {  	_ =	shalt  }
0x40: {  	_ =	shalt  }
0x41: {  	_ =	shalt  }
0x42: {  	_ =	shalt  }
0x43: {  	_ =	shalt  }
0x44: {  	_ =	shalt  }
0x45: {  	_ =	shalt  }
0x46: {  	_ =	shalt  }
0x47: {  	_ =	shalt  }
0x48: {  	_ =	shalt  }
0x49: {  	_ =	shalt  }
0x4a: {  	_ =	shalt  }
0x4b: {  	_ =	shalt  }
0x4c: {  	_ =	shalt  }
0x4d: {  	_ =	shalt  }
0x4e: {  	_ =	shalt  }
0x4f: {  	_ =	shalt  }
0x50: {  	_ =	shalt  }
0x51: {  	_ =	shalt  }
0x52: {  	_ =	shalt  }
0x53: {  	_ =	shalt  }
0x54: {  	_ =	shalt  }
0x55: {  	_ =	shalt  }
0x56: {  	_ =	shalt  }
0x57: {  	_ =	shalt  }
0x58: {  	_ =	shalt  }
0x59: {  	_ =	shalt  }
0x5a: {  	_ =	shalt  }
0x5b: {  	_ =	shalt  }
0x5c: {  	_ =	shalt  }
0x5d: {  	_ =	shalt  }
0x5e: {  	_ =	shalt  }
0x5f: {  	_ =	shalt  }
0x60: {  	_ =	shalt  }
0x61: {  	_ =	shalt  }
0x62: {  	_ =	shalt  }
0x63: {  	_ =	shalt  }
0x64: {  	_ =	shalt  }
0x65: {  	_ =	shalt  }
0x66: {  	_ =	shalt  }
0x67: {  	_ =	shalt  }
0x68: {  	_ =	shalt  }
0x69: {  	_ =	shalt  }
0x6a: {  	_ =	shalt  }
0x6b: {  	_ =	shalt  }
0x6c: {  	_ =	shalt  }
0x6d: {  	_ =	shalt  }
0x6e: {  	_ =	shalt  }
0x6f: {  	_ =	shalt  }
0x70: {  	_ =	shalt  }
0x71: {  	_ =	shalt  }
0x72: {  	_ =	shalt  }
0x73: {  	_ =	shalt  }
0x74: {  	_ =	shalt  }
0x75: {  	_ =	shalt  }
0x76: {  	_ =	shalt  }
0x77: {  	_ =	shalt  }
0x78: {  	_ =	shalt  }
0x79: {  	_ =	shalt  }
0x7a: {  	_ =	shalt  }
0x7b: {  	_ =	shalt  }
0x7c: {  	_ =	shalt  }
0x7d: {  	_ =	shalt  }
0x7e: {  	_ =	shalt  }
0x7f: {  	_ =	shalt  }
0x80: {  	_ =	shalt  }
0x81: {  	_ =	shalt  }
0x82: {  	_ =	shalt  }
0x83: {  	_ =	shalt  }
0x84: {  	_ =	shalt  }
0x85: {  	_ =	shalt  }
0x86: {  	_ =	shalt  }
0x87: {  	_ =	shalt  }
.Lfunc_end0:
.L_simem_size_0:
called_computation.3_lowered:
.L_overlay_start_0:
0x88: {  	s2 =	sld [smem:$0x3FD9]  }
0x89: {  	s3 =	sld [smem:$0x3FFE];
	_ =	sdelay $0x1  }
0x8a: {  	s1 =	srdreg.scid  }
0x8b: {  	s0 =	sand.u32 $0x1, s1  }
0x8c: {  	s17 =	sshll.u32 s0, $0xA;
	s2 =	sadd.s32 s3, s2  }
0x8d: {  	s2 =	sadd.s32 s2, s17  }
0x8e: {  	[smem:$0x3FBE] =	sst s2  }
0x8f: {  	_ = 	snop  }
0x90: {  	s2 =	sld [smem:$0x3FD0];
	(tm) =	ssettm $0x1  }
0x91: {  	s18 =	sld [smem:$0x3FFB];
	_ =	sdelay $0x3  }
0x92: {  	_ =	strace s18  }
0x93: {  	s3 =	sld [smem:$0x3FFC];
	_ =	sdelay $0x3  }
0x94: {  	_ =	strace s3  }
0x95: {  	s3 =	sld [smem:$0x3FFD];
	_ =	sdelay $0x3  }
0x96: {  	_ =	strace s3  }
0x97: {  	_ =	strace $0x8FFFFFFF  }
0x98: {  	s19 =	sld [smem:$0x3FDB];
	_ =	sdelay $0x1  }
0x99: {  	s4 =	simm.s32 $_scs_section_size  }
0x9a: {  	s5 =	simm.s32 $_size__tile_overlayer_lowered;
	s6 =	simm.s32 $_tile_overlayer_lowered  }
0x9b: {  	s22 =	simm.s32 $0x1BFF;
	s21 =	sshll.u32 s6, $0x1;
	s3 =	sadd.s32 s4, s19  }
0x9c: {  	s7 =	simm.s32 $0x0;
	s20 =	sshll.u32 s5, $0x1;
	s5 =	sadd.s32 s21, s3  }
0x9d: {  	[timem:s7], [sflag:s22] =	dma.local [hbm:s5], s20  }
0x9e: {  	_ =	swait.ge [sflag:s22], s20  }
0x9f: {  	s4 =	ssub.s32 $0x0, s20;
	[sflag:s22] =	ssyncset.done $0x0  }
0xa0: {  	[sflag:s22] =	ssyncadd.s32 s4;
	_ =	sdelay $0x1  }
0xa1: {  	s23 =	simm.s32 $0x1B8B  }
0xa2: {  	_ =	swait.ge [sflag:s23], $0x1  }
0xa3: {  	[sflag:s23] =	ssyncset.done $0x0  }
0xa4: {  	s25 =	simm.s32 $0x1B8E;
	s24 =	sld [smem:$0x3FFE];
	[sflag:s23] =	ssyncadd.s32 $0xFFFFFFFF  }
0xa5: {  	s26 =	simm.s32 $execute0_lowered;
	[smem:$0x3FD2] =	sst s25  }
0xa6: {  	s5 =	sshll.u32 s26, $0x1;
	_ =	strace $0x8000004F;
	[dreg:$0x1] =	wrdreg $0xFFFFFFFF  }
0xa7: {  	s28 =	simm.s32 $_size_execute0_lowered;
	s3 =	sadd.s32 s3, s5;
	[dreg:$0x0] =	wrdreg $0x0  }
0xa8: {  	s5 =	sshll.u32 s28, $0x1;
	[dreg:$0x2] =	wrdreg s3  }
0xa9: {  	[dreg:$0x3] =	wrdreg s5  }
0xaa: {  	[dreg:$0x4] =	wrdreg $0xC0  }
0xab: {  	_ =	task [dreg:s7], $0x5FFFF  }
0xac: {  	[dreg:$0x1] =	wrdreg $0xFFFFFFFF  }
0xad: {  	[dreg:$0x0] =	wrdreg $0x60  }
0xae: {  	[dreg:$0x2] =	wrdreg s24  }
0xaf: {  	[dreg:$0x3] =	wrdreg s2  }
0xb0: {  	[dreg:$0x4] =	wrdreg $0xCE400  }
0xb1: {  	[dreg:$0x5] =	wrdreg $0x9  }
0xb2: {  	_ =	task.clear_ibuf [dreg:s7], $0x6FFFF;
	_ =	strace $0x9000004F  }
0xb3: {  	s29 =	simm.s32 $0x9;
	_ =	strace $0x80000051  }
0xb4: {  	_ =	swait.ge [sflag:s29], $0x1  }
0xb5: {  	[sflag:s29] =	ssyncadd.s32 $0xFFFFFFFF  }
0xb6: {  	_ =	strace $0x90000051  }
0xb7: {  	_ =	sfence  }
0xb8: {  	s30 =	sld [smem:$0x0];
	_ =	sdelay $0x2  }
0xb9: {  	s31 =	sshll.u32 s1, $0xD;
	s1 =	sshrl.u32 s1, $0x2  }
0xba: {  	s3 =	sand.u32 $0x4000, s31;
	s1 =	sadd.s32 s1, s30  }
0xbb: {  	s0 =	sor.u32 s3, s0;
	s1 =	sshll.u32 s1, $0x11  }
0xbc: {  	s0 =	sor.u32 s1, s0  }
0xbd: {  	s0 =	sadd.s32 $0x8F2B, s0  }
0xbe: {  	[sflag:s0] =	ssyncadd.remote.s32 $0x1  }
0xbf: {  	_ =	sfence.sel $0xFFFF  }
0xc0: {  	[dreg:$0x0] =	wrdreg $0xFFFFFFFF;
	(pc) =	sbr.abs _section_cstart, $3  }
0xc1: {  	[dreg:$0x1] =	wrdreg $0xFFFFFFFF  }
0xc2: {  	_ =	task.clear_ibuf [dreg:s7], $0x2FFFF;
	_ =	strace $0x9FFFFFFF  }
0xc3: {  	(tm) =	ssettm $0x7FFFFFFF  }
tec
execute0_lowered:
.L_overlay_start_1:
0x0: {  	(tag) =	ssettag $0x1  }
0x1: {  	s0 =	rddreg [dreg:$0x0]  }
0x2: {  	s1 =	rddreg [dreg:$0x1]  }
0x3: {  	s9 =	rddreg [dreg:$0x2];
	s2 =	simm.s32 $0x0  }
0x4: {  	s10 =	stileid.u32;
	s6 =	srdreg.scid;
	s28 =	simm.s32 $0x320  }
0x5: {  	s29 =	simm.s32 $0x6720;
	s30 =	simm.s32 $0x68B0;
	s31 =	simm.s32 $0x6A40  }
0x6: {  	[smem:$0x7FF] =	sst s2;
	s11 =	smul.u32 $0x9C00, s10;
	s3 =	sadd.s32 $0xF8200, s0  }
0x7: {  	s4 =	sadd.s32 $0x34600, s0;
	s5 =	sadd.s32 $0x3600, s0;
	s14 =	sand.u32 $0x1, s6  }
0x8: {  	s15 =	sadd.s32 $0x10BC00, s0;
	s26 =	sshll.u32 s10, $0x6;
	p0 =	sne.s32 s10, $0x0  }
0x9: {  	_ =	strace $0x80000050;
	s6 =	ssub.s32 $0x2, s14;
	s17 =	smul.u32 $0x138800, s14  }
0xa: {  	s8 =	sshll.u32 s14, $0x4;
	s18 =	smul.u32 $0x27100, s14;
	s7 =	sshrl.u32 s11, $0x3  }
0xb: {  	s12 =	sshrl.u32 s6, $0x1;
	s8 =	sor.u32 s10, s8;
	s7 =	sadd.s32 s7, s0  }
0xc: {  	s16 =	ssub.s32 s6, s12;
	s25 =	smul.u32 $0x2710, s8;
	s6 =	sadd.s32 s11, s9  }
0xd: {  	s8 =	sor.u32 $0x1C03, s26;
	s9 =	sadd.s32 $0x9C000, s9;
	s0 =	sadd.s32 $0x5B800, s0  }
0xe: {  	s11 =	sadd.s32 s11, s17;
	s17 =	sshrl.u32 s17, $0x3;
	[dreg:$0x4] =	wrdreg s9  }
0xf: {  	[dreg:$0x5] =	wrdreg s0;
	s21 =	sadd.s32 s15, s17;
	s26 =	smax.u32 s16, $0x1  }
0x10: {  	s20 =	sshrl.u32 s11, $0x3;
	s23 =	sadd.s32 $0x13800, s21;
	[dreg:$0xe] =	wrdreg s26  }
0x11: {  	s7 =	sadd.s32 $0x48000, s7;
	s22 =	sadd.s32 s15, s20;
	[dreg:$0xb] =	wrdreg s23  }
0x12: {  	s0 =	sshrl.u32 s25, $0x3;
	s11 =	sadd.s32 $0x27080, s21;
	[dreg:$0xa] =	wrdreg s22  }
0x13: {  	s16 =	simm.s32 $0x0;
	s12 =	sadd.s32 s5, s0;
	[dreg:$0xd] =	wrdreg s11  }
0x14: {  	s13 =	sadd.s32 $0x32, s0;
	[dreg:$0x6] =	wrdreg s12;
	s12 =	sadd.s32 s1, s0  }
0x15: {  	s26 =	simm.s32 $0x190;
	s19 =	sadd.s32 s5, s13;
	[dreg:$0x7] =	wrdreg s12  }
0x16: {  	s9 =	sadd.s32 s1, s13;
	[dreg:$0x8] =	wrdreg s19;
	s19 =	smul.u32 $0x2710, s10  }
0x17: {  	s0 =	sadd.s32 $0x4B0, s0;
	[dreg:$0x9] =	wrdreg s9;
	s12 =	sadd.s32 $0x13880, s22  }
0x18: {  	s20 =	sadd.s32 s5, s0;
	s21 =	sadd.s32 s1, s0;
	s24 =	sadd.s32 s19, s18  }
0x19: {  	s0 =	simm.s32 $0x1;
	s9 =	simm.s32 $0x2;
	s25 =	sadd.s32 $0x4B0, s24  }
0x1a: {  	[dreg:$0xc] =	wrdreg s12;
	s24 =	sadd.s32 $0x320, s24;
	s11 =	sshrl.u32 s25, $0x3  }
0x1b: {  	s25 =	simm.s32 $0x3;
	s22 =	sadd.s32 s11, s1;
	s23 =	sadd.s32 s11, s5  }
.LBB2_1:
0x1c: {  	s17 =	sshrl.u32 s6, $0x3  }
0x1d: {  	[spmem:s17], [sflag:s8] =	dma.local [hbm:s7], $0x1380  }
0x1e: {  	_ =	swait.ge [sflag:s25], $0x1380  }
0x1f: {  	[sflag:s25] =	ssyncset.done $0x0;
	s10 =	rddreg [dreg:$0x4]  }
0x20: {  	[sflag:s25] =	ssyncadd.s32 $0xFFFFEC80;
	s18 =	sshrl.u32 @!p0 s10, $0x3;
	s10 =	rddreg [dreg:$0x5]  }
0x21: {  	[spmem:s18], [sflag:s8] =	dma.local @!p0 [hbm:s10], $0x80  }
0x22: {  	s10 =	simm.s32 @!p0 $0x3  }
0x23: {  	_ =	swait.ge @!p0 [sflag:s10], $0x80  }
0x24: {  	[sflag:s10] =	ssyncset.done @!p0 $0x0  }
0x25: {  	[sflag:s10] =	ssyncadd.s32 @!p0 $0xFFFFFF80  }
0x26: {  	[bflag:$0x0] =	sbarrier.arrive $0xFFFF  }
0x27: {  	s14 =	rddreg [dreg:$0x6]  }
0x28: {  	[tilespmem:s2], [sflag:$0x3] =	stream.linear.gather [hbm4b:s14+s2], $0x190, $0x38;
	[tilespmem:$0x16A80] =	vst v63  }
0x29: {  	_ =	swait.ge [sflag:s25], $0x190  }
0x2a: {  	[sflag:s25] =	ssyncset.done $0x0  }
0x2b: {  	s15 =	rddreg [dreg:$0x7];
	[sflag:s25] =	ssyncadd.s32 $0xFFFFFE70  }
0x2c: {  	[tilespmem:s26], [sflag:$0x3] =	stream.linear.gather [hbm4b:s15+s2], $0x190, $0x38;
	[tilespmem:$0x16A80] =	vst v63  }
0x2d: {  	_ =	swait.ge [sflag:s25], $0x190  }
0x2e: {  	[sflag:s25] =	ssyncset.done $0x0  }
0x2f: {  	[sflag:s25] =	ssyncadd.s32 $0xFFFFFE70  }
0x30: {  	[tilespmem:s28], [sflag:$0x1] =	stream.indirect.gather [hbm4b:s3+s26], $0x40, s2, s26, $0xb8;
	[tilespmem:$0x16A80] =	vst v63  }
0x31: {  	s19 =	rddreg [dreg:$0x8]  }
0x32: {  	[tilespmem:s29], [sflag:$0x3] =	stream.linear.gather [hbm4b:s19+s2], $0x190, $0x38;
	[tilespmem:$0x16A80] =	vst v63  }
0x33: {  	_ =	swait.ge [sflag:s25], $0x190  }
0x34: {  	[sflag:s25] =	ssyncset.done $0x0  }
0x35: {  	s11 =	rddreg [dreg:$0x9];
	[sflag:s25] =	ssyncadd.s32 $0xFFFFFE70  }
0x36: {  	[tilespmem:s30], [sflag:$0x3] =	stream.linear.gather [hbm4b:s11+s2], $0x190, $0x38;
	[tilespmem:$0x16A80] =	vst v63  }
0x37: {  	_ =	swait.ge [sflag:s25], $0x190  }
0x38: {  	[sflag:s25] =	ssyncset.done $0x0  }
0x39: {  	[sflag:s25] =	ssyncadd.s32 $0xFFFFFE70  }
0x3a: {  	[tilespmem:s31], [sflag:$0x2] =	stream.indirect.gather [hbm4b:s3+s26], $0x40, s29, s26, $0xb8;
	[tilespmem:$0x16A80] =	vst v63  }
0x3b: {  	_ =	swait.ge [sflag:s0], $0x6400  }
0x3c: {  	[sflag:s0] =	ssyncset.done $0x0  }
0x3d: {  	[sflag:s0] =	ssyncadd.s32 $0xFFFF9C00  }
0x3e: {  	_ =	swait.ge [sflag:s9], $0x6400  }
0x3f: {  	s12 =	sshrl.u32 s24, $0x3;
	[sflag:s9] =	ssyncset.done $0x0  }
0x40: {  	s19 =	sadd.s32 s5, s12;
	[sflag:s9] =	ssyncadd.s32 $0xFFFF9C00  }
0x41: {  	[tilespmem:s2], [sflag:$0x3] =	stream.linear.gather [hbm4b:s19+s2], $0x190, $0x38;
	[tilespmem:$0x16A80] =	vst v63  }
0x42: {  	_ =	swait.ge [sflag:s25], $0x190  }
0x43: {  	[sflag:s25] =	ssyncset.done $0x0  }
0x44: {  	s15 =	sadd.s32 s1, s12;
	[sflag:s25] =	ssyncadd.s32 $0xFFFFFE70  }
0x45: {  	[tilespmem:s26], [sflag:$0x3] =	stream.linear.gather [hbm4b:s15+s2], $0x190, $0x38;
	[tilespmem:$0x16A80] =	vst v63  }
0x46: {  	_ =	swait.ge [sflag:s25], $0x190  }
0x47: {  	[sflag:s25] =	ssyncset.done $0x0  }
0x48: {  	[sflag:s25] =	ssyncadd.s32 $0xFFFFFE70  }
0x49: {  	[tilespmem:s28], [sflag:$0x1] =	stream.indirect.gather [hbm4b:s3+s26], $0x40, s2, s26, $0xb8;
	[tilespmem:$0x16A80] =	vst v63  }
0x4a: {  	_ =	swait.ge [sflag:s0], $0x6400  }
0x4b: {  	[sflag:s0] =	ssyncset.done $0x0  }
0x4c: {  	s13 =	sadd.s32 $0x0, s23;
	[sflag:s0] =	ssyncadd.s32 $0xFFFF9C00  }
0x4d: {  	[tilespmem:s29], [sflag:$0x3] =	stream.linear.gather [hbm4b:s13+s2], $0x190, $0x38;
	[tilespmem:$0x16A80] =	vst v63  }
0x4e: {  	_ =	swait.ge [sflag:s25], $0x190  }
0x4f: {  	[sflag:s25] =	ssyncset.done $0x0  }
0x50: {  	s14 =	sadd.s32 $0x0, s22;
	[sflag:s25] =	ssyncadd.s32 $0xFFFFFE70  }
0x51: {  	[tilespmem:s30], [sflag:$0x3] =	stream.linear.gather [hbm4b:s14+s2], $0x190, $0x38;
	[tilespmem:$0x16A80] =	vst v63  }
0x52: {  	_ =	swait.ge [sflag:s25], $0x190  }
0x53: {  	[sflag:s25] =	ssyncset.done $0x0  }
0x54: {  	s10 =	simm.s32 $0x64;
	s11 =	sadd.s32 $0x320, s24;
	[sflag:s25] =	ssyncadd.s32 $0xFFFFFE70  }
.LBB2_2:
0x55: {  	[tilespmem:s31], [sflag:$0x2] =	stream.indirect.gather [hbm4b:s3+s26], $0x40, s29, s26, $0xb8;
	[tilespmem:$0x16A80] =	vst v63  }
0x56: {  	s12 =	smov.u32 s10  }
0x57: {  	p1 =	sne.s32 s10, $0x3E8;
	s10 =	sadd.s32 $0x64, s10;
	_ =	swait.ge [sflag:s9], $0x6400  }
0x58: {  	s13 =	sshrl.u32 s11, $0x3;
	[sflag:s9] =	ssyncset.done $0x0  }
0x59: {  	s14 =	sadd.s32 s5, s13;
	[sflag:s9] =	ssyncadd.s32 $0xFFFF9C00  }
0x5a: {  	[tilespmem:s2], [sflag:$0x3] =	stream.linear.gather [hbm4b:s14+s2], $0x190, $0x38;
	[tilespmem:$0x16A80] =	vst v63  }
0x5b: {  	_ =	swait.ge [sflag:s25], $0x190  }
0x5c: {  	[sflag:s25] =	ssyncset.done $0x0  }
0x5d: {  	s13 =	sadd.s32 s1, s13;
	[sflag:s25] =	ssyncadd.s32 $0xFFFFFE70  }
0x5e: {  	[tilespmem:s26], [sflag:$0x3] =	stream.linear.gather [hbm4b:s13+s2], $0x190, $0x38;
	[tilespmem:$0x16A80] =	vst v63  }
0x5f: {  	_ =	swait.ge [sflag:s25], $0x190  }
0x60: {  	[sflag:s25] =	ssyncset.done $0x0  }
0x61: {  	[sflag:s25] =	ssyncadd.s32 $0xFFFFFE70  }
0x62: {  	[tilespmem:s28], [sflag:$0x1] =	stream.indirect.gather [hbm4b:s3+s26], $0x40, s2, s26, $0xb8;
	[tilespmem:$0x16A80] =	vst v63  }
0x63: {  	_ =	swait.ge [sflag:s0], $0x6400  }
0x64: {  	[sflag:s0] =	ssyncset.done $0x0  }
0x65: {  	s13 =	sadd.s32 s12, s23;
	[sflag:s0] =	ssyncadd.s32 $0xFFFF9C00  }
0x66: {  	[tilespmem:s29], [sflag:$0x3] =	stream.linear.gather [hbm4b:s13+s2], $0x190, $0x38;
	[tilespmem:$0x16A80] =	vst v63  }
0x67: {  	_ =	swait.ge [sflag:s25], $0x190  }
0x68: {  	[sflag:s25] =	ssyncset.done $0x0  }
.Ltmp0:
0x69: {  	s12 =	sadd.s32 s12, s22;
	[sflag:s25] =	ssyncadd.s32 $0xFFFFFE70;
	(pc) =	sbr.rel @p1 .LBB2_2-.Ltmp0, $4  }
0x6a: {  	[tilespmem:s30], [sflag:$0x3] =	stream.linear.gather [hbm4b:s12+s2], $0x190, $0x38;
	[tilespmem:$0x16A80] =	vst v63  }
0x6b: {  	_ =	swait.ge [sflag:s25], $0x190  }
0x6c: {  	[sflag:s25] =	ssyncset.done $0x0  }
0x6d: {  	s11 =	sadd.s32 $0x320, s11;
	[sflag:s25] =	ssyncadd.s32 $0xFFFFFE70  }
0x6e: {  	[tilespmem:s31], [sflag:$0x2] =	stream.indirect.gather [hbm4b:s3+s26], $0x40, s29, s26, $0xb8;
	[tilespmem:$0x16A80] =	vst v63  }
0x6f: {  	_ =	swait.ge [sflag:s9], $0x6400  }
0x70: {  	[sflag:s9] =	ssyncset.done $0x0  }
0x71: {  	[sflag:s9] =	ssyncadd.s32 $0xFFFF9C00  }
0x72: {  	[tilespmem:s2], [sflag:$0x3] =	stream.linear.gather [hbm4b:s20+s2], $0x190, $0x38;
	[tilespmem:$0x16A80] =	vst v63  }
0x73: {  	_ =	swait.ge [sflag:s25], $0x190  }
0x74: {  	[sflag:s25] =	ssyncset.done $0x0  }
0x75: {  	[sflag:s25] =	ssyncadd.s32 $0xFFFFFE70  }
0x76: {  	[tilespmem:s26], [sflag:$0x3] =	stream.linear.gather [hbm4b:s21+s2], $0x190, $0x38;
	[tilespmem:$0x16A80] =	vst v63  }
0x77: {  	_ =	swait.ge [sflag:s25], $0x190  }
0x78: {  	[sflag:s25] =	ssyncset.done $0x0  }
0x79: {  	[sflag:s25] =	ssyncadd.s32 $0xFFFFFE70  }
0x7a: {  	[tilespmem:s28], [sflag:$0x1] =	stream.indirect.gather [hbm4b:s3+s26], $0x40, s2, s26, $0xb8;
	[tilespmem:$0x16A80] =	vst v63  }
0x7b: {  	_ =	swait.ge [sflag:s0], $0x6400  }
0x7c: {  	[sflag:s0] =	ssyncset.done $0x0  }
0x7d: {  	[sflag:s0] =	ssyncadd.s32 $0xFFFF9C00  }
0x7e: {  	[bflag:$0x0] =	sbarrier.arrive $0xFFFF  }
0x7f: {  	s10 =	rddreg [dreg:$0xa]  }
0x80: {  	[hbm:s10], [sflag:s8] =	dma.local [spmem:s17], $0x1380  }
0x81: {  	_ =	swait.ge [sflag:s25], $0x1380  }
0x82: {  	[sflag:s25] =	ssyncset.done $0x0  }
0x83: {  	[sflag:s25] =	ssyncadd.s32 $0xFFFFEC80  }
0x84: {  	s10 =	sshrl.u32 @p0 s6, $0x3;
	[bflag:$0x0] =	sbarrier.arrive @p0 $0xFFFF  }
0x85: {  	[spmem:s10], [sflag:s8] =	dma.local @p0 [hbm:s7], $0x1380  }
0x86: {  	s10 =	simm.s32 @p0 $0x3  }
0x87: {  	_ =	swait.ge @p0 [sflag:s10], $0x1380  }
0x88: {  	[sflag:s10] =	ssyncset.done @p0 $0x0  }
0x89: {  	[sflag:s10] =	ssyncadd.s32 @p0 $0xFFFFEC80;
	s10 =	rddreg [dreg:$0xb]  }
0x8a: {  	[hbm:s10], [sflag:s8] =	dma.local @!p0 [spmem:s18], $0x80  }
0x8b: {  	s10 =	simm.s32 @!p0 $0x3  }
0x8c: {  	_ =	swait.ge @!p0 [sflag:s10], $0x80  }
0x8d: {  	[sflag:s10] =	ssyncset.done @!p0 $0x0  }
0x8e: {  	[sflag:s10] =	ssyncadd.s32 @!p0 $0xFFFFFF80  }
0x8f: {  	s11 =	sshrl.u32 @!p0 s6, $0x3;
	[bflag:$0x0] =	sbarrier.arrive @!p0 $0xFFFF  }
0x90: {  	[spmem:s11], [sflag:s8] =	dma.local @!p0 [hbm:s7], $0x1380  }
0x91: {  	_ =	swait.ge @!p0 [sflag:s10], $0x1380  }
0x92: {  	[sflag:s10] =	ssyncset.done @!p0 $0x0  }
0x93: {  	s11 =	rddreg [dreg:$0x5];
	[sflag:s10] =	ssyncadd.s32 @!p0 $0xFFFFEC80  }
0x94: {  	[spmem:s18], [sflag:s8] =	dma.local @!p0 [hbm:s11], $0x80  }
0x95: {  	_ =	swait.ge @!p0 [sflag:s10], $0x80  }
0x96: {  	[sflag:s10] =	ssyncset.done @!p0 $0x0  }
0x97: {  	[sflag:s10] =	ssyncadd.s32 @!p0 $0xFFFFFF80  }
0x98: {  	[bflag:$0x0] =	sbarrier.arrive $0xFFFF  }
0x99: {  	s10 =	simm.s32 $0x0;
	s14 =	rddreg [dreg:$0x6]  }
0x9a: {  	[tilespmem:s10], [sflag:$0x3] =	stream.linear.gather [hbm4b:s14+s10], $0x190, $0x38;
	[tilespmem:$0x16A80] =	vst v63  }
0x9b: {  	_ =	swait.ge [sflag:s25], $0x190  }
0x9c: {  	[sflag:s25] =	ssyncset.done $0x0  }
0x9d: {  	s12 =	rddreg [dreg:$0x7];
	[sflag:s25] =	ssyncadd.s32 $0xFFFFFE70  }
0x9e: {  	[tilespmem:s26], [sflag:$0x3] =	stream.linear.gather [hbm4b:s12+s10], $0x190, $0x38;
	[tilespmem:$0x16A80] =	vst v63  }
0x9f: {  	_ =	swait.ge [sflag:s25], $0x190  }
0xa0: {  	[sflag:s25] =	ssyncset.done $0x0  }
0xa1: {  	[sflag:s25] =	ssyncadd.s32 $0xFFFFFE70  }
0xa2: {  	[tilespmem:s28], [sflag:$0x1] =	stream.indirect.gather [hbm4b:s4+s26], $0x40, s10, s26, $0xb8;
	[tilespmem:$0x16A80] =	vst v63  }
0xa3: {  	s13 =	rddreg [dreg:$0x8]  }
0xa4: {  	[tilespmem:s29], [sflag:$0x3] =	stream.linear.gather [hbm4b:s13+s10], $0x190, $0x38;
	[tilespmem:$0x16A80] =	vst v63  }
0xa5: {  	_ =	swait.ge [sflag:s25], $0x190  }
0xa6: {  	[sflag:s25] =	ssyncset.done $0x0  }
0xa7: {  	s14 =	rddreg [dreg:$0x9];
	[sflag:s25] =	ssyncadd.s32 $0xFFFFFE70  }
0xa8: {  	[tilespmem:s30], [sflag:$0x3] =	stream.linear.gather [hbm4b:s14+s10], $0x190, $0x38;
	[tilespmem:$0x16A80] =	vst v63  }
0xa9: {  	_ =	swait.ge [sflag:s25], $0x190  }
0xaa: {  	[sflag:s25] =	ssyncset.done $0x0  }
0xab: {  	[sflag:s25] =	ssyncadd.s32 $0xFFFFFE70  }
0xac: {  	[tilespmem:s31], [sflag:$0x2] =	stream.indirect.gather [hbm4b:s4+s26], $0x40, s29, s26, $0xb8;
	[tilespmem:$0x16A80] =	vst v63  }
0xad: {  	_ =	swait.ge [sflag:s0], $0x6400  }
0xae: {  	[sflag:s0] =	ssyncset.done $0x0  }
0xaf: {  	[sflag:s0] =	ssyncadd.s32 $0xFFFF9C00  }
0xb0: {  	_ =	swait.ge [sflag:s9], $0x6400  }
0xb1: {  	[sflag:s9] =	ssyncset.done $0x0  }
0xb2: {  	[sflag:s9] =	ssyncadd.s32 $0xFFFF9C00  }
0xb3: {  	[tilespmem:s2], [sflag:$0x3] =	stream.linear.gather [hbm4b:s19+s2], $0x190, $0x38;
	[tilespmem:$0x16A80] =	vst v63  }
0xb4: {  	_ =	swait.ge [sflag:s25], $0x190  }
0xb5: {  	[sflag:s25] =	ssyncset.done $0x0  }
0xb6: {  	[sflag:s25] =	ssyncadd.s32 $0xFFFFFE70  }
0xb7: {  	[tilespmem:s26], [sflag:$0x3] =	stream.linear.gather [hbm4b:s15+s2], $0x190, $0x38;
	[tilespmem:$0x16A80] =	vst v63  }
0xb8: {  	_ =	swait.ge [sflag:s25], $0x190  }
0xb9: {  	[sflag:s25] =	ssyncset.done $0x0  }
0xba: {  	[sflag:s25] =	ssyncadd.s32 $0xFFFFFE70  }
0xbb: {  	[tilespmem:s28], [sflag:$0x1] =	stream.indirect.gather [hbm4b:s4+s26], $0x40, s2, s26, $0xb8;
	[tilespmem:$0x16A80] =	vst v63  }
0xbc: {  	_ =	swait.ge [sflag:s0], $0x6400  }
0xbd: {  	[sflag:s0] =	ssyncset.done $0x0  }
0xbe: {  	s15 =	sadd.s32 $0x0, s23;
	[sflag:s0] =	ssyncadd.s32 $0xFFFF9C00  }
0xbf: {  	[tilespmem:s29], [sflag:$0x3] =	stream.linear.gather [hbm4b:s15+s2], $0x190, $0x38;
	[tilespmem:$0x16A80] =	vst v63  }
0xc0: {  	_ =	swait.ge [sflag:s25], $0x190  }
0xc1: {  	[sflag:s25] =	ssyncset.done $0x0  }
0xc2: {  	s19 =	sadd.s32 $0x0, s22;
	[sflag:s25] =	ssyncadd.s32 $0xFFFFFE70  }
0xc3: {  	[tilespmem:s30], [sflag:$0x3] =	stream.linear.gather [hbm4b:s19+s2], $0x190, $0x38;
	[tilespmem:$0x16A80] =	vst v63  }
0xc4: {  	_ =	swait.ge [sflag:s25], $0x190  }
0xc5: {  	[sflag:s25] =	ssyncset.done $0x0  }
0xc6: {  	s11 =	sadd.s32 $0x320, s24;
	s10 =	simm.s32 $0x64;
	[sflag:s25] =	ssyncadd.s32 $0xFFFFFE70  }
.LBB2_4:
0xc7: {  	[tilespmem:s31], [sflag:$0x2] =	stream.indirect.gather [hbm4b:s4+s26], $0x40, s29, s26, $0xb8;
	[tilespmem:$0x16A80] =	vst v63  }
0xc8: {  	s12 =	smov.u32 s10  }
0xc9: {  	p1 =	sne.s32 s10, $0x3E8;
	s10 =	sadd.s32 $0x64, s10;
	_ =	swait.ge [sflag:s9], $0x6400  }
0xca: {  	s13 =	sshrl.u32 s11, $0x3;
	[sflag:s9] =	ssyncset.done $0x0  }
0xcb: {  	s14 =	sadd.s32 s5, s13;
	[sflag:s9] =	ssyncadd.s32 $0xFFFF9C00  }
0xcc: {  	[tilespmem:s2], [sflag:$0x3] =	stream.linear.gather [hbm4b:s14+s2], $0x190, $0x38;
	[tilespmem:$0x16A80] =	vst v63  }
0xcd: {  	_ =	swait.ge [sflag:s25], $0x190  }
0xce: {  	[sflag:s25] =	ssyncset.done $0x0  }
0xcf: {  	s13 =	sadd.s32 s1, s13;
	[sflag:s25] =	ssyncadd.s32 $0xFFFFFE70  }
0xd0: {  	[tilespmem:s26], [sflag:$0x3] =	stream.linear.gather [hbm4b:s13+s2], $0x190, $0x38;
	[tilespmem:$0x16A80] =	vst v63  }
0xd1: {  	_ =	swait.ge [sflag:s25], $0x190  }
0xd2: {  	[sflag:s25] =	ssyncset.done $0x0  }
0xd3: {  	[sflag:s25] =	ssyncadd.s32 $0xFFFFFE70  }
0xd4: {  	[tilespmem:s28], [sflag:$0x1] =	stream.indirect.gather [hbm4b:s4+s26], $0x40, s2, s26, $0xb8;
	[tilespmem:$0x16A80] =	vst v63  }
0xd5: {  	_ =	swait.ge [sflag:s0], $0x6400  }
0xd6: {  	[sflag:s0] =	ssyncset.done $0x0  }
0xd7: {  	s13 =	sadd.s32 s12, s23;
	[sflag:s0] =	ssyncadd.s32 $0xFFFF9C00  }
0xd8: {  	[tilespmem:s29], [sflag:$0x3] =	stream.linear.gather [hbm4b:s13+s2], $0x190, $0x38;
	[tilespmem:$0x16A80] =	vst v63  }
0xd9: {  	_ =	swait.ge [sflag:s25], $0x190  }
0xda: {  	[sflag:s25] =	ssyncset.done $0x0  }
.Ltmp1:
0xdb: {  	s12 =	sadd.s32 s12, s22;
	[sflag:s25] =	ssyncadd.s32 $0xFFFFFE70;
	(pc) =	sbr.rel @p1 .LBB2_4-.Ltmp1, $4  }
0xdc: {  	[tilespmem:s30], [sflag:$0x3] =	stream.linear.gather [hbm4b:s12+s2], $0x190, $0x38;
	[tilespmem:$0x16A80] =	vst v63  }
0xdd: {  	_ =	swait.ge [sflag:s25], $0x190  }
0xde: {  	[sflag:s25] =	ssyncset.done $0x0  }
0xdf: {  	s11 =	sadd.s32 $0x320, s11;
	[sflag:s25] =	ssyncadd.s32 $0xFFFFFE70  }
0xe0: {  	[tilespmem:s31], [sflag:$0x2] =	stream.indirect.gather [hbm4b:s4+s26], $0x40, s29, s26, $0xb8;
	[tilespmem:$0x16A80] =	vst v63  }
0xe1: {  	_ =	swait.ge [sflag:s9], $0x6400  }
0xe2: {  	[sflag:s9] =	ssyncset.done $0x0  }
0xe3: {  	[sflag:s9] =	ssyncadd.s32 $0xFFFF9C00  }
0xe4: {  	[tilespmem:s2], [sflag:$0x3] =	stream.linear.gather [hbm4b:s20+s2], $0x190, $0x38;
	[tilespmem:$0x16A80] =	vst v63  }
0xe5: {  	_ =	swait.ge [sflag:s25], $0x190  }
0xe6: {  	[sflag:s25] =	ssyncset.done $0x0  }
0xe7: {  	[sflag:s25] =	ssyncadd.s32 $0xFFFFFE70  }
0xe8: {  	[tilespmem:s26], [sflag:$0x3] =	stream.linear.gather [hbm4b:s21+s2], $0x190, $0x38;
	[tilespmem:$0x16A80] =	vst v63  }
0xe9: {  	_ =	swait.ge [sflag:s25], $0x190  }
0xea: {  	[sflag:s25] =	ssyncset.done $0x0  }
0xeb: {  	[sflag:s25] =	ssyncadd.s32 $0xFFFFFE70  }
0xec: {  	[tilespmem:s28], [sflag:$0x1] =	stream.indirect.gather [hbm4b:s4+s26], $0x40, s2, s26, $0xb8;
	[tilespmem:$0x16A80] =	vst v63  }
0xed: {  	_ =	swait.ge [sflag:s0], $0x6400  }
0xee: {  	[sflag:s0] =	ssyncset.done $0x0  }
0xef: {  	[sflag:s0] =	ssyncadd.s32 $0xFFFF9C00  }
0xf0: {  	[bflag:$0x0] =	sbarrier.arrive $0xFFFF  }
0xf1: {  	s10 =	rddreg [dreg:$0xc]  }
0xf2: {  	[hbm:s10], [sflag:s8] =	dma.local [spmem:s17], $0x1380  }
0xf3: {  	_ =	swait.ge [sflag:s25], $0x1380  }
0xf4: {  	[sflag:s25] =	ssyncset.done $0x0  }
0xf5: {  	s10 =	rddreg [dreg:$0xd];
	[sflag:s25] =	ssyncadd.s32 $0xFFFFEC80  }
0xf6: {  	[hbm:s10], [sflag:s8] =	dma.local @!p0 [spmem:s18], $0x80  }
0xf7: {  	s10 =	simm.s32 @!p0 $0x3  }
0xf8: {  	_ =	swait.ge @!p0 [sflag:s10], $0x80  }
0xf9: {  	s16 =	sadd.s32 $0x1, s16;
	s11 =	rddreg [dreg:$0xe]  }
0xfa: {  	p1 =	sne.s32 s16, s11  }
.Ltmp2:
0xfb: {  	_ = 	snop;
	(pc) =	sbr.rel @p1 .LBB2_1-.Ltmp2, $3  }
0xfc: {  	_ =	sdelay $0x1  }
0xfd: {  	[sflag:s10] =	ssyncset.done @!p0 $0x0  }
0xfe: {  	[sflag:s10] =	ssyncadd.s32 @!p0 $0xFFFFFF80  }
0xff: {  	_ =	sfence.sel $0x180000  }
0x100: {  	[bflag:$0x0] =	sbarrier.arrive $0xFFFF  }
0x101: {  	_ =	strace $0x90000050  }
0x102: {  	[bflag:$0x2] =	sbarrier.arrive $0xFFFF  }
0x103: {  	s0 =	rddreg [dreg:$0x3]  }
0x104: {  	s0 =	sadd.s32 @!p0 $0x100000, s0  }
0x105: {  	[sflag:s0] =	ssyncadd.tile.s32 @!p0 $0x1;
	_ =	shalt  }
.Lfunc_end2:
_tile_overlayer_lowered:
.L_overlay_start_2:
0x106: {  	(tag) =	ssettag $0x2  }
0x107: {  	s0 =	rddreg [dreg:$0x0];
	s2 =	stileid.u32  }
0x108: {  	s1 =	rddreg [dreg:$0x1];
	p0 =	sne.s32 s2, $0x0  }
0x109: {  	s3 =	rddreg [dreg:$0x2];
	[bflag:$0x3] =	sbarrier.arrive $0xFFFF;
	s2 =	simm.s32 @!p0 $0x1C03  }
0x10a: {  	[timem:s3], [sflag:s2] =	dma.local @!p0 [hbm:s0], s1  }
0x10b: {  	s0 =	simm.s32 @!p0 $0x3  }
0x10c: {  	_ =	swait.ge @!p0 [sflag:s0], s1  }
0x10d: {  	s1 =	ssub.s32 @!p0 $0x0, s1;
	[sflag:s0] =	ssyncset.done @!p0 $0x0  }
0x10e: {  	[sflag:s0] =	ssyncadd.s32 @!p0 s1  }
0x10f: {  	[bflag:$0x3] =	sbarrier.arrive $0xFFFF  }
0x110: {  	_ =	shalt  }

</sc_bundles>
